<compile_context>
chip_gen: v7x
topology: tpu7x:2x2x1
jax: 0.10.2.dev20260603
libtpu: 0.0.44.dev20260713+nightly
codegen_flags: <defaults>
</compile_context>

<pallas_src>
import functools
import math

import jax
import jax.numpy as jnp
from jax import lax
from jax.experimental import pallas as pl
from jax.experimental.pallas import tpu as pltpu
from jax.experimental.pallas import tpu_sc as plsc

_SIZE = 16384
_SMOOTH = 0.1
_CONF = 0.9
_S = _SMOOTH / (_SIZE - 2)


def _ls_kernel(ts_ref, t_ref, x_ref, o_ref, *, n_blocks):
    i = pl.program_id(0)
    xb = x_ref[...]
    tcol = t_ref[0]
    br = xb.shape[0]
    rowsum = jnp.sum(xb, axis=1, keepdims=True)
    x0 = xb[:, 0:1]
    k_const = _SMOOTH * jnp.log(_S) + _CONF * jnp.log(_CONF)
    del k_const
    contrib = jnp.where(tcol != 0, -_S * rowsum + _S * x0, 0.0)

    lane = jax.lax.broadcasted_iota(jnp.int32, (1, 128), 1)
    acc = jnp.zeros((1, 128), jnp.float32)
    for r in range(br):
        t = ts_ref[0, r, 0]
        v = x_ref[pl.ds(r, 1), pl.ds((t >> 7) * 128, 128)]
        acc += jnp.where((lane == (t & 127)) & (t != 0), v, 0.0)

    total = (jnp.sum(contrib) + (_S - _CONF) * jnp.sum(acc)).reshape(1, 1)

    @pl.when(i == 0)
    def _():
        o_ref[...] = jnp.zeros_like(o_ref)

    o_ref[...] += total


def _sc_kconst(t_hbm, out_hbm, idx_v, acc_v, *, bpw, lanes, ncores):
    wid = lax.axis_index("s") * ncores + lax.axis_index("c")
    base = wid * bpw
    k_const = _SMOOTH * math.log(_S) + _CONF * math.log(_CONF)
    pltpu.sync_copy(t_hbm.at[pl.ds(base, bpw)], idx_v)
    acc = jnp.zeros((lanes,), jnp.float32)
    for k in range(bpw // lanes):
        t16 = idx_v[pl.ds(k * lanes, lanes)]
        acc = acc + jnp.where(t16 != 0, k_const, 0.0)
    acc_v[...] = acc
    pltpu.sync_copy(acc_v, out_hbm.at[pl.ds(wid * lanes, lanes)])


def _kconst_partials(target):
    import functools as _ft
    info = plsc.get_sparse_core_info()
    nc, ns, lanes = info.num_cores, info.num_subcores, info.num_lanes
    nw = nc * ns
    bpw = target.shape[0] // nw
    mesh = plsc.VectorSubcoreMesh(core_axis_name="c", subcore_axis_name="s")
    return pl.kernel(
        _ft.partial(_sc_kconst, bpw=bpw, lanes=lanes, ncores=nc),
        out_type=jax.ShapeDtypeStruct((nw * lanes,), jnp.float32),
        mesh=mesh,
        scratch_types=[
            pltpu.VMEM((bpw,), jnp.int32),
            pltpu.VMEM((lanes,), jnp.float32),
        ],
    )(target)


def kernel(x, target):
    n, c = x.shape
    br = 128
    n_blocks = n // br
    tr = target.reshape(n_blocks, br, 1)
    out = pl.pallas_call(
        functools.partial(_ls_kernel, n_blocks=n_blocks),
        grid=(n_blocks,),
        in_specs=[
            pl.BlockSpec((1, br, 1), lambda i: (i, 0, 0),
                         memory_space=pltpu.SMEM),
            pl.BlockSpec((1, br, 1), lambda i: (i, 0, 0)),
            pl.BlockSpec((br, c), lambda i: (i, 0)),
        ],
        out_specs=pl.BlockSpec((1, 1), lambda i: (0, 0)),
        out_shape=jax.ShapeDtypeStruct((1, 1), jnp.float32),
    )(tr, tr, x)
    kpart = _kconst_partials(target)
    return out[0, 0] + jnp.sum(kpart)

# --- scband reference (transcript-rebuilt; emitter-appended) ---
"""Pipeline reference for scband-label-smoothing-85899346066 (READ-ONLY COPY).

The authoritative reference and input builder live on the scoring server;
editing this copy changes nothing except your own understanding.
"""

import jax, jax.numpy as jnp
import numpy as np

SIZE = 16384
PADDING_IDX = 0
SMOOTHING = 0.1
CONFIDENCE = 1.0 - SMOOTHING


def setup_inputs(seed: int = 0) -> dict:
    key = jax.random.key(seed)
    k1, k2 = jax.random.split(key)
    N = 4096
    # x plays the role of log-probabilities fed to KLDivLoss
    x = jax.random.normal(k1, (N, SIZE), dtype=jnp.float32)
    target = jax.random.randint(k2, (N,), 0, SIZE, dtype=jnp.int64 if jax.config.read('jax_enable_x64') else jnp.int32).astype(jnp.int32)
    return {"x": x, "target": target}


def reference(x, target):
    N = x.shape[0]
    # true_dist = smoothing / (size - 2) everywhere
    true_dist = jnp.full(x.shape, SMOOTHING / (SIZE - 2), dtype=x.dtype)
    # scatter confidence at the target index of each row
    true_dist = true_dist.at[jnp.arange(N), target].set(CONFIDENCE)
    # zero the padding column
    true_dist = true_dist.at[:, PADDING_IDX].set(0.0)
    # zero rows whose target is the padding index
    pad_mask = (target == PADDING_IDX)
    true_dist = jnp.where(pad_mask[:, None], 0.0, true_dist)
    # KLDivLoss(size_average=False): sum( true * (log(true) - x) ), with 0*log0 = 0
    kl = jnp.where(true_dist > 0, true_dist * (jnp.log(jnp.where(true_dist > 0, true_dist, 1.0)) - x), 0.0)
    return jnp.sum(kl)

if __name__ == "__main__":
    import jax
    _d = setup_inputs()
    print(jax.jit(kernel)(*tuple(_d.values())))

</pallas_src>

<mosaic_0001>
#map = affine_map<(d0, d1) -> (0)>
module attributes {stable_mosaic.version = 14 : i64} {
  func.func @_sc_kconst(%arg0: i32, %arg1: i32, %arg2: memref<4096xi32, #tpu.memory_space<hbm>>, %arg3: memref<512xf32, #tpu.memory_space<hbm>>, %arg4: memref<128xi32, #tpu.memory_space<vmem>>, %arg5: memref<16xf32, #tpu.memory_space<vmem>>) attributes {dimension_semantics = [#tpu.dimension_semantics<core_parallel>, #tpu.dimension_semantics<subcore_parallel>], iteration_bounds = array<i64: 2, 16>, scalar_prefetch = 0 : i64, scratch_operands = 2 : i64, tpu.core_type = #tpu.core_type<sc_vector_subcore>, window_params = [{transform_indices = #map}, {transform_indices = #map}]} {
    %mul3A = arith.constant 2 : i32
    %mul3A_0 = arith.muli %arg1, %mul3A : i32
    %add3A = arith.addi %mul3A_0, %arg0 : i32
    %mul3A_1 = arith.constant 128 : i32
    %mul3A_2 = arith.muli %add3A, %mul3A_1 : i32
    "tpu.region"() ({
      %run_scoped3A = tpu.sem_alloc : memref<!tpu.dma_semaphore, #tpu.memory_space<semaphore_mem>>
      %dma_start3A = tpu.memref_slice %arg2[%mul3A_2] : memref<4096xi32, #tpu.memory_space<hbm>> -> memref<128xi32, #tpu.memory_space<hbm>>
      %dma_start3A_101 = tpu.memref_slice %arg2[%mul3A_2] : memref<4096xi32, #tpu.memory_space<hbm>> -> memref<128xi32, #tpu.memory_space<hbm>>
      tpu.enqueue_dma source(%dma_start3A_101 : memref<128xi32, #tpu.memory_space<hbm>>) target(%arg4 : memref<128xi32, #tpu.memory_space<vmem>>) target_semaphore(%run_scoped3A : memref<!tpu.dma_semaphore, #tpu.memory_space<semaphore_mem>>)
      %dma_wait3A = tpu.memref_slice %arg2[%mul3A_2] : memref<4096xi32, #tpu.memory_space<hbm>> -> memref<128xi32, #tpu.memory_space<hbm>>
      %dma_wait3A_102 = tpu.memref_slice %arg2[%mul3A_2] : memref<4096xi32, #tpu.memory_space<hbm>> -> memref<128xi32, #tpu.memory_space<hbm>>
      tpu.wait_dma2 semaphore(%run_scoped3A : memref<!tpu.dma_semaphore, #tpu.memory_space<semaphore_mem>>) src(%dma_wait3A_102 : memref<128xi32, #tpu.memory_space<hbm>>) dst(%arg4 : memref<128xi32, #tpu.memory_space<vmem>>)
      tpu.yield
    }) : () -> ()
    %broadcast_in_dim3A = arith.constant 0.000000e+00 : f32
    %broadcast_in_dim3A_3 = vector.broadcast %broadcast_in_dim3A : f32 to vector<16xf32>
    %get3A = arith.constant 0 : index
    %get3A_4 = tpu.vector_load %arg4[%get3A] {strides = array<i32>} : memref<128xi32, #tpu.memory_space<vmem>>, vector<16xi32>,
    %get3A_5 = vector.shape_cast %get3A_4 : vector<16xi32> to vector<16xi32>
    %ne3A = arith.constant 0 : i32
    %ne3A_6 = vector.broadcast %ne3A : i32 to vector<16xi32>
    %ne3A_7 = arith.cmpi ne, %get3A_5, %ne3A_6 : vector<16xi32>
    %jit3A = arith.constant -1.29547679 : f32
    %jit3A_8 = arith.constant 0.000000e+00 : f32
    %broadcast_in_dim3A_9 = vector.broadcast %jit3A : f32 to vector<16xf32>
    %broadcast_in_dim3A_10 = vector.broadcast %jit3A_8 : f32 to vector<16xf32>
    %select_n3A = arith.select %ne3A_7, %broadcast_in_dim3A_9, %broadcast_in_dim3A_10 : vector<16xi1>, vector<16xf32>
    %add3A_11 = arith.addf %broadcast_in_dim3A_3, %select_n3A : vector<16xf32>
    %get3A_12 = arith.constant 16 : index
    %get3A_13 = tpu.vector_load %arg4[%get3A_12] {strides = array<i32>} : memref<128xi32, #tpu.memory_space<vmem>>, vector<16xi32>,
    %get3A_14 = vector.shape_cast %get3A_13 : vector<16xi32> to vector<16xi32>
    %ne3A_15 = arith.constant 0 : i32
    %ne3A_16 = vector.broadcast %ne3A_15 : i32 to vector<16xi32>
    %ne3A_17 = arith.cmpi ne, %get3A_14, %ne3A_16 : vector<16xi32>
    %jit3A_18 = arith.constant -1.29547679 : f32
    %jit3A_19 = arith.constant 0.000000e+00 : f32
    %broadcast_in_dim3A_20 = vector.broadcast %jit3A_18 : f32 to vector<16xf32>
    %broadcast_in_dim3A_21 = vector.broadcast %jit3A_19 : f32 to vector<16xf32>
    %select_n3A_22 = arith.select %ne3A_17, %broadcast_in_dim3A_20, %broadcast_in_dim3A_21 : vector<16xi1>, vector<16xf32>
    %add3A_23 = arith.addf %add3A_11, %select_n3A_22 : vector<16xf32>
    %get3A_24 = arith.constant 32 : index
    %get3A_25 = tpu.vector_load %arg4[%get3A_24] {strides = array<i32>} : memref<128xi32, #tpu.memory_space<vmem>>, vector<16xi32>,
    %get3A_26 = vector.shape_cast %get3A_25 : vector<16xi32> to vector<16xi32>
    %ne3A_27 = arith.constant 0 : i32
    %ne3A_28 = vector.broadcast %ne3A_27 : i32 to vector<16xi32>
    %ne3A_29 = arith.cmpi ne, %get3A_26, %ne3A_28 : vector<16xi32>
    %jit3A_30 = arith.constant -1.29547679 : f32
    %jit3A_31 = arith.constant 0.000000e+00 : f32
    %broadcast_in_dim3A_32 = vector.broadcast %jit3A_30 : f32 to vector<16xf32>
    %broadcast_in_dim3A_33 = vector.broadcast %jit3A_31 : f32 to vector<16xf32>
    %select_n3A_34 = arith.select %ne3A_29, %broadcast_in_dim3A_32, %broadcast_in_dim3A_33 : vector<16xi1>, vector<16xf32>
    %add3A_35 = arith.addf %add3A_23, %select_n3A_34 : vector<16xf32>
    %get3A_36 = arith.constant 48 : index
    %get3A_37 = tpu.vector_load %arg4[%get3A_36] {strides = array<i32>} : memref<128xi32, #tpu.memory_space<vmem>>, vector<16xi32>,
    %get3A_38 = vector.shape_cast %get3A_37 : vector<16xi32> to vector<16xi32>
    %ne3A_39 = arith.constant 0 : i32
    %ne3A_40 = vector.broadcast %ne3A_39 : i32 to vector<16xi32>
    %ne3A_41 = arith.cmpi ne, %get3A_38, %ne3A_40 : vector<16xi32>
    %jit3A_42 = arith.constant -1.29547679 : f32
    %jit3A_43 = arith.constant 0.000000e+00 : f32
    %broadcast_in_dim3A_44 = vector.broadcast %jit3A_42 : f32 to vector<16xf32>
    %broadcast_in_dim3A_45 = vector.broadcast %jit3A_43 : f32 to vector<16xf32>
    %select_n3A_46 = arith.select %ne3A_41, %broadcast_in_dim3A_44, %broadcast_in_dim3A_45 : vector<16xi1>, vector<16xf32>
    %add3A_47 = arith.addf %add3A_35, %select_n3A_46 : vector<16xf32>
    %get3A_48 = arith.constant 64 : index
    %get3A_49 = tpu.vector_load %arg4[%get3A_48] {strides = array<i32>} : memref<128xi32, #tpu.memory_space<vmem>>, vector<16xi32>,
    %get3A_50 = vector.shape_cast %get3A_49 : vector<16xi32> to vector<16xi32>
    %ne3A_51 = arith.constant 0 : i32
    %ne3A_52 = vector.broadcast %ne3A_51 : i32 to vector<16xi32>
    %ne3A_53 = arith.cmpi ne, %get3A_50, %ne3A_52 : vector<16xi32>
    %jit3A_54 = arith.constant -1.29547679 : f32
    %jit3A_55 = arith.constant 0.000000e+00 : f32
    %broadcast_in_dim3A_56 = vector.broadcast %jit3A_54 : f32 to vector<16xf32>
    %broadcast_in_dim3A_57 = vector.broadcast %jit3A_55 : f32 to vector<16xf32>
    %select_n3A_58 = arith.select %ne3A_53, %broadcast_in_dim3A_56, %broadcast_in_dim3A_57 : vector<16xi1>, vector<16xf32>
    %add3A_59 = arith.addf %add3A_47, %select_n3A_58 : vector<16xf32>
    %get3A_60 = arith.constant 80 : index
    %get3A_61 = tpu.vector_load %arg4[%get3A_60] {strides = array<i32>} : memref<128xi32, #tpu.memory_space<vmem>>, vector<16xi32>,
    %get3A_62 = vector.shape_cast %get3A_61 : vector<16xi32> to vector<16xi32>
    %ne3A_63 = arith.constant 0 : i32
    %ne3A_64 = vector.broadcast %ne3A_63 : i32 to vector<16xi32>
    %ne3A_65 = arith.cmpi ne, %get3A_62, %ne3A_64 : vector<16xi32>
    %jit3A_66 = arith.constant -1.29547679 : f32
    %jit3A_67 = arith.constant 0.000000e+00 : f32
    %broadcast_in_dim3A_68 = vector.broadcast %jit3A_66 : f32 to vector<16xf32>
    %broadcast_in_dim3A_69 = vector.broadcast %jit3A_67 : f32 to vector<16xf32>
    %select_n3A_70 = arith.select %ne3A_65, %broadcast_in_dim3A_68, %broadcast_in_dim3A_69 : vector<16xi1>, vector<16xf32>
    %add3A_71 = arith.addf %add3A_59, %select_n3A_70 : vector<16xf32>
    %get3A_72 = arith.constant 96 : index
    %get3A_73 = tpu.vector_load %arg4[%get3A_72] {strides = array<i32>} : memref<128xi32, #tpu.memory_space<vmem>>, vector<16xi32>,
    %get3A_74 = vector.shape_cast %get3A_73 : vector<16xi32> to vector<16xi32>
    %ne3A_75 = arith.constant 0 : i32
    %ne3A_76 = vector.broadcast %ne3A_75 : i32 to vector<16xi32>
    %ne3A_77 = arith.cmpi ne, %get3A_74, %ne3A_76 : vector<16xi32>
    %jit3A_78 = arith.constant -1.29547679 : f32
    %jit3A_79 = arith.constant 0.000000e+00 : f32
    %broadcast_in_dim3A_80 = vector.broadcast %jit3A_78 : f32 to vector<16xf32>
    %broadcast_in_dim3A_81 = vector.broadcast %jit3A_79 : f32 to vector<16xf32>
    %select_n3A_82 = arith.select %ne3A_77, %broadcast_in_dim3A_80, %broadcast_in_dim3A_81 : vector<16xi1>, vector<16xf32>
    %add3A_83 = arith.addf %add3A_71, %select_n3A_82 : vector<16xf32>
    %get3A_84 = arith.constant 112 : index
    %get3A_85 = tpu.vector_load %arg4[%get3A_84] {strides = array<i32>} : memref<128xi32, #tpu.memory_space<vmem>>, vector<16xi32>,
    %get3A_86 = vector.shape_cast %get3A_85 : vector<16xi32> to vector<16xi32>
    %ne3A_87 = arith.constant 0 : i32
    %ne3A_88 = vector.broadcast %ne3A_87 : i32 to vector<16xi32>
    %ne3A_89 = arith.cmpi ne, %get3A_86, %ne3A_88 : vector<16xi32>
    %jit3A_90 = arith.constant -1.29547679 : f32
    %jit3A_91 = arith.constant 0.000000e+00 : f32
    %broadcast_in_dim3A_92 = vector.broadcast %jit3A_90 : f32 to vector<16xf32>
    %broadcast_in_dim3A_93 = vector.broadcast %jit3A_91 : f32 to vector<16xf32>
    %select_n3A_94 = arith.select %ne3A_89, %broadcast_in_dim3A_92, %broadcast_in_dim3A_93 : vector<16xi1>, vector<16xf32>
    %add3A_95 = arith.addf %add3A_83, %select_n3A_94 : vector<16xf32>
    %swap3A = arith.constant 0 : index
    %swap3A_96 = tpu.vector_load %arg5[%swap3A] {strides = array<i32>} : memref<16xf32, #tpu.memory_space<vmem>>, vector<16xf32>,
    %swap3A_97 = vector.shape_cast %swap3A_96 : vector<16xf32> to vector<16xf32>
    %swap3A_98 = vector.shape_cast %add3A_95 : vector<16xf32> to vector<16xf32>
    tpu.vector_store %arg5[%swap3A], %swap3A_98 {strides = array<i32>} : memref<16xf32, #tpu.memory_space<vmem>>, vector<16xf32>,
    %mul3A_99 = arith.constant 16 : i32
    %mul3A_100 = arith.muli %add3A, %mul3A_99 : i32
    "tpu.region"() ({
      %run_scoped3A = tpu.sem_alloc : memref<!tpu.dma_semaphore, #tpu.memory_space<semaphore_mem>>
      %dma_start3A = tpu.memref_slice %arg3[%mul3A_100] : memref<512xf32, #tpu.memory_space<hbm>> -> memref<16xf32, #tpu.memory_space<hbm>>
      %dma_start3A_101 = tpu.memref_slice %arg3[%mul3A_100] : memref<512xf32, #tpu.memory_space<hbm>> -> memref<16xf32, #tpu.memory_space<hbm>>
      tpu.enqueue_dma source(%arg5 : memref<16xf32, #tpu.memory_space<vmem>>) target(%dma_start3A_101 : memref<16xf32, #tpu.memory_space<hbm>>) target_semaphore(%run_scoped3A : memref<!tpu.dma_semaphore, #tpu.memory_space<semaphore_mem>>)
      %dma_wait3A = tpu.memref_slice %arg3[%mul3A_100] : memref<512xf32, #tpu.memory_space<hbm>> -> memref<16xf32, #tpu.memory_space<hbm>>
      %dma_wait3A_102 = tpu.memref_slice %arg3[%mul3A_100] : memref<512xf32, #tpu.memory_space<hbm>> -> memref<16xf32, #tpu.memory_space<hbm>>
      tpu.wait_dma2 semaphore(%run_scoped3A : memref<!tpu.dma_semaphore, #tpu.memory_space<semaphore_mem>>) src(%arg5 : memref<16xf32, #tpu.memory_space<vmem>>) dst(%dma_wait3A_102 : memref<16xf32, #tpu.memory_space<hbm>>)
      tpu.yield
    }) : () -> ()
    return
  }
}

module attributes {stable_mosaic.version = 14 : i64} {
  func.func @_ls_kernel(%arg0: i32, %arg1: memref<1x128x1xi32, #tpu.memory_space<smem>>, %arg2: memref<1x128x1xi32, #tpu.memory_space<vmem>>, %arg3: memref<128x16384xf32, #tpu.memory_space<vmem>>, %arg4: memref<1x1xf32, #tpu.memory_space<vmem>>) attributes {dimension_semantics = [#tpu.dimension_semantics<arbitrary>], iteration_bounds = array<i64: 32>, scalar_prefetch = 0 : i64, scratch_operands = 0 : i64, tpu.core_type = #tpu.core_type<tc>, window_params = [{transform_indices = @transform_0, window_bounds = array<i64: 1, 128, 1>}, {transform_indices = @transform_1, window_bounds = array<i64: 1, 128, 1>}, {transform_indices = @transform_2, window_bounds = array<i64: 128, 16384>}, {pipeline_mode = #tpu.pipeline_mode<synchronous>, transform_indices = @transform_3, window_bounds = array<i64: 1, 1>}]} {
    %get3A = arith.constant 0 : index
    %get3A_0 = arith.constant 0 : index
    %get3A_1 = vector.load %arg3[%get3A, %get3A_0] : memref<128x16384xf32, #tpu.memory_space<vmem>>, vector<128x16384xf32>
    %get3A_2 = arith.constant 0 : index
    %get3A_3 = arith.constant 0 : index
    %get3A_4 = arith.constant 0 : index
    %get3A_5 = vector.load %arg2[%get3A_2, %get3A_3, %get3A_4] : memref<1x128x1xi32, #tpu.memory_space<vmem>>, vector<1x128x1xi32>
    %get3A_6 = vector.shape_cast %get3A_5 : vector<1x128x1xi32> to vector<128x1xi32>
    %reduce_sum3A = arith.constant dense<0.000000e+00> : vector<128xf32>
    %reduce_sum3A_7 = vector.multi_reduction <add>, %get3A_1, %reduce_sum3A [1] : vector<128x16384xf32> to vector<128xf32>
    %broadcast_in_dim3A = vector.shape_cast %reduce_sum3A_7 : vector<128xf32> to vector<128x1xf32>
    %slice3A = vector.extract_strided_slice %get3A_1 {offsets = [0, 0], sizes = [128, 1], strides = [1, 1]} : vector<128x16384xf32> to vector<128x1xf32>
    %ne3A = arith.constant 0 : i32
    %ne3A_8 = vector.broadcast %ne3A : i32 to vector<128x1xi32>
    %ne3A_9 = arith.cmpi ne, %get3A_6, %ne3A_8 : vector<128x1xi32>
    %mul3A = arith.constant -6.10426059E-6 : f32
    %mul3A_10 = vector.broadcast %mul3A : f32 to vector<128x1xf32>
    %mul3A_11 = arith.mulf %mul3A_10, %broadcast_in_dim3A : vector<128x1xf32>
    %mul3A_12 = arith.constant 6.10426059E-6 : f32
    %mul3A_13 = vector.broadcast %mul3A_12 : f32 to vector<128x1xf32>
    %mul3A_14 = arith.mulf %mul3A_13, %slice3A : vector<128x1xf32>
    %add3A = arith.addf %mul3A_11, %mul3A_14 : vector<128x1xf32>
    %jit3A = arith.constant 0.000000e+00 : f32
    %broadcast_in_dim3A_15 = vector.broadcast %jit3A : f32 to vector<128x1xf32>
    %select_n3A = arith.select %ne3A_9, %add3A, %broadcast_in_dim3A_15 : vector<128x1xi1>, vector<128x1xf32>
    %iota3A = tpu.iota {dimensions = array<i32: 1>} : vector<1x128xi32>
    %broadcast_in_dim3A_16 = arith.constant 0.000000e+00 : f32
    %broadcast_in_dim3A_17 = vector.broadcast %broadcast_in_dim3A_16 : f32 to vector<1x128xf32>
    %get3A_18 = arith.constant 0 : index
    %get3A_19 = arith.constant 0 : index
    %get3A_20 = arith.constant 0 : index
    %get3A_21 = memref.load %arg1[%get3A_18, %get3A_19, %get3A_20] : memref<1x128x1xi32, #tpu.memory_space<smem>>
    %shift_right_arithmetic3A = arith.constant 7 : i32
    %shift_right_arithmetic3A_22 = arith.shrsi %get3A_21, %shift_right_arithmetic3A : i32
    %mul3A_23 = arith.constant 128 : i32
    %mul3A_24 = arith.muli %shift_right_arithmetic3A_22, %mul3A_23 : i32
    %get3A_25 = arith.constant 0 : index
    %get3A_26 = arith.index_cast %mul3A_24 : i32 to index
    %get3A_27 = vector.load %arg3[%get3A_25, %get3A_26] : memref<128x16384xf32, #tpu.memory_space<vmem>>, vector<1x128xf32>
    %and3A = arith.constant 127 : i32
    %and3A_28 = arith.andi %get3A_21, %and3A : i32
    %eq3A = vector.broadcast %and3A_28 : i32 to vector<1x128xi32>
    %eq3A_29 = arith.cmpi eq, %iota3A, %eq3A : vector<1x128xi32>
    %ne3A_30 = arith.constant 0 : i32
    %ne3A_31 = arith.cmpi ne, %get3A_21, %ne3A_30 : i32
    %and3A_32 = vector.broadcast %ne3A_31 : i1 to vector<1x128xi1>
    %and3A_33 = arith.andi %eq3A_29, %and3A_32 : vector<1x128xi1>
    %jit3A_34 = arith.constant 0.000000e+00 : f32
    %broadcast_in_dim3A_35 = vector.broadcast %jit3A_34 : f32 to vector<1x128xf32>
    %select_n3A_36 = arith.select %and3A_33, %get3A_27, %broadcast_in_dim3A_35 : vector<1x128xi1>, vector<1x128xf32>
    %add3A_37 = arith.addf %broadcast_in_dim3A_17, %select_n3A_36 : vector<1x128xf32>
    %get3A_38 = arith.constant 0 : index
    %get3A_39 = arith.constant 1 : index
    %get3A_40 = arith.constant 0 : index
    %get3A_41 = memref.load %arg1[%get3A_38, %get3A_39, %get3A_40] : memref<1x128x1xi32, #tpu.memory_space<smem>>
    %shift_right_arithmetic3A_42 = arith.constant 7 : i32
    %shift_right_arithmetic3A_43 = arith.shrsi %get3A_41, %shift_right_arithmetic3A_42 : i32
    %mul3A_44 = arith.constant 128 : i32
    %mul3A_45 = arith.muli %shift_right_arithmetic3A_43, %mul3A_44 : i32
    %get3A_46 = arith.constant 1 : index
    %get3A_47 = arith.index_cast %mul3A_45 : i32 to index
    %get3A_48 = vector.load %arg3[%get3A_46, %get3A_47] : memref<128x16384xf32, #tpu.memory_space<vmem>>, vector<1x128xf32>
    %and3A_49 = arith.constant 127 : i32
    %and3A_50 = arith.andi %get3A_41, %and3A_49 : i32
    %eq3A_51 = vector.broadcast %and3A_50 : i32 to vector<1x128xi32>
    %eq3A_52 = arith.cmpi eq, %iota3A, %eq3A_51 : vector<1x128xi32>
    %ne3A_53 = arith.constant 0 : i32
    %ne3A_54 = arith.cmpi ne, %get3A_41, %ne3A_53 : i32
    %and3A_55 = vector.broadcast %ne3A_54 : i1 to vector<1x128xi1>
    %and3A_56 = arith.andi %eq3A_52, %and3A_55 : vector<1x128xi1>
    %jit3A_57 = arith.constant 0.000000e+00 : f32
    %broadcast_in_dim3A_58 = vector.broadcast %jit3A_57 : f32 to vector<1x128xf32>
    %select_n3A_59 = arith.select %and3A_56, %get3A_48, %broadcast_in_dim3A_58 : vector<1x128xi1>, vector<1x128xf32>
    %add3A_60 = arith.addf %add3A_37, %select_n3A_59 : vector<1x128xf32>
    %get3A_61 = arith.constant 0 : index
    %get3A_62 = arith.constant 2 : index
    %get3A_63 = arith.constant 0 : index
    %get3A_64 = memref.load %arg1[%get3A_61, %get3A_62, %get3A_63] : memref<1x128x1xi32, #tpu.memory_space<smem>>
    %shift_right_arithmetic3A_65 = arith.constant 7 : i32
    %shift_right_arithmetic3A_66 = arith.shrsi %get3A_64, %shift_right_arithmetic3A_65 : i32
    %mul3A_67 = arith.constant 128 : i32
    %mul3A_68 = arith.muli %shift_right_arithmetic3A_66, %mul3A_67 : i32
    %get3A_69 = arith.constant 2 : index
    %get3A_70 = arith.index_cast %mul3A_68 : i32 to index
    %get3A_71 = vector.load %arg3[%get3A_69, %get3A_70] : memref<128x16384xf32, #tpu.memory_space<vmem>>, vector<1x128xf32>
    %and3A_72 = arith.constant 127 : i32
    %and3A_73 = arith.andi %get3A_64, %and3A_72 : i32
    %eq3A_74 = vector.broadcast %and3A_73 : i32 to vector<1x128xi32>
    %eq3A_75 = arith.cmpi eq, %iota3A, %eq3A_74 : vector<1x128xi32>
    %ne3A_76 = arith.constant 0 : i32
    %ne3A_77 = arith.cmpi ne, %get3A_64, %ne3A_76 : i32
    %and3A_78 = vector.broadcast %ne3A_77 : i1 to vector<1x128xi1>
    %and3A_79 = arith.andi %eq3A_75, %and3A_78 : vector<1x128xi1>
    %jit3A_80 = arith.constant 0.000000e+00 : f32
    %broadcast_in_dim3A_81 = vector.broadcast %jit3A_80 : f32 to vector<1x128xf32>
    %select_n3A_82 = arith.select %and3A_79, %get3A_71, %broadcast_in_dim3A_81 : vector<1x128xi1>, vector<1x128xf32>
    %add3A_83 = arith.addf %add3A_60, %select_n3A_82 : vector<1x128xf32>
    %get3A_84 = arith.constant 0 : index
    %get3A_85 = arith.constant 3 : index
    %get3A_86 = arith.constant 0 : index
    %get3A_87 = memref.load %arg1[%get3A_84, %get3A_85, %get3A_86] : memref<1x128x1xi32, #tpu.memory_space<smem>>
    %shift_right_arithmetic3A_88 = arith.constant 7 : i32
    %shift_right_arithmetic3A_89 = arith.shrsi %get3A_87, %shift_right_arithmetic3A_88 : i32
    %mul3A_90 = arith.constant 128 : i32
    %mul3A_91 = arith.muli %shift_right_arithmetic3A_89, %mul3A_90 : i32
    %get3A_92 = arith.constant 3 : index
    %get3A_93 = arith.index_cast %mul3A_91 : i32 to index
    %get3A_94 = vector.load %arg3[%get3A_92, %get3A_93] : memref<128x16384xf32, #tpu.memory_space<vmem>>, vector<1x128xf32>
    %and3A_95 = arith.constant 127 : i32
    %and3A_96 = arith.andi %get3A_87, %and3A_95 : i32
    %eq3A_97 = vector.broadcast %and3A_96 : i32 to vector<1x128xi32>
    %eq3A_98 = arith.cmpi eq, %iota3A, %eq3A_97 : vector<1x128xi32>
    %ne3A_99 = arith.constant 0 : i32
    %ne3A_100 = arith.cmpi ne, %get3A_87, %ne3A_99 : i32
    %and3A_101 = vector.broadcast %ne3A_100 : i1 to vector<1x128xi1>
    %and3A_102 = arith.andi %eq3A_98, %and3A_101 : vector<1x128xi1>
    %jit3A_103 = arith.constant 0.000000e+00 : f32
    %broadcast_in_dim3A_104 = vector.broadcast %jit3A_103 : f32 to vector<1x128xf32>
    %select_n3A_105 = arith.select %and3A_102, %get3A_94, %broadcast_in_dim3A_104 : vector<1x128xi1>, vector<1x128xf32>
    %add3A_106 = arith.addf %add3A_83, %select_n3A_105 : vector<1x128xf32>
    %get3A_107 = arith.constant 0 : index
    %get3A_108 = arith.constant 4 : index
    %get3A_109 = arith.constant 0 : index
    %get3A_110 = memref.load %arg1[%get3A_107, %get3A_108, %get3A_109] : memref<1x128x1xi32, #tpu.memory_space<smem>>
    %shift_right_arithmetic3A_111 = arith.constant 7 : i32
    %shift_right_arithmetic3A_112 = arith.shrsi %get3A_110, %shift_right_arithmetic3A_111 : i32
    %mul3A_113 = arith.constant 128 : i32
    %mul3A_114 = arith.muli %shift_right_arithmetic3A_112, %mul3A_113 : i32
    %get3A_115 = arith.constant 4 : index
    %get3A_116 = arith.index_cast %mul3A_114 : i32 to index
    %get3A_117 = vector.load %arg3[%get3A_115, %get3A_116] : memref<128x16384xf32, #tpu.memory_space<vmem>>, vector<1x128xf32>
    %and3A_118 = arith.constant 127 : i32
    %and3A_119 = arith.andi %get3A_110, %and3A_118 : i32
    %eq3A_120 = vector.broadcast %and3A_119 : i32 to vector<1x128xi32>
    %eq3A_121 = arith.cmpi eq, %iota3A, %eq3A_120 : vector<1x128xi32>
    %ne3A_122 = arith.constant 0 : i32
    %ne3A_123 = arith.cmpi ne, %get3A_110, %ne3A_122 : i32
    %and3A_124 = vector.broadcast %ne3A_123 : i1 to vector<1x128xi1>
    %and3A_125 = arith.andi %eq3A_121, %and3A_124 : vector<1x128xi1>
    %jit3A_126 = arith.constant 0.000000e+00 : f32
    %broadcast_in_dim3A_127 = vector.broadcast %jit3A_126 : f32 to vector<1x128xf32>
    %select_n3A_128 = arith.select %and3A_125, %get3A_117, %broadcast_in_dim3A_127 : vector<1x128xi1>, vector<1x128xf32>
    %add3A_129 = arith.addf %add3A_106, %select_n3A_128 : vector<1x128xf32>
    %get3A_130 = arith.constant 0 : index
    %get3A_131 = arith.constant 5 : index
    %get3A_132 = arith.constant 0 : index
    %get3A_133 = memref.load %arg1[%get3A_130, %get3A_131, %get3A_132] : memref<1x128x1xi32, #tpu.memory_space<smem>>
    %shift_right_arithmetic3A_134 = arith.constant 7 : i32
    %shift_right_arithmetic3A_135 = arith.shrsi %get3A_133, %shift_right_arithmetic3A_134 : i32
    %mul3A_136 = arith.constant 128 : i32
    %mul3A_137 = arith.muli %shift_right_arithmetic3A_135, %mul3A_136 : i32
    %get3A_138 = arith.constant 5 : index
    %get3A_139 = arith.index_cast %mul3A_137 : i32 to index
    %get3A_140 = vector.load %arg3[%get3A_138, %get3A_139] : memref<128x16384xf32, #tpu.memory_space<vmem>>, vector<1x128xf32>
    %and3A_141 = arith.constant 127 : i32
    %and3A_142 = arith.andi %get3A_133, %and3A_141 : i32
    %eq3A_143 = vector.broadcast %and3A_142 : i32 to vector<1x128xi32>
    %eq3A_144 = arith.cmpi eq, %iota3A, %eq3A_143 : vector<1x128xi32>
    %ne3A_145 = arith.constant 0 : i32
    %ne3A_146 = arith.cmpi ne, %get3A_133, %ne3A_145 : i32
    %and3A_147 = vector.broadcast %ne3A_146 : i1 to vector<1x128xi1>
    %and3A_148 = arith.andi %eq3A_144, %and3A_147 : vector<1x128xi1>
    %jit3A_149 = arith.constant 0.000000e+00 : f32
    %broadcast_in_dim3A_150 = vector.broadcast %jit3A_149 : f32 to vector<1x128xf32>
    %select_n3A_151 = arith.select %and3A_148, %get3A_140, %broadcast_in_dim3A_150 : vector<1x128xi1>, vector<1x128xf32>
    %add3A_152 = arith.addf %add3A_129, %select_n3A_151 : vector<1x128xf32>
    %get3A_153 = arith.constant 0 : index
    %get3A_154 = arith.constant 6 : index
    %get3A_155 = arith.constant 0 : index
    %get3A_156 = memref.load %arg1[%get3A_153, %get3A_154, %get3A_155] : memref<1x128x1xi32, #tpu.memory_space<smem>>
    %shift_right_arithmetic3A_157 = arith.constant 7 : i32
    %shift_right_arithmetic3A_158 = arith.shrsi %get3A_156, %shift_right_arithmetic3A_157 : i32
    %mul3A_159 = arith.constant 128 : i32
    %mul3A_160 = arith.muli %shift_right_arithmetic3A_158, %mul3A_159 : i32
    %get3A_161 = arith.constant 6 : index
    %get3A_162 = arith.index_cast %mul3A_160 : i32 to index
    %get3A_163 = vector.load %arg3[%get3A_161, %get3A_162] : memref<128x16384xf32, #tpu.memory_space<vmem>>, vector<1x128xf32>
    %and3A_164 = arith.constant 127 : i32
    %and3A_165 = arith.andi %get3A_156, %and3A_164 : i32
    %eq3A_166 = vector.broadcast %and3A_165 : i32 to vector<1x128xi32>
    %eq3A_167 = arith.cmpi eq, %iota3A, %eq3A_166 : vector<1x128xi32>
    %ne3A_168 = arith.constant 0 : i32
    %ne3A_169 = arith.cmpi ne, %get3A_156, %ne3A_168 : i32
    %and3A_170 = vector.broadcast %ne3A_169 : i1 to vector<1x128xi1>
    %and3A_171 = arith.andi %eq3A_167, %and3A_170 : vector<1x128xi1>
    %jit3A_172 = arith.constant 0.000000e+00 : f32
    %broadcast_in_dim3A_173 = vector.broadcast %jit3A_172 : f32 to vector<1x128xf32>
    %select_n3A_174 = arith.select %and3A_171, %get3A_163, %broadcast_in_dim3A_173 : vector<1x128xi1>, vector<1x128xf32>
    %add3A_175 = arith.addf %add3A_152, %select_n3A_174 : vector<1x128xf32>
    %get3A_176 = arith.constant 0 : index
    %get3A_177 = arith.constant 7 : index
    %get3A_178 = arith.constant 0 : index
    %get3A_179 = memref.load %arg1[%get3A_176, %get3A_177, %get3A_178] : memref<1x128x1xi32, #tpu.memory_space<smem>>
    %shift_right_arithmetic3A_180 = arith.constant 7 : i32
    %shift_right_arithmetic3A_181 = arith.shrsi %get3A_179, %shift_right_arithmetic3A_180 : i32
    %mul3A_182 = arith.constant 128 : i32
    %mul3A_183 = arith.muli %shift_right_arithmetic3A_181, %mul3A_182 : i32
    %get3A_184 = arith.constant 7 : index
    %get3A_185 = arith.index_cast %mul3A_183 : i32 to index
    %get3A_186 = vector.load %arg3[%get3A_184, %get3A_185] : memref<128x16384xf32, #tpu.memory_space<vmem>>, vector<1x128xf32>
    %and3A_187 = arith.constant 127 : i32
    %and3A_188 = arith.andi %get3A_179, %and3A_187 : i32
    %eq3A_189 = vector.broadcast %and3A_188 : i32 to vector<1x128xi32>
    %eq3A_190 = arith.cmpi eq, %iota3A, %eq3A_189 : vector<1x128xi32>
    %ne3A_191 = arith.constant 0 : i32
    %ne3A_192 = arith.cmpi ne, %get3A_179, %ne3A_191 : i32
    %and3A_193 = vector.broadcast %ne3A_192 : i1 to vector<1x128xi1>
    %and3A_194 = arith.andi %eq3A_190, %and3A_193 : vector<1x128xi1>
    %jit3A_195 = arith.constant 0.000000e+00 : f32
    %broadcast_in_dim3A_196 = vector.broadcast %jit3A_195 : f32 to vector<1x128xf32>
    %select_n3A_197 = arith.select %and3A_194, %get3A_186, %broadcast_in_dim3A_196 : vector<1x128xi1>, vector<1x128xf32>
    %add3A_198 = arith.addf %add3A_175, %select_n3A_197 : vector<1x128xf32>
    %get3A_199 = arith.constant 0 : index
    %get3A_200 = arith.constant 8 : index
    %get3A_201 = arith.constant 0 : index
    %get3A_202 = memref.load %arg1[%get3A_199, %get3A_200, %get3A_201] : memref<1x128x1xi32, #tpu.memory_space<smem>>
    %shift_right_arithmetic3A_203 = arith.constant 7 : i32
    %shift_right_arithmetic3A_204 = arith.shrsi %get3A_202, %shift_right_arithmetic3A_203 : i32
    %mul3A_205 = arith.constant 128 : i32
    %mul3A_206 = arith.muli %shift_right_arithmetic3A_204, %mul3A_205 : i32
    %get3A_207 = arith.constant 8 : index
    %get3A_208 = arith.index_cast %mul3A_206 : i32 to index
    %get3A_209 = vector.load %arg3[%get3A_207, %get3A_208] : memref<128x16384xf32, #tpu.memory_space<vmem>>, vector<1x128xf32>
    %and3A_210 = arith.constant 127 : i32
    %and3A_211 = arith.andi %get3A_202, %and3A_210 : i32
    %eq3A_212 = vector.broadcast %and3A_211 : i32 to vector<1x128xi32>
    %eq3A_213 = arith.cmpi eq, %iota3A, %eq3A_212 : vector<1x128xi32>
    %ne3A_214 = arith.constant 0 : i32
    %ne3A_215 = arith.cmpi ne, %get3A_202, %ne3A_214 : i32
    %and3A_216 = vector.broadcast %ne3A_215 : i1 to vector<1x128xi1>
    %and3A_217 = arith.andi %eq3A_213, %and3A_216 : vector<1x128xi1>
    %jit3A_218 = arith.constant 0.000000e+00 : f32
    %broadcast_in_dim3A_219 = vector.broadcast %jit3A_218 : f32 to vector<1x128xf32>
    %select_n3A_220 = arith.select %and3A_217, %get3A_209, %broadcast_in_dim3A_219 : vector<1x128xi1>, vector<1x128xf32>
    %add3A_221 = arith.addf %add3A_198, %select_n3A_220 : vector<1x128xf32>
    %get3A_222 = arith.constant 0 : index
    %get3A_223 = arith.constant 9 : index
    %get3A_224 = arith.constant 0 : index
    %get3A_225 = memref.load %arg1[%get3A_222, %get3A_223, %get3A_224] : memref<1x128x1xi32, #tpu.memory_space<smem>>
    %shift_right_arithmetic3A_226 = arith.constant 7 : i32
    %shift_right_arithmetic3A_227 = arith.shrsi %get3A_225, %shift_right_arithmetic3A_226 : i32
    %mul3A_228 = arith.constant 128 : i32
    %mul3A_229 = arith.muli %shift_right_arithmetic3A_227, %mul3A_228 : i32
    %get3A_230 = arith.constant 9 : index
    %get3A_231 = arith.index_cast %mul3A_229 : i32 to index
    %get3A_232 = vector.load %arg3[%get3A_230, %get3A_231] : memref<128x16384xf32, #tpu.memory_space<vmem>>, vector<1x128xf32>
    %and3A_233 = arith.constant 127 : i32
    %and3A_234 = arith.andi %get3A_225, %and3A_233 : i32
    %eq3A_235 = vector.broadcast %and3A_234 : i32 to vector<1x128xi32>
    %eq3A_236 = arith.cmpi eq, %iota3A, %eq3A_235 : vector<1x128xi32>
    %ne3A_237 = arith.constant 0 : i32
    %ne3A_238 = arith.cmpi ne, %get3A_225, %ne3A_237 : i32
    %and3A_239 = vector.broadcast %ne3A_238 : i1 to vector<1x128xi1>
    %and3A_240 = arith.andi %eq3A_236, %and3A_239 : vector<1x128xi1>
    %jit3A_241 = arith.constant 0.000000e+00 : f32
    %broadcast_in_dim3A_242 = vector.broadcast %jit3A_241 : f32 to vector<1x128xf32>
    %select_n3A_243 = arith.select %and3A_240, %get3A_232, %broadcast_in_dim3A_242 : vector<1x128xi1>, vector<1x128xf32>
    %add3A_244 = arith.addf %add3A_221, %select_n3A_243 : vector<1x128xf32>
    %get3A_245 = arith.constant 0 : index
    %get3A_246 = arith.constant 10 : index
    %get3A_247 = arith.constant 0 : index
    %get3A_248 = memref.load %arg1[%get3A_245, %get3A_246, %get3A_247] : memref<1x128x1xi32, #tpu.memory_space<smem>>
    %shift_right_arithmetic3A_249 = arith.constant 7 : i32
    %shift_right_arithmetic3A_250 = arith.shrsi %get3A_248, %shift_right_arithmetic3A_249 : i32
    %mul3A_251 = arith.constant 128 : i32
    %mul3A_252 = arith.muli %shift_right_arithmetic3A_250, %mul3A_251 : i32
    %get3A_253 = arith.constant 10 : index
    %get3A_254 = arith.index_cast %mul3A_252 : i32 to index
    %get3A_255 = vector.load %arg3[%get3A_253, %get3A_254] : memref<128x16384xf32, #tpu.memory_space<vmem>>, vector<1x128xf32>
    %and3A_256 = arith.constant 127 : i32
    %and3A_257 = arith.andi %get3A_248, %and3A_256 : i32
    %eq3A_258 = vector.broadcast %and3A_257 : i32 to vector<1x128xi32>
    %eq3A_259 = arith.cmpi eq, %iota3A, %eq3A_258 : vector<1x128xi32>
    %ne3A_260 = arith.constant 0 : i32
    %ne3A_261 = arith.cmpi ne, %get3A_248, %ne3A_260 : i32
    %and3A_262 = vector.broadcast %ne3A_261 : i1 to vector<1x128xi1>
    %and3A_263 = arith.andi %eq3A_259, %and3A_262 : vector<1x128xi1>
    %jit3A_264 = arith.constant 0.000000e+00 : f32
    %broadcast_in_dim3A_265 = vector.broadcast %jit3A_264 : f32 to vector<1x128xf32>
    %select_n3A_266 = arith.select %and3A_263, %get3A_255, %broadcast_in_dim3A_265 : vector<1x128xi1>, vector<1x128xf32>
    %add3A_267 = arith.addf %add3A_244, %select_n3A_266 : vector<1x128xf32>
    %get3A_268 = arith.constant 0 : index
    %get3A_269 = arith.constant 11 : index
    %get3A_270 = arith.constant 0 : index
    %get3A_271 = memref.load %arg1[%get3A_268, %get3A_269, %get3A_270] : memref<1x128x1xi32, #tpu.memory_space<smem>>
    %shift_right_arithmetic3A_272 = arith.constant 7 : i32
    %shift_right_arithmetic3A_273 = arith.shrsi %get3A_271, %shift_right_arithmetic3A_272 : i32
    %mul3A_274 = arith.constant 128 : i32
    %mul3A_275 = arith.muli %shift_right_arithmetic3A_273, %mul3A_274 : i32
    %get3A_276 = arith.constant 11 : index
    %get3A_277 = arith.index_cast %mul3A_275 : i32 to index
    %get3A_278 = vector.load %arg3[%get3A_276, %get3A_277] : memref<128x16384xf32, #tpu.memory_space<vmem>>, vector<1x128xf32>
    %and3A_279 = arith.constant 127 : i32
    %and3A_280 = arith.andi %get3A_271, %and3A_279 : i32
    %eq3A_281 = vector.broadcast %and3A_280 : i32 to vector<1x128xi32>
    %eq3A_282 = arith.cmpi eq, %iota3A, %eq3A_281 : vector<1x128xi32>
    %ne3A_283 = arith.constant 0 : i32
    %ne3A_284 = arith.cmpi ne, %get3A_271, %ne3A_283 : i32
    %and3A_285 = vector.broadcast %ne3A_284 : i1 to vector<1x128xi1>
    %and3A_286 = arith.andi %eq3A_282, %and3A_285 : vector<1x128xi1>
    %jit3A_287 = arith.constant 0.000000e+00 : f32
    %broadcast_in_dim3A_288 = vector.broadcast %jit3A_287 : f32 to vector<1x128xf32>
    %select_n3A_289 = arith.select %and3A_286, %get3A_278, %broadcast_in_dim3A_288 : vector<1x128xi1>, vector<1x128xf32>
    %add3A_290 = arith.addf %add3A_267, %select_n3A_289 : vector<1x128xf32>
    %get3A_291 = arith.constant 0 : index
    %get3A_292 = arith.constant 12 : index
    %get3A_293 = arith.constant 0 : index
    %get3A_294 = memref.load %arg1[%get3A_291, %get3A_292, %get3A_293] : memref<1x128x1xi32, #tpu.memory_space<smem>>
    %shift_right_arithmetic3A_295 = arith.constant 7 : i32
    %shift_right_arithmetic3A_296 = arith.shrsi %get3A_294, %shift_right_arithmetic3A_295 : i32
    %mul3A_297 = arith.constant 128 : i32
    %mul3A_298 = arith.muli %shift_right_arithmetic3A_296, %mul3A_297 : i32
    %get3A_299 = arith.constant 12 : index
    %get3A_300 = arith.index_cast %mul3A_298 : i32 to index
    %get3A_301 = vector.load %arg3[%get3A_299, %get3A_300] : memref<128x16384xf32, #tpu.memory_space<vmem>>, vector<1x128xf32>
    %and3A_302 = arith.constant 127 : i32
    %and3A_303 = arith.andi %get3A_294, %and3A_302 : i32
    %eq3A_304 = vector.broadcast %and3A_303 : i32 to vector<1x128xi32>
    %eq3A_305 = arith.cmpi eq, %iota3A, %eq3A_304 : vector<1x128xi32>
    %ne3A_306 = arith.constant 0 : i32
    %ne3A_307 = arith.cmpi ne, %get3A_294, %ne3A_306 : i32
    %and3A_308 = vector.broadcast %ne3A_307 : i1 to vector<1x128xi1>
    %and3A_309 = arith.andi %eq3A_305, %and3A_308 : vector<1x128xi1>
    %jit3A_310 = arith.constant 0.000000e+00 : f32
    %broadcast_in_dim3A_311 = vector.broadcast %jit3A_310 : f32 to vector<1x128xf32>
    %select_n3A_312 = arith.select %and3A_309, %get3A_301, %broadcast_in_dim3A_311 : vector<1x128xi1>, vector<1x128xf32>
    %add3A_313 = arith.addf %add3A_290, %select_n3A_312 : vector<1x128xf32>
    %get3A_314 = arith.constant 0 : index
    %get3A_315 = arith.constant 13 : index
    %get3A_316 = arith.constant 0 : index
    %get3A_317 = memref.load %arg1[%get3A_314, %get3A_315, %get3A_316] : memref<1x128x1xi32, #tpu.memory_space<smem>>
    %shift_right_arithmetic3A_318 = arith.constant 7 : i32
    %shift_right_arithmetic3A_319 = arith.shrsi %get3A_317, %shift_right_arithmetic3A_318 : i32
    %mul3A_320 = arith.constant 128 : i32
    %mul3A_321 = arith.muli %shift_right_arithmetic3A_319, %mul3A_320 : i32
    %get3A_322 = arith.constant 13 : index
    %get3A_323 = arith.index_cast %mul3A_321 : i32 to index
    %get3A_324 = vector.load %arg3[%get3A_322, %get3A_323] : memref<128x16384xf32, #tpu.memory_space<vmem>>, vector<1x128xf32>
    %and3A_325 = arith.constant 127 : i32
    %and3A_326 = arith.andi %get3A_317, %and3A_325 : i32
    %eq3A_327 = vector.broadcast %and3A_326 : i32 to vector<1x128xi32>
    %eq3A_328 = arith.cmpi eq, %iota3A, %eq3A_327 : vector<1x128xi32>
    %ne3A_329 = arith.constant 0 : i32
    %ne3A_330 = arith.cmpi ne, %get3A_317, %ne3A_329 : i32
    %and3A_331 = vector.broadcast %ne3A_330 : i1 to vector<1x128xi1>
    %and3A_332 = arith.andi %eq3A_328, %and3A_331 : vector<1x128xi1>
    %jit3A_333 = arith.constant 0.000000e+00 : f32
    %broadcast_in_dim3A_334 = vector.broadcast %jit3A_333 : f32 to vector<1x128xf32>
    %select_n3A_335 = arith.select %and3A_332, %get3A_324, %broadcast_in_dim3A_334 : vector<1x128xi1>, vector<1x128xf32>
    %add3A_336 = arith.addf %add3A_313, %select_n3A_335 : vector<1x128xf32>
    %get3A_337 = arith.constant 0 : index
    %get3A_338 = arith.constant 14 : index
    %get3A_339 = arith.constant 0 : index
    %get3A_340 = memref.load %arg1[%get3A_337, %get3A_338, %get3A_339] : memref<1x128x1xi32, #tpu.memory_space<smem>>
    %shift_right_arithmetic3A_341 = arith.constant 7 : i32
    %shift_right_arithmetic3A_342 = arith.shrsi %get3A_340, %shift_right_arithmetic3A_341 : i32
    %mul3A_343 = arith.constant 128 : i32
    %mul3A_344 = arith.muli %shift_right_arithmetic3A_342, %mul3A_343 : i32
    %get3A_345 = arith.constant 14 : index
    %get3A_346 = arith.index_cast %mul3A_344 : i32 to index
    %get3A_347 = vector.load %arg3[%get3A_345, %get3A_346] : memref<128x16384xf32, #tpu.memory_space<vmem>>, vector<1x128xf32>
    %and3A_348 = arith.constant 127 : i32
    %and3A_349 = arith.andi %get3A_340, %and3A_348 : i32
    %eq3A_350 = vector.broadcast %and3A_349 : i32 to vector<1x128xi32>
    %eq3A_351 = arith.cmpi eq, %iota3A, %eq3A_350 : vector<1x128xi32>
    %ne3A_352 = arith.constant 0 : i32
    %ne3A_353 = arith.cmpi ne, %get3A_340, %ne3A_352 : i32
    %and3A_354 = vector.broadcast %ne3A_353 : i1 to vector<1x128xi1>
    %and3A_355 = arith.andi %eq3A_351, %and3A_354 : vector<1x128xi1>
    %jit3A_356 = arith.constant 0.000000e+00 : f32
    %broadcast_in_dim3A_357 = vector.broadcast %jit3A_356 : f32 to vector<1x128xf32>
    %select_n3A_358 = arith.select %and3A_355, %get3A_347, %broadcast_in_dim3A_357 : vector<1x128xi1>, vector<1x128xf32>
    %add3A_359 = arith.addf %add3A_336, %select_n3A_358 : vector<1x128xf32>
    %get3A_360 = arith.constant 0 : index
    %get3A_361 = arith.constant 15 : index
    %get3A_362 = arith.constant 0 : index
    %get3A_363 = memref.load %arg1[%get3A_360, %get3A_361, %get3A_362] : memref<1x128x1xi32, #tpu.memory_space<smem>>
    %shift_right_arithmetic3A_364 = arith.constant 7 : i32
    %shift_right_arithmetic3A_365 = arith.shrsi %get3A_363, %shift_right_arithmetic3A_364 : i32
    %mul3A_366 = arith.constant 128 : i32
    %mul3A_367 = arith.muli %shift_right_arithmetic3A_365, %mul3A_366 : i32
    %get3A_368 = arith.constant 15 : index
    %get3A_369 = arith.index_cast %mul3A_367 : i32 to index
    %get3A_370 = vector.load %arg3[%get3A_368, %get3A_369] : memref<128x16384xf32, #tpu.memory_space<vmem>>, vector<1x128xf32>
    %and3A_371 = arith.constant 127 : i32
    %and3A_372 = arith.andi %get3A_363, %and3A_371 : i32
    %eq3A_373 = vector.broadcast %and3A_372 : i32 to vector<1x128xi32>
    %eq3A_374 = arith.cmpi eq, %iota3A, %eq3A_373 : vector<1x128xi32>
    %ne3A_375 = arith.constant 0 : i32
    %ne3A_376 = arith.cmpi ne, %get3A_363, %ne3A_375 : i32
    %and3A_377 = vector.broadcast %ne3A_376 : i1 to vector<1x128xi1>
    %and3A_378 = arith.andi %eq3A_374, %and3A_377 : vector<1x128xi1>
    %jit3A_379 = arith.constant 0.000000e+00 : f32
    %broadcast_in_dim3A_380 = vector.broadcast %jit3A_379 : f32 to vector<1x128xf32>
    %select_n3A_381 = arith.select %and3A_378, %get3A_370, %broadcast_in_dim3A_380 : vector<1x128xi1>, vector<1x128xf32>
    %add3A_382 = arith.addf %add3A_359, %select_n3A_381 : vector<1x128xf32>
    %get3A_383 = arith.constant 0 : index
    %get3A_384 = arith.constant 16 : index
    %get3A_385 = arith.constant 0 : index
    %get3A_386 = memref.load %arg1[%get3A_383, %get3A_384, %get3A_385] : memref<1x128x1xi32, #tpu.memory_space<smem>>
    %shift_right_arithmetic3A_387 = arith.constant 7 : i32
    %shift_right_arithmetic3A_388 = arith.shrsi %get3A_386, %shift_right_arithmetic3A_387 : i32
    %mul3A_389 = arith.constant 128 : i32
    %mul3A_390 = arith.muli %shift_right_arithmetic3A_388, %mul3A_389 : i32
    %get3A_391 = arith.constant 16 : index
    %get3A_392 = arith.index_cast %mul3A_390 : i32 to index
    %get3A_393 = vector.load %arg3[%get3A_391, %get3A_392] : memref<128x16384xf32, #tpu.memory_space<vmem>>, vector<1x128xf32>
    %and3A_394 = arith.constant 127 : i32
    %and3A_395 = arith.andi %get3A_386, %and3A_394 : i32
    %eq3A_396 = vector.broadcast %and3A_395 : i32 to vector<1x128xi32>
    %eq3A_397 = arith.cmpi eq, %iota3A, %eq3A_396 : vector<1x128xi32>
    %ne3A_398 = arith.constant 0 : i32
    %ne3A_399 = arith.cmpi ne, %get3A_386, %ne3A_398 : i32
    %and3A_400 = vector.broadcast %ne3A_399 : i1 to vector<1x128xi1>
    %and3A_401 = arith.andi %eq3A_397, %and3A_400 : vector<1x128xi1>
    %jit3A_402 = arith.constant 0.000000e+00 : f32
    %broadcast_in_dim3A_403 = vector.broadcast %jit3A_402 : f32 to vector<1x128xf32>
    %select_n3A_404 = arith.select %and3A_401, %get3A_393, %broadcast_in_dim3A_403 : vector<1x128xi1>, vector<1x128xf32>
    %add3A_405 = arith.addf %add3A_382, %select_n3A_404 : vector<1x128xf32>
    %get3A_406 = arith.constant 0 : index
    %get3A_407 = arith.constant 17 : index
    %get3A_408 = arith.constant 0 : index
    %get3A_409 = memref.load %arg1[%get3A_406, %get3A_407, %get3A_408] : memref<1x128x1xi32, #tpu.memory_space<smem>>
    %shift_right_arithmetic3A_410 = arith.constant 7 : i32
    %shift_right_arithmetic3A_411 = arith.shrsi %get3A_409, %shift_right_arithmetic3A_410 : i32
    %mul3A_412 = arith.constant 128 : i32
    %mul3A_413 = arith.muli %shift_right_arithmetic3A_411, %mul3A_412 : i32
    %get3A_414 = arith.constant 17 : index
    %get3A_415 = arith.index_cast %mul3A_413 : i32 to index
    %get3A_416 = vector.load %arg3[%get3A_414, %get3A_415] : memref<128x16384xf32, #tpu.memory_space<vmem>>, vector<1x128xf32>
    %and3A_417 = arith.constant 127 : i32
    %and3A_418 = arith.andi %get3A_409, %and3A_417 : i32
    %eq3A_419 = vector.broadcast %and3A_418 : i32 to vector<1x128xi32>
    %eq3A_420 = arith.cmpi eq, %iota3A, %eq3A_419 : vector<1x128xi32>
    %ne3A_421 = arith.constant 0 : i32
    %ne3A_422 = arith.cmpi ne, %get3A_409, %ne3A_421 : i32
    %and3A_423 = vector.broadcast %ne3A_422 : i1 to vector<1x128xi1>
    %and3A_424 = arith.andi %eq3A_420, %and3A_423 : vector<1x128xi1>
    %jit3A_425 = arith.constant 0.000000e+00 : f32
    %broadcast_in_dim3A_426 = vector.broadcast %jit3A_425 : f32 to vector<1x128xf32>
    %select_n3A_427 = arith.select %and3A_424, %get3A_416, %broadcast_in_dim3A_426 : vector<1x128xi1>, vector<1x128xf32>
    %add3A_428 = arith.addf %add3A_405, %select_n3A_427 : vector<1x128xf32>
    %get3A_429 = arith.constant 0 : index
    %get3A_430 = arith.constant 18 : index
    %get3A_431 = arith.constant 0 : index
    %get3A_432 = memref.load %arg1[%get3A_429, %get3A_430, %get3A_431] : memref<1x128x1xi32, #tpu.memory_space<smem>>
    %shift_right_arithmetic3A_433 = arith.constant 7 : i32
    %shift_right_arithmetic3A_434 = arith.shrsi %get3A_432, %shift_right_arithmetic3A_433 : i32
    %mul3A_435 = arith.constant 128 : i32
    %mul3A_436 = arith.muli %shift_right_arithmetic3A_434, %mul3A_435 : i32
    %get3A_437 = arith.constant 18 : index
    %get3A_438 = arith.index_cast %mul3A_436 : i32 to index
    %get3A_439 = vector.load %arg3[%get3A_437, %get3A_438] : memref<128x16384xf32, #tpu.memory_space<vmem>>, vector<1x128xf32>
    %and3A_440 = arith.constant 127 : i32
    %and3A_441 = arith.andi %get3A_432, %and3A_440 : i32
    %eq3A_442 = vector.broadcast %and3A_441 : i32 to vector<1x128xi32>
    %eq3A_443 = arith.cmpi eq, %iota3A, %eq3A_442 : vector<1x128xi32>
    %ne3A_444 = arith.constant 0 : i32
    %ne3A_445 = arith.cmpi ne, %get3A_432, %ne3A_444 : i32
    %and3A_446 = vector.broadcast %ne3A_445 : i1 to vector<1x128xi1>
    %and3A_447 = arith.andi %eq3A_443, %and3A_446 : vector<1x128xi1>
    %jit3A_448 = arith.constant 0.000000e+00 : f32
    %broadcast_in_dim3A_449 = vector.broadcast %jit3A_448 : f32 to vector<1x128xf32>
    %select_n3A_450 = arith.select %and3A_447, %get3A_439, %broadcast_in_dim3A_449 : vector<1x128xi1>, vector<1x128xf32>
    %add3A_451 = arith.addf %add3A_428, %select_n3A_450 : vector<1x128xf32>
    %get3A_452 = arith.constant 0 : index
    %get3A_453 = arith.constant 19 : index
    %get3A_454 = arith.constant 0 : index
    %get3A_455 = memref.load %arg1[%get3A_452, %get3A_453, %get3A_454] : memref<1x128x1xi32, #tpu.memory_space<smem>>
    %shift_right_arithmetic3A_456 = arith.constant 7 : i32
    %shift_right_arithmetic3A_457 = arith.shrsi %get3A_455, %shift_right_arithmetic3A_456 : i32
    %mul3A_458 = arith.constant 128 : i32
    %mul3A_459 = arith.muli %shift_right_arithmetic3A_457, %mul3A_458 : i32
    %get3A_460 = arith.constant 19 : index
    %get3A_461 = arith.index_cast %mul3A_459 : i32 to index
    %get3A_462 = vector.load %arg3[%get3A_460, %get3A_461] : memref<128x16384xf32, #tpu.memory_space<vmem>>, vector<1x128xf32>
    %and3A_463 = arith.constant 127 : i32
    %and3A_464 = arith.andi %get3A_455, %and3A_463 : i32
    %eq3A_465 = vector.broadcast %and3A_464 : i32 to vector<1x128xi32>
    %eq3A_466 = arith.cmpi eq, %iota3A, %eq3A_465 : vector<1x128xi32>
    %ne3A_467 = arith.constant 0 : i32
    %ne3A_468 = arith.cmpi ne, %get3A_455, %ne3A_467 : i32
    %and3A_469 = vector.broadcast %ne3A_468 : i1 to vector<1x128xi1>
    %and3A_470 = arith.andi %eq3A_466, %and3A_469 : vector<1x128xi1>
    %jit3A_471 = arith.constant 0.000000e+00 : f32
    %broadcast_in_dim3A_472 = vector.broadcast %jit3A_471 : f32 to vector<1x128xf32>
    %select_n3A_473 = arith.select %and3A_470, %get3A_462, %broadcast_in_dim3A_472 : vector<1x128xi1>, vector<1x128xf32>
    %add3A_474 = arith.addf %add3A_451, %select_n3A_473 : vector<1x128xf32>
    %get3A_475 = arith.constant 0 : index
    %get3A_476 = arith.constant 20 : index
    %get3A_477 = arith.constant 0 : index
    %get3A_478 = memref.load %arg1[%get3A_475, %get3A_476, %get3A_477] : memref<1x128x1xi32, #tpu.memory_space<smem>>
    %shift_right_arithmetic3A_479 = arith.constant 7 : i32
    %shift_right_arithmetic3A_480 = arith.shrsi %get3A_478, %shift_right_arithmetic3A_479 : i32
    %mul3A_481 = arith.constant 128 : i32
    %mul3A_482 = arith.muli %shift_right_arithmetic3A_480, %mul3A_481 : i32
    %get3A_483 = arith.constant 20 : index
    %get3A_484 = arith.index_cast %mul3A_482 : i32 to index
    %get3A_485 = vector.load %arg3[%get3A_483, %get3A_484] : memref<128x16384xf32, #tpu.memory_space<vmem>>, vector<1x128xf32>
    %and3A_486 = arith.constant 127 : i32
    %and3A_487 = arith.andi %get3A_478, %and3A_486 : i32
    %eq3A_488 = vector.broadcast %and3A_487 : i32 to vector<1x128xi32>
    %eq3A_489 = arith.cmpi eq, %iota3A, %eq3A_488 : vector<1x128xi32>
    %ne3A_490 = arith.constant 0 : i32
    %ne3A_491 = arith.cmpi ne, %get3A_478, %ne3A_490 : i32
    %and3A_492 = vector.broadcast %ne3A_491 : i1 to vector<1x128xi1>
    %and3A_493 = arith.andi %eq3A_489, %and3A_492 : vector<1x128xi1>
    %jit3A_494 = arith.constant 0.000000e+00 : f32
    %broadcast_in_dim3A_495 = vector.broadcast %jit3A_494 : f32 to vector<1x128xf32>
    %select_n3A_496 = arith.select %and3A_493, %get3A_485, %broadcast_in_dim3A_495 : vector<1x128xi1>, vector<1x128xf32>
    %add3A_497 = arith.addf %add3A_474, %select_n3A_496 : vector<1x128xf32>
    %get3A_498 = arith.constant 0 : index
    %get3A_499 = arith.constant 21 : index
    %get3A_500 = arith.constant 0 : index
    %get3A_501 = memref.load %arg1[%get3A_498, %get3A_499, %get3A_500] : memref<1x128x1xi32, #tpu.memory_space<smem>>
    %shift_right_arithmetic3A_502 = arith.constant 7 : i32
    %shift_right_arithmetic3A_503 = arith.shrsi %get3A_501, %shift_right_arithmetic3A_502 : i32
    %mul3A_504 = arith.constant 128 : i32
    %mul3A_505 = arith.muli %shift_right_arithmetic3A_503, %mul3A_504 : i32
    %get3A_506 = arith.constant 21 : index
    %get3A_507 = arith.index_cast %mul3A_505 : i32 to index
    %get3A_508 = vector.load %arg3[%get3A_506, %get3A_507] : memref<128x16384xf32, #tpu.memory_space<vmem>>, vector<1x128xf32>
    %and3A_509 = arith.constant 127 : i32
    %and3A_510 = arith.andi %get3A_501, %and3A_509 : i32
    %eq3A_511 = vector.broadcast %and3A_510 : i32 to vector<1x128xi32>
    %eq3A_512 = arith.cmpi eq, %iota3A, %eq3A_511 : vector<1x128xi32>
    %ne3A_513 = arith.constant 0 : i32
    %ne3A_514 = arith.cmpi ne, %get3A_501, %ne3A_513 : i32
    %and3A_515 = vector.broadcast %ne3A_514 : i1 to vector<1x128xi1>
    %and3A_516 = arith.andi %eq3A_512, %and3A_515 : vector<1x128xi1>
    %jit3A_517 = arith.constant 0.000000e+00 : f32
    %broadcast_in_dim3A_518 = vector.broadcast %jit3A_517 : f32 to vector<1x128xf32>
    %select_n3A_519 = arith.select %and3A_516, %get3A_508, %broadcast_in_dim3A_518 : vector<1x128xi1>, vector<1x128xf32>
    %add3A_520 = arith.addf %add3A_497, %select_n3A_519 : vector<1x128xf32>
    %get3A_521 = arith.constant 0 : index
    %get3A_522 = arith.constant 22 : index
    %get3A_523 = arith.constant 0 : index
    %get3A_524 = memref.load %arg1[%get3A_521, %get3A_522, %get3A_523] : memref<1x128x1xi32, #tpu.memory_space<smem>>
    %shift_right_arithmetic3A_525 = arith.constant 7 : i32
    %shift_right_arithmetic3A_526 = arith.shrsi %get3A_524, %shift_right_arithmetic3A_525 : i32
    %mul3A_527 = arith.constant 128 : i32
    %mul3A_528 = arith.muli %shift_right_arithmetic3A_526, %mul3A_527 : i32
    %get3A_529 = arith.constant 22 : index
    %get3A_530 = arith.index_cast %mul3A_528 : i32 to index
    %get3A_531 = vector.load %arg3[%get3A_529, %get3A_530] : memref<128x16384xf32, #tpu.memory_space<vmem>>, vector<1x128xf32>
    %and3A_532 = arith.constant 127 : i32
    %and3A_533 = arith.andi %get3A_524, %and3A_532 : i32
    %eq3A_534 = vector.broadcast %and3A_533 : i32 to vector<1x128xi32>
    %eq3A_535 = arith.cmpi eq, %iota3A, %eq3A_534 : vector<1x128xi32>
    %ne3A_536 = arith.constant 0 : i32
    %ne3A_537 = arith.cmpi ne, %get3A_524, %ne3A_536 : i32
    %and3A_538 = vector.broadcast %ne3A_537 : i1 to vector<1x128xi1>
    %and3A_539 = arith.andi %eq3A_535, %and3A_538 : vector<1x128xi1>
    %jit3A_540 = arith.constant 0.000000e+00 : f32
    %broadcast_in_dim3A_541 = vector.broadcast %jit3A_540 : f32 to vector<1x128xf32>
    %select_n3A_542 = arith.select %and3A_539, %get3A_531, %broadcast_in_dim3A_541 : vector<1x128xi1>, vector<1x128xf32>
    %add3A_543 = arith.addf %add3A_520, %select_n3A_542 : vector<1x128xf32>
    %get3A_544 = arith.constant 0 : index
    %get3A_545 = arith.constant 23 : index
    %get3A_546 = arith.constant 0 : index
    %get3A_547 = memref.load %arg1[%get3A_544, %get3A_545, %get3A_546] : memref<1x128x1xi32, #tpu.memory_space<smem>>
    %shift_right_arithmetic3A_548 = arith.constant 7 : i32
    %shift_right_arithmetic3A_549 = arith.shrsi %get3A_547, %shift_right_arithmetic3A_548 : i32
    %mul3A_550 = arith.constant 128 : i32
    %mul3A_551 = arith.muli %shift_right_arithmetic3A_549, %mul3A_550 : i32
    %get3A_552 = arith.constant 23 : index
    %get3A_553 = arith.index_cast %mul3A_551 : i32 to index
    %get3A_554 = vector.load %arg3[%get3A_552, %get3A_553] : memref<128x16384xf32, #tpu.memory_space<vmem>>, vector<1x128xf32>
    %and3A_555 = arith.constant 127 : i32
    %and3A_556 = arith.andi %get3A_547, %and3A_555 : i32
    %eq3A_557 = vector.broadcast %and3A_556 : i32 to vector<1x128xi32>
    %eq3A_558 = arith.cmpi eq, %iota3A, %eq3A_557 : vector<1x128xi32>
    %ne3A_559 = arith.constant 0 : i32
    %ne3A_560 = arith.cmpi ne, %get3A_547, %ne3A_559 : i32
    %and3A_561 = vector.broadcast %ne3A_560 : i1 to vector<1x128xi1>
    %and3A_562 = arith.andi %eq3A_558, %and3A_561 : vector<1x128xi1>
    %jit3A_563 = arith.constant 0.000000e+00 : f32
    %broadcast_in_dim3A_564 = vector.broadcast %jit3A_563 : f32 to vector<1x128xf32>
    %select_n3A_565 = arith.select %and3A_562, %get3A_554, %broadcast_in_dim3A_564 : vector<1x128xi1>, vector<1x128xf32>
    %add3A_566 = arith.addf %add3A_543, %select_n3A_565 : vector<1x128xf32>
    %get3A_567 = arith.constant 0 : index
    %get3A_568 = arith.constant 24 : index
    %get3A_569 = arith.constant 0 : index
    %get3A_570 = memref.load %arg1[%get3A_567, %get3A_568, %get3A_569] : memref<1x128x1xi32, #tpu.memory_space<smem>>
    %shift_right_arithmetic3A_571 = arith.constant 7 : i32
    %shift_right_arithmetic3A_572 = arith.shrsi %get3A_570, %shift_right_arithmetic3A_571 : i32
    %mul3A_573 = arith.constant 128 : i32
    %mul3A_574 = arith.muli %shift_right_arithmetic3A_572, %mul3A_573 : i32
    %get3A_575 = arith.constant 24 : index
    %get3A_576 = arith.index_cast %mul3A_574 : i32 to index
    %get3A_577 = vector.load %arg3[%get3A_575, %get3A_576] : memref<128x16384xf32, #tpu.memory_space<vmem>>, vector<1x128xf32>
    %and3A_578 = arith.constant 127 : i32
    %and3A_579 = arith.andi %get3A_570, %and3A_578 : i32
    %eq3A_580 = vector.broadcast %and3A_579 : i32 to vector<1x128xi32>
    %eq3A_581 = arith.cmpi eq, %iota3A, %eq3A_580 : vector<1x128xi32>
    %ne3A_582 = arith.constant 0 : i32
    %ne3A_583 = arith.cmpi ne, %get3A_570, %ne3A_582 : i32
    %and3A_584 = vector.broadcast %ne3A_583 : i1 to vector<1x128xi1>
    %and3A_585 = arith.andi %eq3A_581, %and3A_584 : vector<1x128xi1>
    %jit3A_586 = arith.constant 0.000000e+00 : f32
    %broadcast_in_dim3A_587 = vector.broadcast %jit3A_586 : f32 to vector<1x128xf32>
    %select_n3A_588 = arith.select %and3A_585, %get3A_577, %broadcast_in_dim3A_587 : vector<1x128xi1>, vector<1x128xf32>
    %add3A_589 = arith.addf %add3A_566, %select_n3A_588 : vector<1x128xf32>
    %get3A_590 = arith.constant 0 : index
    %get3A_591 = arith.constant 25 : index
    %get3A_592 = arith.constant 0 : index
    %get3A_593 = memref.load %arg1[%get3A_590, %get3A_591, %get3A_592] : memref<1x128x1xi32, #tpu.memory_space<smem>>
    %shift_right_arithmetic3A_594 = arith.constant 7 : i32
    %shift_right_arithmetic3A_595 = arith.shrsi %get3A_593, %shift_right_arithmetic3A_594 : i32
    %mul3A_596 = arith.constant 128 : i32
    %mul3A_597 = arith.muli %shift_right_arithmetic3A_595, %mul3A_596 : i32
    %get3A_598 = arith.constant 25 : index
    %get3A_599 = arith.index_cast %mul3A_597 : i32 to index
    %get3A_600 = vector.load %arg3[%get3A_598, %get3A_599] : memref<128x16384xf32, #tpu.memory_space<vmem>>, vector<1x128xf32>
    %and3A_601 = arith.constant 127 : i32
    %and3A_602 = arith.andi %get3A_593, %and3A_601 : i32
    %eq3A_603 = vector.broadcast %and3A_602 : i32 to vector<1x128xi32>
    %eq3A_604 = arith.cmpi eq, %iota3A, %eq3A_603 : vector<1x128xi32>
    %ne3A_605 = arith.constant 0 : i32
    %ne3A_606 = arith.cmpi ne, %get3A_593, %ne3A_605 : i32
    %and3A_607 = vector.broadcast %ne3A_606 : i1 to vector<1x128xi1>
    %and3A_608 = arith.andi %eq3A_604, %and3A_607 : vector<1x128xi1>
    %jit3A_609 = arith.constant 0.000000e+00 : f32
    %broadcast_in_dim3A_610 = vector.broadcast %jit3A_609 : f32 to vector<1x128xf32>
    %select_n3A_611 = arith.select %and3A_608, %get3A_600, %broadcast_in_dim3A_610 : vector<1x128xi1>, vector<1x128xf32>
    %add3A_612 = arith.addf %add3A_589, %select_n3A_611 : vector<1x128xf32>
    %get3A_613 = arith.constant 0 : index
    %get3A_614 = arith.constant 26 : index
    %get3A_615 = arith.constant 0 : index
    %get3A_616 = memref.load %arg1[%get3A_613, %get3A_614, %get3A_615] : memref<1x128x1xi32, #tpu.memory_space<smem>>
    %shift_right_arithmetic3A_617 = arith.constant 7 : i32
    %shift_right_arithmetic3A_618 = arith.shrsi %get3A_616, %shift_right_arithmetic3A_617 : i32
    %mul3A_619 = arith.constant 128 : i32
    %mul3A_620 = arith.muli %shift_right_arithmetic3A_618, %mul3A_619 : i32
    %get3A_621 = arith.constant 26 : index
    %get3A_622 = arith.index_cast %mul3A_620 : i32 to index
    %get3A_623 = vector.load %arg3[%get3A_621, %get3A_622] : memref<128x16384xf32, #tpu.memory_space<vmem>>, vector<1x128xf32>
    %and3A_624 = arith.constant 127 : i32
    %and3A_625 = arith.andi %get3A_616, %and3A_624 : i32
    %eq3A_626 = vector.broadcast %and3A_625 : i32 to vector<1x128xi32>
    %eq3A_627 = arith.cmpi eq, %iota3A, %eq3A_626 : vector<1x128xi32>
    %ne3A_628 = arith.constant 0 : i32
    %ne3A_629 = arith.cmpi ne, %get3A_616, %ne3A_628 : i32
    %and3A_630 = vector.broadcast %ne3A_629 : i1 to vector<1x128xi1>
    %and3A_631 = arith.andi %eq3A_627, %and3A_630 : vector<1x128xi1>
    %jit3A_632 = arith.constant 0.000000e+00 : f32
    %broadcast_in_dim3A_633 = vector.broadcast %jit3A_632 : f32 to vector<1x128xf32>
    %select_n3A_634 = arith.select %and3A_631, %get3A_623, %broadcast_in_dim3A_633 : vector<1x128xi1>, vector<1x128xf32>
    %add3A_635 = arith.addf %add3A_612, %select_n3A_634 : vector<1x128xf32>
    %get3A_636 = arith.constant 0 : index
    %get3A_637 = arith.constant 27 : index
    %get3A_638 = arith.constant 0 : index
    %get3A_639 = memref.load %arg1[%get3A_636, %get3A_637, %get3A_638] : memref<1x128x1xi32, #tpu.memory_space<smem>>
    %shift_right_arithmetic3A_640 = arith.constant 7 : i32
    %shift_right_arithmetic3A_641 = arith.shrsi %get3A_639, %shift_right_arithmetic3A_640 : i32
    %mul3A_642 = arith.constant 128 : i32
    %mul3A_643 = arith.muli %shift_right_arithmetic3A_641, %mul3A_642 : i32
    %get3A_644 = arith.constant 27 : index
    %get3A_645 = arith.index_cast %mul3A_643 : i32 to index
    %get3A_646 = vector.load %arg3[%get3A_644, %get3A_645] : memref<128x16384xf32, #tpu.memory_space<vmem>>, vector<1x128xf32>
    %and3A_647 = arith.constant 127 : i32
    %and3A_648 = arith.andi %get3A_639, %and3A_647 : i32
    %eq3A_649 = vector.broadcast %and3A_648 : i32 to vector<1x128xi32>
    %eq3A_650 = arith.cmpi eq, %iota3A, %eq3A_649 : vector<1x128xi32>
    %ne3A_651 = arith.constant 0 : i32
    %ne3A_652 = arith.cmpi ne, %get3A_639, %ne3A_651 : i32
    %and3A_653 = vector.broadcast %ne3A_652 : i1 to vector<1x128xi1>
    %and3A_654 = arith.andi %eq3A_650, %and3A_653 : vector<1x128xi1>
    %jit3A_655 = arith.constant 0.000000e+00 : f32
    %broadcast_in_dim3A_656 = vector.broadcast %jit3A_655 : f32 to vector<1x128xf32>
    %select_n3A_657 = arith.select %and3A_654, %get3A_646, %broadcast_in_dim3A_656 : vector<1x128xi1>, vector<1x128xf32>
    %add3A_658 = arith.addf %add3A_635, %select_n3A_657 : vector<1x128xf32>
    %get3A_659 = arith.constant 0 : index
    %get3A_660 = arith.constant 28 : index
    %get3A_661 = arith.constant 0 : index
    %get3A_662 = memref.load %arg1[%get3A_659, %get3A_660, %get3A_661] : memref<1x128x1xi32, #tpu.memory_space<smem>>
    %shift_right_arithmetic3A_663 = arith.constant 7 : i32
    %shift_right_arithmetic3A_664 = arith.shrsi %get3A_662, %shift_right_arithmetic3A_663 : i32
    %mul3A_665 = arith.constant 128 : i32
    %mul3A_666 = arith.muli %shift_right_arithmetic3A_664, %mul3A_665 : i32
    %get3A_667 = arith.constant 28 : index
    %get3A_668 = arith.index_cast %mul3A_666 : i32 to index
    %get3A_669 = vector.load %arg3[%get3A_667, %get3A_668] : memref<128x16384xf32, #tpu.memory_space<vmem>>, vector<1x128xf32>
    %and3A_670 = arith.constant 127 : i32
    %and3A_671 = arith.andi %get3A_662, %and3A_670 : i32
    %eq3A_672 = vector.broadcast %and3A_671 : i32 to vector<1x128xi32>
    %eq3A_673 = arith.cmpi eq, %iota3A, %eq3A_672 : vector<1x128xi32>
    %ne3A_674 = arith.constant 0 : i32
    %ne3A_675 = arith.cmpi ne, %get3A_662, %ne3A_674 : i32
    %and3A_676 = vector.broadcast %ne3A_675 : i1 to vector<1x128xi1>
    %and3A_677 = arith.andi %eq3A_673, %and3A_676 : vector<1x128xi1>
    %jit3A_678 = arith.constant 0.000000e+00 : f32
    %broadcast_in_dim3A_679 = vector.broadcast %jit3A_678 : f32 to vector<1x128xf32>
    %select_n3A_680 = arith.select %and3A_677, %get3A_669, %broadcast_in_dim3A_679 : vector<1x128xi1>, vector<1x128xf32>
    %add3A_681 = arith.addf %add3A_658, %select_n3A_680 : vector<1x128xf32>
    %get3A_682 = arith.constant 0 : index
    %get3A_683 = arith.constant 29 : index
    %get3A_684 = arith.constant 0 : index
    %get3A_685 = memref.load %arg1[%get3A_682, %get3A_683, %get3A_684] : memref<1x128x1xi32, #tpu.memory_space<smem>>
    %shift_right_arithmetic3A_686 = arith.constant 7 : i32
    %shift_right_arithmetic3A_687 = arith.shrsi %get3A_685, %shift_right_arithmetic3A_686 : i32
    %mul3A_688 = arith.constant 128 : i32
    %mul3A_689 = arith.muli %shift_right_arithmetic3A_687, %mul3A_688 : i32
    %get3A_690 = arith.constant 29 : index
    %get3A_691 = arith.index_cast %mul3A_689 : i32 to index
    %get3A_692 = vector.load %arg3[%get3A_690, %get3A_691] : memref<128x16384xf32, #tpu.memory_space<vmem>>, vector<1x128xf32>
    %and3A_693 = arith.constant 127 : i32
    %and3A_694 = arith.andi %get3A_685, %and3A_693 : i32
    %eq3A_695 = vector.broadcast %and3A_694 : i32 to vector<1x128xi32>
    %eq3A_696 = arith.cmpi eq, %iota3A, %eq3A_695 : vector<1x128xi32>
    %ne3A_697 = arith.constant 0 : i32
    %ne3A_698 = arith.cmpi ne, %get3A_685, %ne3A_697 : i32
    %and3A_699 = vector.broadcast %ne3A_698 : i1 to vector<1x128xi1>
    %and3A_700 = arith.andi %eq3A_696, %and3A_699 : vector<1x128xi1>
    %jit3A_701 = arith.constant 0.000000e+00 : f32
    %broadcast_in_dim3A_702 = vector.broadcast %jit3A_701 : f32 to vector<1x128xf32>
    %select_n3A_703 = arith.select %and3A_700, %get3A_692, %broadcast_in_dim3A_702 : vector<1x128xi1>, vector<1x128xf32>
    %add3A_704 = arith.addf %add3A_681, %select_n3A_703 : vector<1x128xf32>
    %get3A_705 = arith.constant 0 : index
    %get3A_706 = arith.constant 30 : index
    %get3A_707 = arith.constant 0 : index
    %get3A_708 = memref.load %arg1[%get3A_705, %get3A_706, %get3A_707] : memref<1x128x1xi32, #tpu.memory_space<smem>>
    %shift_right_arithmetic3A_709 = arith.constant 7 : i32
    %shift_right_arithmetic3A_710 = arith.shrsi %get3A_708, %shift_right_arithmetic3A_709 : i32
    %mul3A_711 = arith.constant 128 : i32
    %mul3A_712 = arith.muli %shift_right_arithmetic3A_710, %mul3A_711 : i32
    %get3A_713 = arith.constant 30 : index
    %get3A_714 = arith.index_cast %mul3A_712 : i32 to index
    %get3A_715 = vector.load %arg3[%get3A_713, %get3A_714] : memref<128x16384xf32, #tpu.memory_space<vmem>>, vector<1x128xf32>
    %and3A_716 = arith.constant 127 : i32
    %and3A_717 = arith.andi %get3A_708, %and3A_716 : i32
    %eq3A_718 = vector.broadcast %and3A_717 : i32 to vector<1x128xi32>
    %eq3A_719 = arith.cmpi eq, %iota3A, %eq3A_718 : vector<1x128xi32>
    %ne3A_720 = arith.constant 0 : i32
    %ne3A_721 = arith.cmpi ne, %get3A_708, %ne3A_720 : i32
    %and3A_722 = vector.broadcast %ne3A_721 : i1 to vector<1x128xi1>
    %and3A_723 = arith.andi %eq3A_719, %and3A_722 : vector<1x128xi1>
    %jit3A_724 = arith.constant 0.000000e+00 : f32
    %broadcast_in_dim3A_725 = vector.broadcast %jit3A_724 : f32 to vector<1x128xf32>
    %select_n3A_726 = arith.select %and3A_723, %get3A_715, %broadcast_in_dim3A_725 : vector<1x128xi1>, vector<1x128xf32>
    %add3A_727 = arith.addf %add3A_704, %select_n3A_726 : vector<1x128xf32>
    %get3A_728 = arith.constant 0 : index
    %get3A_729 = arith.constant 31 : index
    %get3A_730 = arith.constant 0 : index
    %get3A_731 = memref.load %arg1[%get3A_728, %get3A_729, %get3A_730] : memref<1x128x1xi32, #tpu.memory_space<smem>>
    %shift_right_arithmetic3A_732 = arith.constant 7 : i32
    %shift_right_arithmetic3A_733 = arith.shrsi %get3A_731, %shift_right_arithmetic3A_732 : i32
    %mul3A_734 = arith.constant 128 : i32
    %mul3A_735 = arith.muli %shift_right_arithmetic3A_733, %mul3A_734 : i32
    %get3A_736 = arith.constant 31 : index
    %get3A_737 = arith.index_cast %mul3A_735 : i32 to index
    %get3A_738 = vector.load %arg3[%get3A_736, %get3A_737] : memref<128x16384xf32, #tpu.memory_space<vmem>>, vector<1x128xf32>
    %and3A_739 = arith.constant 127 : i32
    %and3A_740 = arith.andi %get3A_731, %and3A_739 : i32
    %eq3A_741 = vector.broadcast %and3A_740 : i32 to vector<1x128xi32>
    %eq3A_742 = arith.cmpi eq, %iota3A, %eq3A_741 : vector<1x128xi32>
    %ne3A_743 = arith.constant 0 : i32
    %ne3A_744 = arith.cmpi ne, %get3A_731, %ne3A_743 : i32
    %and3A_745 = vector.broadcast %ne3A_744 : i1 to vector<1x128xi1>
    %and3A_746 = arith.andi %eq3A_742, %and3A_745 : vector<1x128xi1>
    %jit3A_747 = arith.constant 0.000000e+00 : f32
    %broadcast_in_dim3A_748 = vector.broadcast %jit3A_747 : f32 to vector<1x128xf32>
    %select_n3A_749 = arith.select %and3A_746, %get3A_738, %broadcast_in_dim3A_748 : vector<1x128xi1>, vector<1x128xf32>
    %add3A_750 = arith.addf %add3A_727, %select_n3A_749 : vector<1x128xf32>
    %get3A_751 = arith.constant 0 : index
    %get3A_752 = arith.constant 32 : index
    %get3A_753 = arith.constant 0 : index
    %get3A_754 = memref.load %arg1[%get3A_751, %get3A_752, %get3A_753] : memref<1x128x1xi32, #tpu.memory_space<smem>>
    %shift_right_arithmetic3A_755 = arith.constant 7 : i32
    %shift_right_arithmetic3A_756 = arith.shrsi %get3A_754, %shift_right_arithmetic3A_755 : i32
    %mul3A_757 = arith.constant 128 : i32
    %mul3A_758 = arith.muli %shift_right_arithmetic3A_756, %mul3A_757 : i32
    %get3A_759 = arith.constant 32 : index
    %get3A_760 = arith.index_cast %mul3A_758 : i32 to index
    %get3A_761 = vector.load %arg3[%get3A_759, %get3A_760] : memref<128x16384xf32, #tpu.memory_space<vmem>>, vector<1x128xf32>
    %and3A_762 = arith.constant 127 : i32
    %and3A_763 = arith.andi %get3A_754, %and3A_762 : i32
    %eq3A_764 = vector.broadcast %and3A_763 : i32 to vector<1x128xi32>
    %eq3A_765 = arith.cmpi eq, %iota3A, %eq3A_764 : vector<1x128xi32>
    %ne3A_766 = arith.constant 0 : i32
    %ne3A_767 = arith.cmpi ne, %get3A_754, %ne3A_766 : i32
    %and3A_768 = vector.broadcast %ne3A_767 : i1 to vector<1x128xi1>
    %and3A_769 = arith.andi %eq3A_765, %and3A_768 : vector<1x128xi1>
    %jit3A_770 = arith.constant 0.000000e+00 : f32
    %broadcast_in_dim3A_771 = vector.broadcast %jit3A_770 : f32 to vector<1x128xf32>
    %select_n3A_772 = arith.select %and3A_769, %get3A_761, %broadcast_in_dim3A_771 : vector<1x128xi1>, vector<1x128xf32>
    %add3A_773 = arith.addf %add3A_750, %select_n3A_772 : vector<1x128xf32>
    %get3A_774 = arith.constant 0 : index
    %get3A_775 = arith.constant 33 : index
    %get3A_776 = arith.constant 0 : index
    %get3A_777 = memref.load %arg1[%get3A_774, %get3A_775, %get3A_776] : memref<1x128x1xi32, #tpu.memory_space<smem>>
    %shift_right_arithmetic3A_778 = arith.constant 7 : i32
    %shift_right_arithmetic3A_779 = arith.shrsi %get3A_777, %shift_right_arithmetic3A_778 : i32
    %mul3A_780 = arith.constant 128 : i32
    %mul3A_781 = arith.muli %shift_right_arithmetic3A_779, %mul3A_780 : i32
    %get3A_782 = arith.constant 33 : index
    %get3A_783 = arith.index_cast %mul3A_781 : i32 to index
    %get3A_784 = vector.load %arg3[%get3A_782, %get3A_783] : memref<128x16384xf32, #tpu.memory_space<vmem>>, vector<1x128xf32>
    %and3A_785 = arith.constant 127 : i32
    %and3A_786 = arith.andi %get3A_777, %and3A_785 : i32
    %eq3A_787 = vector.broadcast %and3A_786 : i32 to vector<1x128xi32>
    %eq3A_788 = arith.cmpi eq, %iota3A, %eq3A_787 : vector<1x128xi32>
    %ne3A_789 = arith.constant 0 : i32
    %ne3A_790 = arith.cmpi ne, %get3A_777, %ne3A_789 : i32
    %and3A_791 = vector.broadcast %ne3A_790 : i1 to vector<1x128xi1>
    %and3A_792 = arith.andi %eq3A_788, %and3A_791 : vector<1x128xi1>
    %jit3A_793 = arith.constant 0.000000e+00 : f32
    %broadcast_in_dim3A_794 = vector.broadcast %jit3A_793 : f32 to vector<1x128xf32>
    %select_n3A_795 = arith.select %and3A_792, %get3A_784, %broadcast_in_dim3A_794 : vector<1x128xi1>, vector<1x128xf32>
    %add3A_796 = arith.addf %add3A_773, %select_n3A_795 : vector<1x128xf32>
    %get3A_797 = arith.constant 0 : index
    %get3A_798 = arith.constant 34 : index
    %get3A_799 = arith.constant 0 : index
    %get3A_800 = memref.load %arg1[%get3A_797, %get3A_798, %get3A_799] : memref<1x128x1xi32, #tpu.memory_space<smem>>
    %shift_right_arithmetic3A_801 = arith.constant 7 : i32
    %shift_right_arithmetic3A_802 = arith.shrsi %get3A_800, %shift_right_arithmetic3A_801 : i32
    %mul3A_803 = arith.constant 128 : i32
    %mul3A_804 = arith.muli %shift_right_arithmetic3A_802, %mul3A_803 : i32
    %get3A_805 = arith.constant 34 : index
    %get3A_806 = arith.index_cast %mul3A_804 : i32 to index
    %get3A_807 = vector.load %arg3[%get3A_805, %get3A_806] : memref<128x16384xf32, #tpu.memory_space<vmem>>, vector<1x128xf32>
    %and3A_808 = arith.constant 127 : i32
    %and3A_809 = arith.andi %get3A_800, %and3A_808 : i32
    %eq3A_810 = vector.broadcast %and3A_809 : i32 to vector<1x128xi32>
    %eq3A_811 = arith.cmpi eq, %iota3A, %eq3A_810 : vector<1x128xi32>
    %ne3A_812 = arith.constant 0 : i32
    %ne3A_813 = arith.cmpi ne, %get3A_800, %ne3A_812 : i32
    %and3A_814 = vector.broadcast %ne3A_813 : i1 to vector<1x128xi1>
    %and3A_815 = arith.andi %eq3A_811, %and3A_814 : vector<1x128xi1>
    %jit3A_816 = arith.constant 0.000000e+00 : f32
    %broadcast_in_dim3A_817 = vector.broadcast %jit3A_816 : f32 to vector<1x128xf32>
    %select_n3A_818 = arith.select %and3A_815, %get3A_807, %broadcast_in_dim3A_817 : vector<1x128xi1>, vector<1x128xf32>
    %add3A_819 = arith.addf %add3A_796, %select_n3A_818 : vector<1x128xf32>
    %get3A_820 = arith.constant 0 : index
    %get3A_821 = arith.constant 35 : index
    %get3A_822 = arith.constant 0 : index
    %get3A_823 = memref.load %arg1[%get3A_820, %get3A_821, %get3A_822] : memref<1x128x1xi32, #tpu.memory_space<smem>>
    %shift_right_arithmetic3A_824 = arith.constant 7 : i32
    %shift_right_arithmetic3A_825 = arith.shrsi %get3A_823, %shift_right_arithmetic3A_824 : i32
    %mul3A_826 = arith.constant 128 : i32
    %mul3A_827 = arith.muli %shift_right_arithmetic3A_825, %mul3A_826 : i32
    %get3A_828 = arith.constant 35 : index
    %get3A_829 = arith.index_cast %mul3A_827 : i32 to index
    %get3A_830 = vector.load %arg3[%get3A_828, %get3A_829] : memref<128x16384xf32, #tpu.memory_space<vmem>>, vector<1x128xf32>
    %and3A_831 = arith.constant 127 : i32
    %and3A_832 = arith.andi %get3A_823, %and3A_831 : i32
    %eq3A_833 = vector.broadcast %and3A_832 : i32 to vector<1x128xi32>
    %eq3A_834 = arith.cmpi eq, %iota3A, %eq3A_833 : vector<1x128xi32>
    %ne3A_835 = arith.constant 0 : i32
    %ne3A_836 = arith.cmpi ne, %get3A_823, %ne3A_835 : i32
    %and3A_837 = vector.broadcast %ne3A_836 : i1 to vector<1x128xi1>
    %and3A_838 = arith.andi %eq3A_834, %and3A_837 : vector<1x128xi1>
    %jit3A_839 = arith.constant 0.000000e+00 : f32
    %broadcast_in_dim3A_840 = vector.broadcast %jit3A_839 : f32 to vector<1x128xf32>
    %select_n3A_841 = arith.select %and3A_838, %get3A_830, %broadcast_in_dim3A_840 : vector<1x128xi1>, vector<1x128xf32>
    %add3A_842 = arith.addf %add3A_819, %select_n3A_841 : vector<1x128xf32>
    %get3A_843 = arith.constant 0 : index
    %get3A_844 = arith.constant 36 : index
    %get3A_845 = arith.constant 0 : index
    %get3A_846 = memref.load %arg1[%get3A_843, %get3A_844, %get3A_845] : memref<1x128x1xi32, #tpu.memory_space<smem>>
    %shift_right_arithmetic3A_847 = arith.constant 7 : i32
    %shift_right_arithmetic3A_848 = arith.shrsi %get3A_846, %shift_right_arithmetic3A_847 : i32
    %mul3A_849 = arith.constant 128 : i32
    %mul3A_850 = arith.muli %shift_right_arithmetic3A_848, %mul3A_849 : i32
    %get3A_851 = arith.constant 36 : index
    %get3A_852 = arith.index_cast %mul3A_850 : i32 to index
    %get3A_853 = vector.load %arg3[%get3A_851, %get3A_852] : memref<128x16384xf32, #tpu.memory_space<vmem>>, vector<1x128xf32>
    %and3A_854 = arith.constant 127 : i32
    %and3A_855 = arith.andi %get3A_846, %and3A_854 : i32
    %eq3A_856 = vector.broadcast %and3A_855 : i32 to vector<1x128xi32>
    %eq3A_857 = arith.cmpi eq, %iota3A, %eq3A_856 : vector<1x128xi32>
    %ne3A_858 = arith.constant 0 : i32
    %ne3A_859 = arith.cmpi ne, %get3A_846, %ne3A_858 : i32
    %and3A_860 = vector.broadcast %ne3A_859 : i1 to vector<1x128xi1>
    %and3A_861 = arith.andi %eq3A_857, %and3A_860 : vector<1x128xi1>
    %jit3A_862 = arith.constant 0.000000e+00 : f32
    %broadcast_in_dim3A_863 = vector.broadcast %jit3A_862 : f32 to vector<1x128xf32>
    %select_n3A_864 = arith.select %and3A_861, %get3A_853, %broadcast_in_dim3A_863 : vector<1x128xi1>, vector<1x128xf32>
    %add3A_865 = arith.addf %add3A_842, %select_n3A_864 : vector<1x128xf32>
    %get3A_866 = arith.constant 0 : index
    %get3A_867 = arith.constant 37 : index
    %get3A_868 = arith.constant 0 : index
    %get3A_869 = memref.load %arg1[%get3A_866, %get3A_867, %get3A_868] : memref<1x128x1xi32, #tpu.memory_space<smem>>
    %shift_right_arithmetic3A_870 = arith.constant 7 : i32
    %shift_right_arithmetic3A_871 = arith.shrsi %get3A_869, %shift_right_arithmetic3A_870 : i32
    %mul3A_872 = arith.constant 128 : i32
    %mul3A_873 = arith.muli %shift_right_arithmetic3A_871, %mul3A_872 : i32
    %get3A_874 = arith.constant 37 : index
    %get3A_875 = arith.index_cast %mul3A_873 : i32 to index
    %get3A_876 = vector.load %arg3[%get3A_874, %get3A_875] : memref<128x16384xf32, #tpu.memory_space<vmem>>, vector<1x128xf32>
    %and3A_877 = arith.constant 127 : i32
    %and3A_878 = arith.andi %get3A_869, %and3A_877 : i32
    %eq3A_879 = vector.broadcast %and3A_878 : i32 to vector<1x128xi32>
    %eq3A_880 = arith.cmpi eq, %iota3A, %eq3A_879 : vector<1x128xi32>
    %ne3A_881 = arith.constant 0 : i32
    %ne3A_882 = arith.cmpi ne, %get3A_869, %ne3A_881 : i32
    %and3A_883 = vector.broadcast %ne3A_882 : i1 to vector<1x128xi1>
    %and3A_884 = arith.andi %eq3A_880, %and3A_883 : vector<1x128xi1>
    %jit3A_885 = arith.constant 0.000000e+00 : f32
    %broadcast_in_dim3A_886 = vector.broadcast %jit3A_885 : f32 to vector<1x128xf32>
    %select_n3A_887 = arith.select %and3A_884, %get3A_876, %broadcast_in_dim3A_886 : vector<1x128xi1>, vector<1x128xf32>
    %add3A_888 = arith.addf %add3A_865, %select_n3A_887 : vector<1x128xf32>
    %get3A_889 = arith.constant 0 : index
    %get3A_890 = arith.constant 38 : index
    %get3A_891 = arith.constant 0 : index
    %get3A_892 = memref.load %arg1[%get3A_889, %get3A_890, %get3A_891] : memref<1x128x1xi32, #tpu.memory_space<smem>>
    %shift_right_arithmetic3A_893 = arith.constant 7 : i32
    %shift_right_arithmetic3A_894 = arith.shrsi %get3A_892, %shift_right_arithmetic3A_893 : i32
    %mul3A_895 = arith.constant 128 : i32
    %mul3A_896 = arith.muli %shift_right_arithmetic3A_894, %mul3A_895 : i32
    %get3A_897 = arith.constant 38 : index
    %get3A_898 = arith.index_cast %mul3A_896 : i32 to index
    %get3A_899 = vector.load %arg3[%get3A_897, %get3A_898] : memref<128x16384xf32, #tpu.memory_space<vmem>>, vector<1x128xf32>
    %and3A_900 = arith.constant 127 : i32
    %and3A_901 = arith.andi %get3A_892, %and3A_900 : i32
    %eq3A_902 = vector.broadcast %and3A_901 : i32 to vector<1x128xi32>
    %eq3A_903 = arith.cmpi eq, %iota3A, %eq3A_902 : vector<1x128xi32>
    %ne3A_904 = arith.constant 0 : i32
    %ne3A_905 = arith.cmpi ne, %get3A_892, %ne3A_904 : i32
    %and3A_906 = vector.broadcast %ne3A_905 : i1 to vector<1x128xi1>
    %and3A_907 = arith.andi %eq3A_903, %and3A_906 : vector<1x128xi1>
    %jit3A_908 = arith.constant 0.000000e+00 : f32
    %broadcast_in_dim3A_909 = vector.broadcast %jit3A_908 : f32 to vector<1x128xf32>
    %select_n3A_910 = arith.select %and3A_907, %get3A_899, %broadcast_in_dim3A_909 : vector<1x128xi1>, vector<1x128xf32>
    %add3A_911 = arith.addf %add3A_888, %select_n3A_910 : vector<1x128xf32>
    %get3A_912 = arith.constant 0 : index
    %get3A_913 = arith.constant 39 : index
    %get3A_914 = arith.constant 0 : index
    %get3A_915 = memref.load %arg1[%get3A_912, %get3A_913, %get3A_914] : memref<1x128x1xi32, #tpu.memory_space<smem>>
    %shift_right_arithmetic3A_916 = arith.constant 7 : i32
    %shift_right_arithmetic3A_917 = arith.shrsi %get3A_915, %shift_right_arithmetic3A_916 : i32
    %mul3A_918 = arith.constant 128 : i32
    %mul3A_919 = arith.muli %shift_right_arithmetic3A_917, %mul3A_918 : i32
    %get3A_920 = arith.constant 39 : index
    %get3A_921 = arith.index_cast %mul3A_919 : i32 to index
    %get3A_922 = vector.load %arg3[%get3A_920, %get3A_921] : memref<128x16384xf32, #tpu.memory_space<vmem>>, vector<1x128xf32>
    %and3A_923 = arith.constant 127 : i32
    %and3A_924 = arith.andi %get3A_915, %and3A_923 : i32
    %eq3A_925 = vector.broadcast %and3A_924 : i32 to vector<1x128xi32>
    %eq3A_926 = arith.cmpi eq, %iota3A, %eq3A_925 : vector<1x128xi32>
    %ne3A_927 = arith.constant 0 : i32
    %ne3A_928 = arith.cmpi ne, %get3A_915, %ne3A_927 : i32
    %and3A_929 = vector.broadcast %ne3A_928 : i1 to vector<1x128xi1>
    %and3A_930 = arith.andi %eq3A_926, %and3A_929 : vector<1x128xi1>
    %jit3A_931 = arith.constant 0.000000e+00 : f32
    %broadcast_in_dim3A_932 = vector.broadcast %jit3A_931 : f32 to vector<1x128xf32>
    %select_n3A_933 = arith.select %and3A_930, %get3A_922, %broadcast_in_dim3A_932 : vector<1x128xi1>, vector<1x128xf32>
    %add3A_934 = arith.addf %add3A_911, %select_n3A_933 : vector<1x128xf32>
    %get3A_935 = arith.constant 0 : index
    %get3A_936 = arith.constant 40 : index
    %get3A_937 = arith.constant 0 : index
    %get3A_938 = memref.load %arg1[%get3A_935, %get3A_936, %get3A_937] : memref<1x128x1xi32, #tpu.memory_space<smem>>
    %shift_right_arithmetic3A_939 = arith.constant 7 : i32
    %shift_right_arithmetic3A_940 = arith.shrsi %get3A_938, %shift_right_arithmetic3A_939 : i32
    %mul3A_941 = arith.constant 128 : i32
    %mul3A_942 = arith.muli %shift_right_arithmetic3A_940, %mul3A_941 : i32
    %get3A_943 = arith.constant 40 : index
    %get3A_944 = arith.index_cast %mul3A_942 : i32 to index
    %get3A_945 = vector.load %arg3[%get3A_943, %get3A_944] : memref<128x16384xf32, #tpu.memory_space<vmem>>, vector<1x128xf32>
    %and3A_946 = arith.constant 127 : i32
    %and3A_947 = arith.andi %get3A_938, %and3A_946 : i32
    %eq3A_948 = vector.broadcast %and3A_947 : i32 to vector<1x128xi32>
    %eq3A_949 = arith.cmpi eq, %iota3A, %eq3A_948 : vector<1x128xi32>
    %ne3A_950 = arith.constant 0 : i32
    %ne3A_951 = arith.cmpi ne, %get3A_938, %ne3A_950 : i32
    %and3A_952 = vector.broadcast %ne3A_951 : i1 to vector<1x128xi1>
    %and3A_953 = arith.andi %eq3A_949, %and3A_952 : vector<1x128xi1>
    %jit3A_954 = arith.constant 0.000000e+00 : f32
    %broadcast_in_dim3A_955 = vector.broadcast %jit3A_954 : f32 to vector<1x128xf32>
    %select_n3A_956 = arith.select %and3A_953, %get3A_945, %broadcast_in_dim3A_955 : vector<1x128xi1>, vector<1x128xf32>
    %add3A_957 = arith.addf %add3A_934, %select_n3A_956 : vector<1x128xf32>
    %get3A_958 = arith.constant 0 : index
    %get3A_959 = arith.constant 41 : index
    %get3A_960 = arith.constant 0 : index
    %get3A_961 = memref.load %arg1[%get3A_958, %get3A_959, %get3A_960] : memref<1x128x1xi32, #tpu.memory_space<smem>>
    %shift_right_arithmetic3A_962 = arith.constant 7 : i32
    %shift_right_arithmetic3A_963 = arith.shrsi %get3A_961, %shift_right_arithmetic3A_962 : i32
    %mul3A_964 = arith.constant 128 : i32
    %mul3A_965 = arith.muli %shift_right_arithmetic3A_963, %mul3A_964 : i32
    %get3A_966 = arith.constant 41 : index
    %get3A_967 = arith.index_cast %mul3A_965 : i32 to index
    %get3A_968 = vector.load %arg3[%get3A_966, %get3A_967] : memref<128x16384xf32, #tpu.memory_space<vmem>>, vector<1x128xf32>
    %and3A_969 = arith.constant 127 : i32
    %and3A_970 = arith.andi %get3A_961, %and3A_969 : i32
    %eq3A_971 = vector.broadcast %and3A_970 : i32 to vector<1x128xi32>
    %eq3A_972 = arith.cmpi eq, %iota3A, %eq3A_971 : vector<1x128xi32>
    %ne3A_973 = arith.constant 0 : i32
    %ne3A_974 = arith.cmpi ne, %get3A_961, %ne3A_973 : i32
    %and3A_975 = vector.broadcast %ne3A_974 : i1 to vector<1x128xi1>
    %and3A_976 = arith.andi %eq3A_972, %and3A_975 : vector<1x128xi1>
    %jit3A_977 = arith.constant 0.000000e+00 : f32
    %broadcast_in_dim3A_978 = vector.broadcast %jit3A_977 : f32 to vector<1x128xf32>
    %select_n3A_979 = arith.select %and3A_976, %get3A_968, %broadcast_in_dim3A_978 : vector<1x128xi1>, vector<1x128xf32>
    %add3A_980 = arith.addf %add3A_957, %select_n3A_979 : vector<1x128xf32>
    %get3A_981 = arith.constant 0 : index
    %get3A_982 = arith.constant 42 : index
    %get3A_983 = arith.constant 0 : index
    %get3A_984 = memref.load %arg1[%get3A_981, %get3A_982, %get3A_983] : memref<1x128x1xi32, #tpu.memory_space<smem>>
    %shift_right_arithmetic3A_985 = arith.constant 7 : i32
    %shift_right_arithmetic3A_986 = arith.shrsi %get3A_984, %shift_right_arithmetic3A_985 : i32
    %mul3A_987 = arith.constant 128 : i32
    %mul3A_988 = arith.muli %shift_right_arithmetic3A_986, %mul3A_987 : i32
    %get3A_989 = arith.constant 42 : index
    %get3A_990 = arith.index_cast %mul3A_988 : i32 to index
    %get3A_991 = vector.load %arg3[%get3A_989, %get3A_990] : memref<128x16384xf32, #tpu.memory_space<vmem>>, vector<1x128xf32>
    %and3A_992 = arith.constant 127 : i32
    %and3A_993 = arith.andi %get3A_984, %and3A_992 : i32
    %eq3A_994 = vector.broadcast %and3A_993 : i32 to vector<1x128xi32>
    %eq3A_995 = arith.cmpi eq, %iota3A, %eq3A_994 : vector<1x128xi32>
    %ne3A_996 = arith.constant 0 : i32
    %ne3A_997 = arith.cmpi ne, %get3A_984, %ne3A_996 : i32
    %and3A_998 = vector.broadcast %ne3A_997 : i1 to vector<1x128xi1>
    %and3A_999 = arith.andi %eq3A_995, %and3A_998 : vector<1x128xi1>
    %jit3A_1000 = arith.constant 0.000000e+00 : f32
    %broadcast_in_dim3A_1001 = vector.broadcast %jit3A_1000 : f32 to vector<1x128xf32>
    %select_n3A_1002 = arith.select %and3A_999, %get3A_991, %broadcast_in_dim3A_1001 : vector<1x128xi1>, vector<1x128xf32>
    %add3A_1003 = arith.addf %add3A_980, %select_n3A_1002 : vector<1x128xf32>
    %get3A_1004 = arith.constant 0 : index
    %get3A_1005 = arith.constant 43 : index
    %get3A_1006 = arith.constant 0 : index
    %get3A_1007 = memref.load %arg1[%get3A_1004, %get3A_1005, %get3A_1006] : memref<1x128x1xi32, #tpu.memory_space<smem>>
    %shift_right_arithmetic3A_1008 = arith.constant 7 : i32
    %shift_right_arithmetic3A_1009 = arith.shrsi %get3A_1007, %shift_right_arithmetic3A_1008 : i32
    %mul3A_1010 = arith.constant 128 : i32
    %mul3A_1011 = arith.muli %shift_right_arithmetic3A_1009, %mul3A_1010 : i32
    %get3A_1012 = arith.constant 43 : index
    %get3A_1013 = arith.index_cast %mul3A_1011 : i32 to index
    %get3A_1014 = vector.load %arg3[%get3A_1012, %get3A_1013] : memref<128x16384xf32, #tpu.memory_space<vmem>>, vector<1x128xf32>
    %and3A_1015 = arith.constant 127 : i32
    %and3A_1016 = arith.andi %get3A_1007, %and3A_1015 : i32
    %eq3A_1017 = vector.broadcast %and3A_1016 : i32 to vector<1x128xi32>
    %eq3A_1018 = arith.cmpi eq, %iota3A, %eq3A_1017 : vector<1x128xi32>
    %ne3A_1019 = arith.constant 0 : i32
    %ne3A_1020 = arith.cmpi ne, %get3A_1007, %ne3A_1019 : i32
    %and3A_1021 = vector.broadcast %ne3A_1020 : i1 to vector<1x128xi1>
    %and3A_1022 = arith.andi %eq3A_1018, %and3A_1021 : vector<1x128xi1>
    %jit3A_1023 = arith.constant 0.000000e+00 : f32
    %broadcast_in_dim3A_1024 = vector.broadcast %jit3A_1023 : f32 to vector<1x128xf32>
    %select_n3A_1025 = arith.select %and3A_1022, %get3A_1014, %broadcast_in_dim3A_1024 : vector<1x128xi1>, vector<1x128xf32>
    %add3A_1026 = arith.addf %add3A_1003, %select_n3A_1025 : vector<1x128xf32>
    %get3A_1027 = arith.constant 0 : index
    %get3A_1028 = arith.constant 44 : index
    %get3A_1029 = arith.constant 0 : index
    %get3A_1030 = memref.load %arg1[%get3A_1027, %get3A_1028, %get3A_1029] : memref<1x128x1xi32, #tpu.memory_space<smem>>
    %shift_right_arithmetic3A_1031 = arith.constant 7 : i32
    %shift_right_arithmetic3A_1032 = arith.shrsi %get3A_1030, %shift_right_arithmetic3A_1031 : i32
    %mul3A_1033 = arith.constant 128 : i32
    %mul3A_1034 = arith.muli %shift_right_arithmetic3A_1032, %mul3A_1033 : i32
    %get3A_1035 = arith.constant 44 : index
    %get3A_1036 = arith.index_cast %mul3A_1034 : i32 to index
    %get3A_1037 = vector.load %arg3[%get3A_1035, %get3A_1036] : memref<128x16384xf32, #tpu.memory_space<vmem>>, vector<1x128xf32>
    %and3A_1038 = arith.constant 127 : i32
    %and3A_1039 = arith.andi %get3A_1030, %and3A_1038 : i32
    %eq3A_1040 = vector.broadcast %and3A_1039 : i32 to vector<1x128xi32>
    %eq3A_1041 = arith.cmpi eq, %iota3A, %eq3A_1040 : vector<1x128xi32>
    %ne3A_1042 = arith.constant 0 : i32
    %ne3A_1043 = arith.cmpi ne, %get3A_1030, %ne3A_1042 : i32
    %and3A_1044 = vector.broadcast %ne3A_1043 : i1 to vector<1x128xi1>
    %and3A_1045 = arith.andi %eq3A_1041, %and3A_1044 : vector<1x128xi1>
    %jit3A_1046 = arith.constant 0.000000e+00 : f32
    %broadcast_in_dim3A_1047 = vector.broadcast %jit3A_1046 : f32 to vector<1x128xf32>
    %select_n3A_1048 = arith.select %and3A_1045, %get3A_1037, %broadcast_in_dim3A_1047 : vector<1x128xi1>, vector<1x128xf32>
    %add3A_1049 = arith.addf %add3A_1026, %select_n3A_1048 : vector<1x128xf32>
    %get3A_1050 = arith.constant 0 : index
    %get3A_1051 = arith.constant 45 : index
    %get3A_1052 = arith.constant 0 : index
    %get3A_1053 = memref.load %arg1[%get3A_1050, %get3A_1051, %get3A_1052] : memref<1x128x1xi32, #tpu.memory_space<smem>>
    %shift_right_arithmetic3A_1054 = arith.constant 7 : i32
    %shift_right_arithmetic3A_1055 = arith.shrsi %get3A_1053, %shift_right_arithmetic3A_1054 : i32
    %mul3A_1056 = arith.constant 128 : i32
    %mul3A_1057 = arith.muli %shift_right_arithmetic3A_1055, %mul3A_1056 : i32
    %get3A_1058 = arith.constant 45 : index
    %get3A_1059 = arith.index_cast %mul3A_1057 : i32 to index
    %get3A_1060 = vector.load %arg3[%get3A_1058, %get3A_1059] : memref<128x16384xf32, #tpu.memory_space<vmem>>, vector<1x128xf32>
    %and3A_1061 = arith.constant 127 : i32
    %and3A_1062 = arith.andi %get3A_1053, %and3A_1061 : i32
    %eq3A_1063 = vector.broadcast %and3A_1062 : i32 to vector<1x128xi32>
    %eq3A_1064 = arith.cmpi eq, %iota3A, %eq3A_1063 : vector<1x128xi32>
    %ne3A_1065 = arith.constant 0 : i32
    %ne3A_1066 = arith.cmpi ne, %get3A_1053, %ne3A_1065 : i32
    %and3A_1067 = vector.broadcast %ne3A_1066 : i1 to vector<1x128xi1>
    %and3A_1068 = arith.andi %eq3A_1064, %and3A_1067 : vector<1x128xi1>
    %jit3A_1069 = arith.constant 0.000000e+00 : f32
    %broadcast_in_dim3A_1070 = vector.broadcast %jit3A_1069 : f32 to vector<1x128xf32>
    %select_n3A_1071 = arith.select %and3A_1068, %get3A_1060, %broadcast_in_dim3A_1070 : vector<1x128xi1>, vector<1x128xf32>
    %add3A_1072 = arith.addf %add3A_1049, %select_n3A_1071 : vector<1x128xf32>
    %get3A_1073 = arith.constant 0 : index
    %get3A_1074 = arith.constant 46 : index
    %get3A_1075 = arith.constant 0 : index
    %get3A_1076 = memref.load %arg1[%get3A_1073, %get3A_1074, %get3A_1075] : memref<1x128x1xi32, #tpu.memory_space<smem>>
    %shift_right_arithmetic3A_1077 = arith.constant 7 : i32
    %shift_right_arithmetic3A_1078 = arith.shrsi %get3A_1076, %shift_right_arithmetic3A_1077 : i32
    %mul3A_1079 = arith.constant 128 : i32
    %mul3A_1080 = arith.muli %shift_right_arithmetic3A_1078, %mul3A_1079 : i32
    %get3A_1081 = arith.constant 46 : index
    %get3A_1082 = arith.index_cast %mul3A_1080 : i32 to index
    %get3A_1083 = vector.load %arg3[%get3A_1081, %get3A_1082] : memref<128x16384xf32, #tpu.memory_space<vmem>>, vector<1x128xf32>
    %and3A_1084 = arith.constant 127 : i32
    %and3A_1085 = arith.andi %get3A_1076, %and3A_1084 : i32
    %eq3A_1086 = vector.broadcast %and3A_1085 : i32 to vector<1x128xi32>
    %eq3A_1087 = arith.cmpi eq, %iota3A, %eq3A_1086 : vector<1x128xi32>
    %ne3A_1088 = arith.constant 0 : i32
    %ne3A_1089 = arith.cmpi ne, %get3A_1076, %ne3A_1088 : i32
    %and3A_1090 = vector.broadcast %ne3A_1089 : i1 to vector<1x128xi1>
    %and3A_1091 = arith.andi %eq3A_1087, %and3A_1090 : vector<1x128xi1>
    %jit3A_1092 = arith.constant 0.000000e+00 : f32
    %broadcast_in_dim3A_1093 = vector.broadcast %jit3A_1092 : f32 to vector<1x128xf32>
    %select_n3A_1094 = arith.select %and3A_1091, %get3A_1083, %broadcast_in_dim3A_1093 : vector<1x128xi1>, vector<1x128xf32>
    %add3A_1095 = arith.addf %add3A_1072, %select_n3A_1094 : vector<1x128xf32>
    %get3A_1096 = arith.constant 0 : index
    %get3A_1097 = arith.constant 47 : index
    %get3A_1098 = arith.constant 0 : index
    %get3A_1099 = memref.load %arg1[%get3A_1096, %get3A_1097, %get3A_1098] : memref<1x128x1xi32, #tpu.memory_space<smem>>
    %shift_right_arithmetic3A_1100 = arith.constant 7 : i32
    %shift_right_arithmetic3A_1101 = arith.shrsi %get3A_1099, %shift_right_arithmetic3A_1100 : i32
    %mul3A_1102 = arith.constant 128 : i32
    %mul3A_1103 = arith.muli %shift_right_arithmetic3A_1101, %mul3A_1102 : i32
    %get3A_1104 = arith.constant 47 : index
    %get3A_1105 = arith.index_cast %mul3A_1103 : i32 to index
    %get3A_1106 = vector.load %arg3[%get3A_1104, %get3A_1105] : memref<128x16384xf32, #tpu.memory_space<vmem>>, vector<1x128xf32>
    %and3A_1107 = arith.constant 127 : i32
    %and3A_1108 = arith.andi %get3A_1099, %and3A_1107 : i32
    %eq3A_1109 = vector.broadcast %and3A_1108 : i32 to vector<1x128xi32>
    %eq3A_1110 = arith.cmpi eq, %iota3A, %eq3A_1109 : vector<1x128xi32>
    %ne3A_1111 = arith.constant 0 : i32
    %ne3A_1112 = arith.cmpi ne, %get3A_1099, %ne3A_1111 : i32
    %and3A_1113 = vector.broadcast %ne3A_1112 : i1 to vector<1x128xi1>
    %and3A_1114 = arith.andi %eq3A_1110, %and3A_1113 : vector<1x128xi1>
    %jit3A_1115 = arith.constant 0.000000e+00 : f32
    %broadcast_in_dim3A_1116 = vector.broadcast %jit3A_1115 : f32 to vector<1x128xf32>
    %select_n3A_1117 = arith.select %and3A_1114, %get3A_1106, %broadcast_in_dim3A_1116 : vector<1x128xi1>, vector<1x128xf32>
    %add3A_1118 = arith.addf %add3A_1095, %select_n3A_1117 : vector<1x128xf32>
    %get3A_1119 = arith.constant 0 : index
    %get3A_1120 = arith.constant 48 : index
    %get3A_1121 = arith.constant 0 : index
    %get3A_1122 = memref.load %arg1[%get3A_1119, %get3A_1120, %get3A_1121] : memref<1x128x1xi32, #tpu.memory_space<smem>>
    %shift_right_arithmetic3A_1123 = arith.constant 7 : i32
    %shift_right_arithmetic3A_1124 = arith.shrsi %get3A_1122, %shift_right_arithmetic3A_1123 : i32
    %mul3A_1125 = arith.constant 128 : i32
    %mul3A_1126 = arith.muli %shift_right_arithmetic3A_1124, %mul3A_1125 : i32
    %get3A_1127 = arith.constant 48 : index
    %get3A_1128 = arith.index_cast %mul3A_1126 : i32 to index
    %get3A_1129 = vector.load %arg3[%get3A_1127, %get3A_1128] : memref<128x16384xf32, #tpu.memory_space<vmem>>, vector<1x128xf32>
    %and3A_1130 = arith.constant 127 : i32
    %and3A_1131 = arith.andi %get3A_1122, %and3A_1130 : i32
    %eq3A_1132 = vector.broadcast %and3A_1131 : i32 to vector<1x128xi32>
    %eq3A_1133 = arith.cmpi eq, %iota3A, %eq3A_1132 : vector<1x128xi32>
    %ne3A_1134 = arith.constant 0 : i32
    %ne3A_1135 = arith.cmpi ne, %get3A_1122, %ne3A_1134 : i32
    %and3A_1136 = vector.broadcast %ne3A_1135 : i1 to vector<1x128xi1>
    %and3A_1137 = arith.andi %eq3A_1133, %and3A_1136 : vector<1x128xi1>
    %jit3A_1138 = arith.constant 0.000000e+00 : f32
    %broadcast_in_dim3A_1139 = vector.broadcast %jit3A_1138 : f32 to vector<1x128xf32>
    %select_n3A_1140 = arith.select %and3A_1137, %get3A_1129, %broadcast_in_dim3A_1139 : vector<1x128xi1>, vector<1x128xf32>
    %add3A_1141 = arith.addf %add3A_1118, %select_n3A_1140 : vector<1x128xf32>
    %get3A_1142 = arith.constant 0 : index
    %get3A_1143 = arith.constant 49 : index
    %get3A_1144 = arith.constant 0 : index
    %get3A_1145 = memref.load %arg1[%get3A_1142, %get3A_1143, %get3A_1144] : memref<1x128x1xi32, #tpu.memory_space<smem>>
    %shift_right_arithmetic3A_1146 = arith.constant 7 : i32
    %shift_right_arithmetic3A_1147 = arith.shrsi %get3A_1145, %shift_right_arithmetic3A_1146 : i32
    %mul3A_1148 = arith.constant 128 : i32
    %mul3A_1149 = arith.muli %shift_right_arithmetic3A_1147, %mul3A_1148 : i32
    %get3A_1150 = arith.constant 49 : index
    %get3A_1151 = arith.index_cast %mul3A_1149 : i32 to index
    %get3A_1152 = vector.load %arg3[%get3A_1150, %get3A_1151] : memref<128x16384xf32, #tpu.memory_space<vmem>>, vector<1x128xf32>
    %and3A_1153 = arith.constant 127 : i32
    %and3A_1154 = arith.andi %get3A_1145, %and3A_1153 : i32
    %eq3A_1155 = vector.broadcast %and3A_1154 : i32 to vector<1x128xi32>
    %eq3A_1156 = arith.cmpi eq, %iota3A, %eq3A_1155 : vector<1x128xi32>
    %ne3A_1157 = arith.constant 0 : i32
    %ne3A_1158 = arith.cmpi ne, %get3A_1145, %ne3A_1157 : i32
    %and3A_1159 = vector.broadcast %ne3A_1158 : i1 to vector<1x128xi1>
    %and3A_1160 = arith.andi %eq3A_1156, %and3A_1159 : vector<1x128xi1>
    %jit3A_1161 = arith.constant 0.000000e+00 : f32
    %broadcast_in_dim3A_1162 = vector.broadcast %jit3A_1161 : f32 to vector<1x128xf32>
    %select_n3A_1163 = arith.select %and3A_1160, %get3A_1152, %broadcast_in_dim3A_1162 : vector<1x128xi1>, vector<1x128xf32>
    %add3A_1164 = arith.addf %add3A_1141, %select_n3A_1163 : vector<1x128xf32>
    %get3A_1165 = arith.constant 0 : index
    %get3A_1166 = arith.constant 50 : index
    %get3A_1167 = arith.constant 0 : index
    %get3A_1168 = memref.load %arg1[%get3A_1165, %get3A_1166, %get3A_1167] : memref<1x128x1xi32, #tpu.memory_space<smem>>
    %shift_right_arithmetic3A_1169 = arith.constant 7 : i32
    %shift_right_arithmetic3A_1170 = arith.shrsi %get3A_1168, %shift_right_arithmetic3A_1169 : i32
    %mul3A_1171 = arith.constant 128 : i32
    %mul3A_1172 = arith.muli %shift_right_arithmetic3A_1170, %mul3A_1171 : i32
    %get3A_1173 = arith.constant 50 : index
    %get3A_1174 = arith.index_cast %mul3A_1172 : i32 to index
    %get3A_1175 = vector.load %arg3[%get3A_1173, %get3A_1174] : memref<128x16384xf32, #tpu.memory_space<vmem>>, vector<1x128xf32>
    %and3A_1176 = arith.constant 127 : i32
    %and3A_1177 = arith.andi %get3A_1168, %and3A_1176 : i32
    %eq3A_1178 = vector.broadcast %and3A_1177 : i32 to vector<1x128xi32>
    %eq3A_1179 = arith.cmpi eq, %iota3A, %eq3A_1178 : vector<1x128xi32>
    %ne3A_1180 = arith.constant 0 : i32
    %ne3A_1181 = arith.cmpi ne, %get3A_1168, %ne3A_1180 : i32
    %and3A_1182 = vector.broadcast %ne3A_1181 : i1 to vector<1x128xi1>
    %and3A_1183 = arith.andi %eq3A_1179, %and3A_1182 : vector<1x128xi1>
    %jit3A_1184 = arith.constant 0.000000e+00 : f32
    %broadcast_in_dim3A_1185 = vector.broadcast %jit3A_1184 : f32 to vector<1x128xf32>
    %select_n3A_1186 = arith.select %and3A_1183, %get3A_1175, %broadcast_in_dim3A_1185 : vector<1x128xi1>, vector<1x128xf32>
    %add3A_1187 = arith.addf %add3A_1164, %select_n3A_1186 : vector<1x128xf32>
    %get3A_1188 = arith.constant 0 : index
    %get3A_1189 = arith.constant 51 : index
    %get3A_1190 = arith.constant 0 : index
    %get3A_1191 = memref.load %arg1[%get3A_1188, %get3A_1189, %get3A_1190] : memref<1x128x1xi32, #tpu.memory_space<smem>>
    %shift_right_arithmetic3A_1192 = arith.constant 7 : i32
    %shift_right_arithmetic3A_1193 = arith.shrsi %get3A_1191, %shift_right_arithmetic3A_1192 : i32
    %mul3A_1194 = arith.constant 128 : i32
    %mul3A_1195 = arith.muli %shift_right_arithmetic3A_1193, %mul3A_1194 : i32
    %get3A_1196 = arith.constant 51 : index
    %get3A_1197 = arith.index_cast %mul3A_1195 : i32 to index
    %get3A_1198 = vector.load %arg3[%get3A_1196, %get3A_1197] : memref<128x16384xf32, #tpu.memory_space<vmem>>, vector<1x128xf32>
    %and3A_1199 = arith.constant 127 : i32
    %and3A_1200 = arith.andi %get3A_1191, %and3A_1199 : i32
    %eq3A_1201 = vector.broadcast %and3A_1200 : i32 to vector<1x128xi32>
    %eq3A_1202 = arith.cmpi eq, %iota3A, %eq3A_1201 : vector<1x128xi32>
    %ne3A_1203 = arith.constant 0 : i32
    %ne3A_1204 = arith.cmpi ne, %get3A_1191, %ne3A_1203 : i32
    %and3A_1205 = vector.broadcast %ne3A_1204 : i1 to vector<1x128xi1>
    %and3A_1206 = arith.andi %eq3A_1202, %and3A_1205 : vector<1x128xi1>
    %jit3A_1207 = arith.constant 0.000000e+00 : f32
    %broadcast_in_dim3A_1208 = vector.broadcast %jit3A_1207 : f32 to vector<1x128xf32>
    %select_n3A_1209 = arith.select %and3A_1206, %get3A_1198, %broadcast_in_dim3A_1208 : vector<1x128xi1>, vector<1x128xf32>
    %add3A_1210 = arith.addf %add3A_1187, %select_n3A_1209 : vector<1x128xf32>
    %get3A_1211 = arith.constant 0 : index
    %get3A_1212 = arith.constant 52 : index
    %get3A_1213 = arith.constant 0 : index
    %get3A_1214 = memref.load %arg1[%get3A_1211, %get3A_1212, %get3A_1213] : memref<1x128x1xi32, #tpu.memory_space<smem>>
    %shift_right_arithmetic3A_1215 = arith.constant 7 : i32
    %shift_right_arithmetic3A_1216 = arith.shrsi %get3A_1214, %shift_right_arithmetic3A_1215 : i32
    %mul3A_1217 = arith.constant 128 : i32
    %mul3A_1218 = arith.muli %shift_right_arithmetic3A_1216, %mul3A_1217 : i32
    %get3A_1219 = arith.constant 52 : index
    %get3A_1220 = arith.index_cast %mul3A_1218 : i32 to index
    %get3A_1221 = vector.load %arg3[%get3A_1219, %get3A_1220] : memref<128x16384xf32, #tpu.memory_space<vmem>>, vector<1x128xf32>
    %and3A_1222 = arith.constant 127 : i32
    %and3A_1223 = arith.andi %get3A_1214, %and3A_1222 : i32
    %eq3A_1224 = vector.broadcast %and3A_1223 : i32 to vector<1x128xi32>
    %eq3A_1225 = arith.cmpi eq, %iota3A, %eq3A_1224 : vector<1x128xi32>
    %ne3A_1226 = arith.constant 0 : i32
    %ne3A_1227 = arith.cmpi ne, %get3A_1214, %ne3A_1226 : i32
    %and3A_1228 = vector.broadcast %ne3A_1227 : i1 to vector<1x128xi1>
    %and3A_1229 = arith.andi %eq3A_1225, %and3A_1228 : vector<1x128xi1>
    %jit3A_1230 = arith.constant 0.000000e+00 : f32
    %broadcast_in_dim3A_1231 = vector.broadcast %jit3A_1230 : f32 to vector<1x128xf32>
    %select_n3A_1232 = arith.select %and3A_1229, %get3A_1221, %broadcast_in_dim3A_1231 : vector<1x128xi1>, vector<1x128xf32>
    %add3A_1233 = arith.addf %add3A_1210, %select_n3A_1232 : vector<1x128xf32>
    %get3A_1234 = arith.constant 0 : index
    %get3A_1235 = arith.constant 53 : index
    %get3A_1236 = arith.constant 0 : index
    %get3A_1237 = memref.load %arg1[%get3A_1234, %get3A_1235, %get3A_1236] : memref<1x128x1xi32, #tpu.memory_space<smem>>
    %shift_right_arithmetic3A_1238 = arith.constant 7 : i32
    %shift_right_arithmetic3A_1239 = arith.shrsi %get3A_1237, %shift_right_arithmetic3A_1238 : i32
    %mul3A_1240 = arith.constant 128 : i32
    %mul3A_1241 = arith.muli %shift_right_arithmetic3A_1239, %mul3A_1240 : i32
    %get3A_1242 = arith.constant 53 : index
    %get3A_1243 = arith.index_cast %mul3A_1241 : i32 to index
    %get3A_1244 = vector.load %arg3[%get3A_1242, %get3A_1243] : memref<128x16384xf32, #tpu.memory_space<vmem>>, vector<1x128xf32>
    %and3A_1245 = arith.constant 127 : i32
    %and3A_1246 = arith.andi %get3A_1237, %and3A_1245 : i32
    %eq3A_1247 = vector.broadcast %and3A_1246 : i32 to vector<1x128xi32>
    %eq3A_1248 = arith.cmpi eq, %iota3A, %eq3A_1247 : vector<1x128xi32>
    %ne3A_1249 = arith.constant 0 : i32
    %ne3A_1250 = arith.cmpi ne, %get3A_1237, %ne3A_1249 : i32
    %and3A_1251 = vector.broadcast %ne3A_1250 : i1 to vector<1x128xi1>
    %and3A_1252 = arith.andi %eq3A_1248, %and3A_1251 : vector<1x128xi1>
    %jit3A_1253 = arith.constant 0.000000e+00 : f32
    %broadcast_in_dim3A_1254 = vector.broadcast %jit3A_1253 : f32 to vector<1x128xf32>
    %select_n3A_1255 = arith.select %and3A_1252, %get3A_1244, %broadcast_in_dim3A_1254 : vector<1x128xi1>, vector<1x128xf32>
    %add3A_1256 = arith.addf %add3A_1233, %select_n3A_1255 : vector<1x128xf32>
    %get3A_1257 = arith.constant 0 : index
    %get3A_1258 = arith.constant 54 : index
    %get3A_1259 = arith.constant 0 : index
    %get3A_1260 = memref.load %arg1[%get3A_1257, %get3A_1258, %get3A_1259] : memref<1x128x1xi32, #tpu.memory_space<smem>>
    %shift_right_arithmetic3A_1261 = arith.constant 7 : i32
    %shift_right_arithmetic3A_1262 = arith.shrsi %get3A_1260, %shift_right_arithmetic3A_1261 : i32
    %mul3A_1263 = arith.constant 128 : i32
    %mul3A_1264 = arith.muli %shift_right_arithmetic3A_1262, %mul3A_1263 : i32
    %get3A_1265 = arith.constant 54 : index
    %get3A_1266 = arith.index_cast %mul3A_1264 : i32 to index
    %get3A_1267 = vector.load %arg3[%get3A_1265, %get3A_1266] : memref<128x16384xf32, #tpu.memory_space<vmem>>, vector<1x128xf32>
    %and3A_1268 = arith.constant 127 : i32
    %and3A_1269 = arith.andi %get3A_1260, %and3A_1268 : i32
    %eq3A_1270 = vector.broadcast %and3A_1269 : i32 to vector<1x128xi32>
    %eq3A_1271 = arith.cmpi eq, %iota3A, %eq3A_1270 : vector<1x128xi32>
    %ne3A_1272 = arith.constant 0 : i32
    %ne3A_1273 = arith.cmpi ne, %get3A_1260, %ne3A_1272 : i32
    %and3A_1274 = vector.broadcast %ne3A_1273 : i1 to vector<1x128xi1>
    %and3A_1275 = arith.andi %eq3A_1271, %and3A_1274 : vector<1x128xi1>
    %jit3A_1276 = arith.constant 0.000000e+00 : f32
    %broadcast_in_dim3A_1277 = vector.broadcast %jit3A_1276 : f32 to vector<1x128xf32>
    %select_n3A_1278 = arith.select %and3A_1275, %get3A_1267, %broadcast_in_dim3A_1277 : vector<1x128xi1>, vector<1x128xf32>
    %add3A_1279 = arith.addf %add3A_1256, %select_n3A_1278 : vector<1x128xf32>
    %get3A_1280 = arith.constant 0 : index
    %get3A_1281 = arith.constant 55 : index
    %get3A_1282 = arith.constant 0 : index
    %get3A_1283 = memref.load %arg1[%get3A_1280, %get3A_1281, %get3A_1282] : memref<1x128x1xi32, #tpu.memory_space<smem>>
    %shift_right_arithmetic3A_1284 = arith.constant 7 : i32
    %shift_right_arithmetic3A_1285 = arith.shrsi %get3A_1283, %shift_right_arithmetic3A_1284 : i32
    %mul3A_1286 = arith.constant 128 : i32
    %mul3A_1287 = arith.muli %shift_right_arithmetic3A_1285, %mul3A_1286 : i32
    %get3A_1288 = arith.constant 55 : index
    %get3A_1289 = arith.index_cast %mul3A_1287 : i32 to index
    %get3A_1290 = vector.load %arg3[%get3A_1288, %get3A_1289] : memref<128x16384xf32, #tpu.memory_space<vmem>>, vector<1x128xf32>
    %and3A_1291 = arith.constant 127 : i32
    %and3A_1292 = arith.andi %get3A_1283, %and3A_1291 : i32
    %eq3A_1293 = vector.broadcast %and3A_1292 : i32 to vector<1x128xi32>
    %eq3A_1294 = arith.cmpi eq, %iota3A, %eq3A_1293 : vector<1x128xi32>
    %ne3A_1295 = arith.constant 0 : i32
    %ne3A_1296 = arith.cmpi ne, %get3A_1283, %ne3A_1295 : i32
    %and3A_1297 = vector.broadcast %ne3A_1296 : i1 to vector<1x128xi1>
    %and3A_1298 = arith.andi %eq3A_1294, %and3A_1297 : vector<1x128xi1>
    %jit3A_1299 = arith.constant 0.000000e+00 : f32
    %broadcast_in_dim3A_1300 = vector.broadcast %jit3A_1299 : f32 to vector<1x128xf32>
    %select_n3A_1301 = arith.select %and3A_1298, %get3A_1290, %broadcast_in_dim3A_1300 : vector<1x128xi1>, vector<1x128xf32>
    %add3A_1302 = arith.addf %add3A_1279, %select_n3A_1301 : vector<1x128xf32>
    %get3A_1303 = arith.constant 0 : index
    %get3A_1304 = arith.constant 56 : index
    %get3A_1305 = arith.constant 0 : index
    %get3A_1306 = memref.load %arg1[%get3A_1303, %get3A_1304, %get3A_1305] : memref<1x128x1xi32, #tpu.memory_space<smem>>
    %shift_right_arithmetic3A_1307 = arith.constant 7 : i32
    %shift_right_arithmetic3A_1308 = arith.shrsi %get3A_1306, %shift_right_arithmetic3A_1307 : i32
    %mul3A_1309 = arith.constant 128 : i32
    %mul3A_1310 = arith.muli %shift_right_arithmetic3A_1308, %mul3A_1309 : i32
    %get3A_1311 = arith.constant 56 : index
    %get3A_1312 = arith.index_cast %mul3A_1310 : i32 to index
    %get3A_1313 = vector.load %arg3[%get3A_1311, %get3A_1312] : memref<128x16384xf32, #tpu.memory_space<vmem>>, vector<1x128xf32>
    %and3A_1314 = arith.constant 127 : i32
    %and3A_1315 = arith.andi %get3A_1306, %and3A_1314 : i32
    %eq3A_1316 = vector.broadcast %and3A_1315 : i32 to vector<1x128xi32>
    %eq3A_1317 = arith.cmpi eq, %iota3A, %eq3A_1316 : vector<1x128xi32>
    %ne3A_1318 = arith.constant 0 : i32
    %ne3A_1319 = arith.cmpi ne, %get3A_1306, %ne3A_1318 : i32
    %and3A_1320 = vector.broadcast %ne3A_1319 : i1 to vector<1x128xi1>
    %and3A_1321 = arith.andi %eq3A_1317, %and3A_1320 : vector<1x128xi1>
    %jit3A_1322 = arith.constant 0.000000e+00 : f32
    %broadcast_in_dim3A_1323 = vector.broadcast %jit3A_1322 : f32 to vector<1x128xf32>
    %select_n3A_1324 = arith.select %and3A_1321, %get3A_1313, %broadcast_in_dim3A_1323 : vector<1x128xi1>, vector<1x128xf32>
    %add3A_1325 = arith.addf %add3A_1302, %select_n3A_1324 : vector<1x128xf32>
    %get3A_1326 = arith.constant 0 : index
    %get3A_1327 = arith.constant 57 : index
    %get3A_1328 = arith.constant 0 : index
    %get3A_1329 = memref.load %arg1[%get3A_1326, %get3A_1327, %get3A_1328] : memref<1x128x1xi32, #tpu.memory_space<smem>>
    %shift_right_arithmetic3A_1330 = arith.constant 7 : i32
    %shift_right_arithmetic3A_1331 = arith.shrsi %get3A_1329, %shift_right_arithmetic3A_1330 : i32
    %mul3A_1332 = arith.constant 128 : i32
    %mul3A_1333 = arith.muli %shift_right_arithmetic3A_1331, %mul3A_1332 : i32
    %get3A_1334 = arith.constant 57 : index
    %get3A_1335 = arith.index_cast %mul3A_1333 : i32 to index
    %get3A_1336 = vector.load %arg3[%get3A_1334, %get3A_1335] : memref<128x16384xf32, #tpu.memory_space<vmem>>, vector<1x128xf32>
    %and3A_1337 = arith.constant 127 : i32
    %and3A_1338 = arith.andi %get3A_1329, %and3A_1337 : i32
    %eq3A_1339 = vector.broadcast %and3A_1338 : i32 to vector<1x128xi32>
    %eq3A_1340 = arith.cmpi eq, %iota3A, %eq3A_1339 : vector<1x128xi32>
    %ne3A_1341 = arith.constant 0 : i32
    %ne3A_1342 = arith.cmpi ne, %get3A_1329, %ne3A_1341 : i32
    %and3A_1343 = vector.broadcast %ne3A_1342 : i1 to vector<1x128xi1>
    %and3A_1344 = arith.andi %eq3A_1340, %and3A_1343 : vector<1x128xi1>
    %jit3A_1345 = arith.constant 0.000000e+00 : f32
    %broadcast_in_dim3A_1346 = vector.broadcast %jit3A_1345 : f32 to vector<1x128xf32>
    %select_n3A_1347 = arith.select %and3A_1344, %get3A_1336, %broadcast_in_dim3A_1346 : vector<1x128xi1>, vector<1x128xf32>
    %add3A_1348 = arith.addf %add3A_1325, %select_n3A_1347 : vector<1x128xf32>
    %get3A_1349 = arith.constant 0 : index
    %get3A_1350 = arith.constant 58 : index
    %get3A_1351 = arith.constant 0 : index
    %get3A_1352 = memref.load %arg1[%get3A_1349, %get3A_1350, %get3A_1351] : memref<1x128x1xi32, #tpu.memory_space<smem>>
    %shift_right_arithmetic3A_1353 = arith.constant 7 : i32
    %shift_right_arithmetic3A_1354 = arith.shrsi %get3A_1352, %shift_right_arithmetic3A_1353 : i32
    %mul3A_1355 = arith.constant 128 : i32
    %mul3A_1356 = arith.muli %shift_right_arithmetic3A_1354, %mul3A_1355 : i32
    %get3A_1357 = arith.constant 58 : index
    %get3A_1358 = arith.index_cast %mul3A_1356 : i32 to index
    %get3A_1359 = vector.load %arg3[%get3A_1357, %get3A_1358] : memref<128x16384xf32, #tpu.memory_space<vmem>>, vector<1x128xf32>
    %and3A_1360 = arith.constant 127 : i32
    %and3A_1361 = arith.andi %get3A_1352, %and3A_1360 : i32
    %eq3A_1362 = vector.broadcast %and3A_1361 : i32 to vector<1x128xi32>
    %eq3A_1363 = arith.cmpi eq, %iota3A, %eq3A_1362 : vector<1x128xi32>
    %ne3A_1364 = arith.constant 0 : i32
    %ne3A_1365 = arith.cmpi ne, %get3A_1352, %ne3A_1364 : i32
    %and3A_1366 = vector.broadcast %ne3A_1365 : i1 to vector<1x128xi1>
    %and3A_1367 = arith.andi %eq3A_1363, %and3A_1366 : vector<1x128xi1>
    %jit3A_1368 = arith.constant 0.000000e+00 : f32
    %broadcast_in_dim3A_1369 = vector.broadcast %jit3A_1368 : f32 to vector<1x128xf32>
    %select_n3A_1370 = arith.select %and3A_1367, %get3A_1359, %broadcast_in_dim3A_1369 : vector<1x128xi1>, vector<1x128xf32>
    %add3A_1371 = arith.addf %add3A_1348, %select_n3A_1370 : vector<1x128xf32>
    %get3A_1372 = arith.constant 0 : index
    %get3A_1373 = arith.constant 59 : index
    %get3A_1374 = arith.constant 0 : index
    %get3A_1375 = memref.load %arg1[%get3A_1372, %get3A_1373, %get3A_1374] : memref<1x128x1xi32, #tpu.memory_space<smem>>
    %shift_right_arithmetic3A_1376 = arith.constant 7 : i32
    %shift_right_arithmetic3A_1377 = arith.shrsi %get3A_1375, %shift_right_arithmetic3A_1376 : i32
    %mul3A_1378 = arith.constant 128 : i32
    %mul3A_1379 = arith.muli %shift_right_arithmetic3A_1377, %mul3A_1378 : i32
    %get3A_1380 = arith.constant 59 : index
    %get3A_1381 = arith.index_cast %mul3A_1379 : i32 to index
    %get3A_1382 = vector.load %arg3[%get3A_1380, %get3A_1381] : memref<128x16384xf32, #tpu.memory_space<vmem>>, vector<1x128xf32>
    %and3A_1383 = arith.constant 127 : i32
    %and3A_1384 = arith.andi %get3A_1375, %and3A_1383 : i32
    %eq3A_1385 = vector.broadcast %and3A_1384 : i32 to vector<1x128xi32>
    %eq3A_1386 = arith.cmpi eq, %iota3A, %eq3A_1385 : vector<1x128xi32>
    %ne3A_1387 = arith.constant 0 : i32
    %ne3A_1388 = arith.cmpi ne, %get3A_1375, %ne3A_1387 : i32
    %and3A_1389 = vector.broadcast %ne3A_1388 : i1 to vector<1x128xi1>
    %and3A_1390 = arith.andi %eq3A_1386, %and3A_1389 : vector<1x128xi1>
    %jit3A_1391 = arith.constant 0.000000e+00 : f32
    %broadcast_in_dim3A_1392 = vector.broadcast %jit3A_1391 : f32 to vector<1x128xf32>
    %select_n3A_1393 = arith.select %and3A_1390, %get3A_1382, %broadcast_in_dim3A_1392 : vector<1x128xi1>, vector<1x128xf32>
    %add3A_1394 = arith.addf %add3A_1371, %select_n3A_1393 : vector<1x128xf32>
    %get3A_1395 = arith.constant 0 : index
    %get3A_1396 = arith.constant 60 : index
    %get3A_1397 = arith.constant 0 : index
    %get3A_1398 = memref.load %arg1[%get3A_1395, %get3A_1396, %get3A_1397] : memref<1x128x1xi32, #tpu.memory_space<smem>>
    %shift_right_arithmetic3A_1399 = arith.constant 7 : i32
    %shift_right_arithmetic3A_1400 = arith.shrsi %get3A_1398, %shift_right_arithmetic3A_1399 : i32
    %mul3A_1401 = arith.constant 128 : i32
    %mul3A_1402 = arith.muli %shift_right_arithmetic3A_1400, %mul3A_1401 : i32
    %get3A_1403 = arith.constant 60 : index
    %get3A_1404 = arith.index_cast %mul3A_1402 : i32 to index
    %get3A_1405 = vector.load %arg3[%get3A_1403, %get3A_1404] : memref<128x16384xf32, #tpu.memory_space<vmem>>, vector<1x128xf32>
    %and3A_1406 = arith.constant 127 : i32
    %and3A_1407 = arith.andi %get3A_1398, %and3A_1406 : i32
    %eq3A_1408 = vector.broadcast %and3A_1407 : i32 to vector<1x128xi32>
    %eq3A_1409 = arith.cmpi eq, %iota3A, %eq3A_1408 : vector<1x128xi32>
    %ne3A_1410 = arith.constant 0 : i32
    %ne3A_1411 = arith.cmpi ne, %get3A_1398, %ne3A_1410 : i32
    %and3A_1412 = vector.broadcast %ne3A_1411 : i1 to vector<1x128xi1>
    %and3A_1413 = arith.andi %eq3A_1409, %and3A_1412 : vector<1x128xi1>
    %jit3A_1414 = arith.constant 0.000000e+00 : f32
    %broadcast_in_dim3A_1415 = vector.broadcast %jit3A_1414 : f32 to vector<1x128xf32>
    %select_n3A_1416 = arith.select %and3A_1413, %get3A_1405, %broadcast_in_dim3A_1415 : vector<1x128xi1>, vector<1x128xf32>
    %add3A_1417 = arith.addf %add3A_1394, %select_n3A_1416 : vector<1x128xf32>
    %get3A_1418 = arith.constant 0 : index
    %get3A_1419 = arith.constant 61 : index
    %get3A_1420 = arith.constant 0 : index
    %get3A_1421 = memref.load %arg1[%get3A_1418, %get3A_1419, %get3A_1420] : memref<1x128x1xi32, #tpu.memory_space<smem>>
    %shift_right_arithmetic3A_1422 = arith.constant 7 : i32
    %shift_right_arithmetic3A_1423 = arith.shrsi %get3A_1421, %shift_right_arithmetic3A_1422 : i32
    %mul3A_1424 = arith.constant 128 : i32
    %mul3A_1425 = arith.muli %shift_right_arithmetic3A_1423, %mul3A_1424 : i32
    %get3A_1426 = arith.constant 61 : index
    %get3A_1427 = arith.index_cast %mul3A_1425 : i32 to index
    %get3A_1428 = vector.load %arg3[%get3A_1426, %get3A_1427] : memref<128x16384xf32, #tpu.memory_space<vmem>>, vector<1x128xf32>
    %and3A_1429 = arith.constant 127 : i32
    %and3A_1430 = arith.andi %get3A_1421, %and3A_1429 : i32
    %eq3A_1431 = vector.broadcast %and3A_1430 : i32 to vector<1x128xi32>
    %eq3A_1432 = arith.cmpi eq, %iota3A, %eq3A_1431 : vector<1x128xi32>
    %ne3A_1433 = arith.constant 0 : i32
    %ne3A_1434 = arith.cmpi ne, %get3A_1421, %ne3A_1433 : i32
    %and3A_1435 = vector.broadcast %ne3A_1434 : i1 to vector<1x128xi1>
    %and3A_1436 = arith.andi %eq3A_1432, %and3A_1435 : vector<1x128xi1>
    %jit3A_1437 = arith.constant 0.000000e+00 : f32
    %broadcast_in_dim3A_1438 = vector.broadcast %jit3A_1437 : f32 to vector<1x128xf32>
    %select_n3A_1439 = arith.select %and3A_1436, %get3A_1428, %broadcast_in_dim3A_1438 : vector<1x128xi1>, vector<1x128xf32>
    %add3A_1440 = arith.addf %add3A_1417, %select_n3A_1439 : vector<1x128xf32>
    %get3A_1441 = arith.constant 0 : index
    %get3A_1442 = arith.constant 62 : index
    %get3A_1443 = arith.constant 0 : index
    %get3A_1444 = memref.load %arg1[%get3A_1441, %get3A_1442, %get3A_1443] : memref<1x128x1xi32, #tpu.memory_space<smem>>
    %shift_right_arithmetic3A_1445 = arith.constant 7 : i32
    %shift_right_arithmetic3A_1446 = arith.shrsi %get3A_1444, %shift_right_arithmetic3A_1445 : i32
    %mul3A_1447 = arith.constant 128 : i32
    %mul3A_1448 = arith.muli %shift_right_arithmetic3A_1446, %mul3A_1447 : i32
    %get3A_1449 = arith.constant 62 : index
    %get3A_1450 = arith.index_cast %mul3A_1448 : i32 to index
    %get3A_1451 = vector.load %arg3[%get3A_1449, %get3A_1450] : memref<128x16384xf32, #tpu.memory_space<vmem>>, vector<1x128xf32>
    %and3A_1452 = arith.constant 127 : i32
    %and3A_1453 = arith.andi %get3A_1444, %and3A_1452 : i32
    %eq3A_1454 = vector.broadcast %and3A_1453 : i32 to vector<1x128xi32>
    %eq3A_1455 = arith.cmpi eq, %iota3A, %eq3A_1454 : vector<1x128xi32>
    %ne3A_1456 = arith.constant 0 : i32
    %ne3A_1457 = arith.cmpi ne, %get3A_1444, %ne3A_1456 : i32
    %and3A_1458 = vector.broadcast %ne3A_1457 : i1 to vector<1x128xi1>
    %and3A_1459 = arith.andi %eq3A_1455, %and3A_1458 : vector<1x128xi1>
    %jit3A_1460 = arith.constant 0.000000e+00 : f32
    %broadcast_in_dim3A_1461 = vector.broadcast %jit3A_1460 : f32 to vector<1x128xf32>
    %select_n3A_1462 = arith.select %and3A_1459, %get3A_1451, %broadcast_in_dim3A_1461 : vector<1x128xi1>, vector<1x128xf32>
    %add3A_1463 = arith.addf %add3A_1440, %select_n3A_1462 : vector<1x128xf32>
    %get3A_1464 = arith.constant 0 : index
    %get3A_1465 = arith.constant 63 : index
    %get3A_1466 = arith.constant 0 : index
    %get3A_1467 = memref.load %arg1[%get3A_1464, %get3A_1465, %get3A_1466] : memref<1x128x1xi32, #tpu.memory_space<smem>>
    %shift_right_arithmetic3A_1468 = arith.constant 7 : i32
    %shift_right_arithmetic3A_1469 = arith.shrsi %get3A_1467, %shift_right_arithmetic3A_1468 : i32
    %mul3A_1470 = arith.constant 128 : i32
    %mul3A_1471 = arith.muli %shift_right_arithmetic3A_1469, %mul3A_1470 : i32
    %get3A_1472 = arith.constant 63 : index
    %get3A_1473 = arith.index_cast %mul3A_1471 : i32 to index
    %get3A_1474 = vector.load %arg3[%get3A_1472, %get3A_1473] : memref<128x16384xf32, #tpu.memory_space<vmem>>, vector<1x128xf32>
    %and3A_1475 = arith.constant 127 : i32
    %and3A_1476 = arith.andi %get3A_1467, %and3A_1475 : i32
    %eq3A_1477 = vector.broadcast %and3A_1476 : i32 to vector<1x128xi32>
    %eq3A_1478 = arith.cmpi eq, %iota3A, %eq3A_1477 : vector<1x128xi32>
    %ne3A_1479 = arith.constant 0 : i32
    %ne3A_1480 = arith.cmpi ne, %get3A_1467, %ne3A_1479 : i32
    %and3A_1481 = vector.broadcast %ne3A_1480 : i1 to vector<1x128xi1>
    %and3A_1482 = arith.andi %eq3A_1478, %and3A_1481 : vector<1x128xi1>
    %jit3A_1483 = arith.constant 0.000000e+00 : f32
    %broadcast_in_dim3A_1484 = vector.broadcast %jit3A_1483 : f32 to vector<1x128xf32>
    %select_n3A_1485 = arith.select %and3A_1482, %get3A_1474, %broadcast_in_dim3A_1484 : vector<1x128xi1>, vector<1x128xf32>
    %add3A_1486 = arith.addf %add3A_1463, %select_n3A_1485 : vector<1x128xf32>
    %get3A_1487 = arith.constant 0 : index
    %get3A_1488 = arith.constant 64 : index
    %get3A_1489 = arith.constant 0 : index
    %get3A_1490 = memref.load %arg1[%get3A_1487, %get3A_1488, %get3A_1489] : memref<1x128x1xi32, #tpu.memory_space<smem>>
    %shift_right_arithmetic3A_1491 = arith.constant 7 : i32
    %shift_right_arithmetic3A_1492 = arith.shrsi %get3A_1490, %shift_right_arithmetic3A_1491 : i32
    %mul3A_1493 = arith.constant 128 : i32
    %mul3A_1494 = arith.muli %shift_right_arithmetic3A_1492, %mul3A_1493 : i32
    %get3A_1495 = arith.constant 64 : index
    %get3A_1496 = arith.index_cast %mul3A_1494 : i32 to index
    %get3A_1497 = vector.load %arg3[%get3A_1495, %get3A_1496] : memref<128x16384xf32, #tpu.memory_space<vmem>>, vector<1x128xf32>
    %and3A_1498 = arith.constant 127 : i32
    %and3A_1499 = arith.andi %get3A_1490, %and3A_1498 : i32
    %eq3A_1500 = vector.broadcast %and3A_1499 : i32 to vector<1x128xi32>
    %eq3A_1501 = arith.cmpi eq, %iota3A, %eq3A_1500 : vector<1x128xi32>
    %ne3A_1502 = arith.constant 0 : i32
    %ne3A_1503 = arith.cmpi ne, %get3A_1490, %ne3A_1502 : i32
    %and3A_1504 = vector.broadcast %ne3A_1503 : i1 to vector<1x128xi1>
    %and3A_1505 = arith.andi %eq3A_1501, %and3A_1504 : vector<1x128xi1>
    %jit3A_1506 = arith.constant 0.000000e+00 : f32
    %broadcast_in_dim3A_1507 = vector.broadcast %jit3A_1506 : f32 to vector<1x128xf32>
    %select_n3A_1508 = arith.select %and3A_1505, %get3A_1497, %broadcast_in_dim3A_1507 : vector<1x128xi1>, vector<1x128xf32>
    %add3A_1509 = arith.addf %add3A_1486, %select_n3A_1508 : vector<1x128xf32>
    %get3A_1510 = arith.constant 0 : index
    %get3A_1511 = arith.constant 65 : index
    %get3A_1512 = arith.constant 0 : index
    %get3A_1513 = memref.load %arg1[%get3A_1510, %get3A_1511, %get3A_1512] : memref<1x128x1xi32, #tpu.memory_space<smem>>
    %shift_right_arithmetic3A_1514 = arith.constant 7 : i32
    %shift_right_arithmetic3A_1515 = arith.shrsi %get3A_1513, %shift_right_arithmetic3A_1514 : i32
    %mul3A_1516 = arith.constant 128 : i32
    %mul3A_1517 = arith.muli %shift_right_arithmetic3A_1515, %mul3A_1516 : i32
    %get3A_1518 = arith.constant 65 : index
    %get3A_1519 = arith.index_cast %mul3A_1517 : i32 to index
    %get3A_1520 = vector.load %arg3[%get3A_1518, %get3A_1519] : memref<128x16384xf32, #tpu.memory_space<vmem>>, vector<1x128xf32>
    %and3A_1521 = arith.constant 127 : i32
    %and3A_1522 = arith.andi %get3A_1513, %and3A_1521 : i32
    %eq3A_1523 = vector.broadcast %and3A_1522 : i32 to vector<1x128xi32>
    %eq3A_1524 = arith.cmpi eq, %iota3A, %eq3A_1523 : vector<1x128xi32>
    %ne3A_1525 = arith.constant 0 : i32
    %ne3A_1526 = arith.cmpi ne, %get3A_1513, %ne3A_1525 : i32
    %and3A_1527 = vector.broadcast %ne3A_1526 : i1 to vector<1x128xi1>
    %and3A_1528 = arith.andi %eq3A_1524, %and3A_1527 : vector<1x128xi1>
    %jit3A_1529 = arith.constant 0.000000e+00 : f32
    %broadcast_in_dim3A_1530 = vector.broadcast %jit3A_1529 : f32 to vector<1x128xf32>
    %select_n3A_1531 = arith.select %and3A_1528, %get3A_1520, %broadcast_in_dim3A_1530 : vector<1x128xi1>, vector<1x128xf32>
    %add3A_1532 = arith.addf %add3A_1509, %select_n3A_1531 : vector<1x128xf32>
    %get3A_1533 = arith.constant 0 : index
    %get3A_1534 = arith.constant 66 : index
    %get3A_1535 = arith.constant 0 : index
    %get3A_1536 = memref.load %arg1[%get3A_1533, %get3A_1534, %get3A_1535] : memref<1x128x1xi32, #tpu.memory_space<smem>>
    %shift_right_arithmetic3A_1537 = arith.constant 7 : i32
    %shift_right_arithmetic3A_1538 = arith.shrsi %get3A_1536, %shift_right_arithmetic3A_1537 : i32
    %mul3A_1539 = arith.constant 128 : i32
    %mul3A_1540 = arith.muli %shift_right_arithmetic3A_1538, %mul3A_1539 : i32
    %get3A_1541 = arith.constant 66 : index
    %get3A_1542 = arith.index_cast %mul3A_1540 : i32 to index
    %get3A_1543 = vector.load %arg3[%get3A_1541, %get3A_1542] : memref<128x16384xf32, #tpu.memory_space<vmem>>, vector<1x128xf32>
    %and3A_1544 = arith.constant 127 : i32
    %and3A_1545 = arith.andi %get3A_1536, %and3A_1544 : i32
    %eq3A_1546 = vector.broadcast %and3A_1545 : i32 to vector<1x128xi32>
    %eq3A_1547 = arith.cmpi eq, %iota3A, %eq3A_1546 : vector<1x128xi32>
    %ne3A_1548 = arith.constant 0 : i32
    %ne3A_1549 = arith.cmpi ne, %get3A_1536, %ne3A_1548 : i32
    %and3A_1550 = vector.broadcast %ne3A_1549 : i1 to vector<1x128xi1>
    %and3A_1551 = arith.andi %eq3A_1547, %and3A_1550 : vector<1x128xi1>
    %jit3A_1552 = arith.constant 0.000000e+00 : f32
    %broadcast_in_dim3A_1553 = vector.broadcast %jit3A_1552 : f32 to vector<1x128xf32>
    %select_n3A_1554 = arith.select %and3A_1551, %get3A_1543, %broadcast_in_dim3A_1553 : vector<1x128xi1>, vector<1x128xf32>
    %add3A_1555 = arith.addf %add3A_1532, %select_n3A_1554 : vector<1x128xf32>
    %get3A_1556 = arith.constant 0 : index
    %get3A_1557 = arith.constant 67 : index
    %get3A_1558 = arith.constant 0 : index
    %get3A_1559 = memref.load %arg1[%get3A_1556, %get3A_1557, %get3A_1558] : memref<1x128x1xi32, #tpu.memory_space<smem>>
    %shift_right_arithmetic3A_1560 = arith.constant 7 : i32
    %shift_right_arithmetic3A_1561 = arith.shrsi %get3A_1559, %shift_right_arithmetic3A_1560 : i32
    %mul3A_1562 = arith.constant 128 : i32
    %mul3A_1563 = arith.muli %shift_right_arithmetic3A_1561, %mul3A_1562 : i32
    %get3A_1564 = arith.constant 67 : index
    %get3A_1565 = arith.index_cast %mul3A_1563 : i32 to index
    %get3A_1566 = vector.load %arg3[%get3A_1564, %get3A_1565] : memref<128x16384xf32, #tpu.memory_space<vmem>>, vector<1x128xf32>
    %and3A_1567 = arith.constant 127 : i32
    %and3A_1568 = arith.andi %get3A_1559, %and3A_1567 : i32
    %eq3A_1569 = vector.broadcast %and3A_1568 : i32 to vector<1x128xi32>
    %eq3A_1570 = arith.cmpi eq, %iota3A, %eq3A_1569 : vector<1x128xi32>
    %ne3A_1571 = arith.constant 0 : i32
    %ne3A_1572 = arith.cmpi ne, %get3A_1559, %ne3A_1571 : i32
    %and3A_1573 = vector.broadcast %ne3A_1572 : i1 to vector<1x128xi1>
    %and3A_1574 = arith.andi %eq3A_1570, %and3A_1573 : vector<1x128xi1>
    %jit3A_1575 = arith.constant 0.000000e+00 : f32
    %broadcast_in_dim3A_1576 = vector.broadcast %jit3A_1575 : f32 to vector<1x128xf32>
    %select_n3A_1577 = arith.select %and3A_1574, %get3A_1566, %broadcast_in_dim3A_1576 : vector<1x128xi1>, vector<1x128xf32>
    %add3A_1578 = arith.addf %add3A_1555, %select_n3A_1577 : vector<1x128xf32>
    %get3A_1579 = arith.constant 0 : index
    %get3A_1580 = arith.constant 68 : index
    %get3A_1581 = arith.constant 0 : index
    %get3A_1582 = memref.load %arg1[%get3A_1579, %get3A_1580, %get3A_1581] : memref<1x128x1xi32, #tpu.memory_space<smem>>
    %shift_right_arithmetic3A_1583 = arith.constant 7 : i32
    %shift_right_arithmetic3A_1584 = arith.shrsi %get3A_1582, %shift_right_arithmetic3A_1583 : i32
    %mul3A_1585 = arith.constant 128 : i32
    %mul3A_1586 = arith.muli %shift_right_arithmetic3A_1584, %mul3A_1585 : i32
    %get3A_1587 = arith.constant 68 : index
    %get3A_1588 = arith.index_cast %mul3A_1586 : i32 to index
    %get3A_1589 = vector.load %arg3[%get3A_1587, %get3A_1588] : memref<128x16384xf32, #tpu.memory_space<vmem>>, vector<1x128xf32>
    %and3A_1590 = arith.constant 127 : i32
    %and3A_1591 = arith.andi %get3A_1582, %and3A_1590 : i32
    %eq3A_1592 = vector.broadcast %and3A_1591 : i32 to vector<1x128xi32>
    %eq3A_1593 = arith.cmpi eq, %iota3A, %eq3A_1592 : vector<1x128xi32>
    %ne3A_1594 = arith.constant 0 : i32
    %ne3A_1595 = arith.cmpi ne, %get3A_1582, %ne3A_1594 : i32
    %and3A_1596 = vector.broadcast %ne3A_1595 : i1 to vector<1x128xi1>
    %and3A_1597 = arith.andi %eq3A_1593, %and3A_1596 : vector<1x128xi1>
    %jit3A_1598 = arith.constant 0.000000e+00 : f32
    %broadcast_in_dim3A_1599 = vector.broadcast %jit3A_1598 : f32 to vector<1x128xf32>
    %select_n3A_1600 = arith.select %and3A_1597, %get3A_1589, %broadcast_in_dim3A_1599 : vector<1x128xi1>, vector<1x128xf32>
    %add3A_1601 = arith.addf %add3A_1578, %select_n3A_1600 : vector<1x128xf32>
    %get3A_1602 = arith.constant 0 : index
    %get3A_1603 = arith.constant 69 : index
    %get3A_1604 = arith.constant 0 : index
    %get3A_1605 = memref.load %arg1[%get3A_1602, %get3A_1603, %get3A_1604] : memref<1x128x1xi32, #tpu.memory_space<smem>>
    %shift_right_arithmetic3A_1606 = arith.constant 7 : i32
    %shift_right_arithmetic3A_1607 = arith.shrsi %get3A_1605, %shift_right_arithmetic3A_1606 : i32
    %mul3A_1608 = arith.constant 128 : i32
    %mul3A_1609 = arith.muli %shift_right_arithmetic3A_1607, %mul3A_1608 : i32
    %get3A_1610 = arith.constant 69 : index
    %get3A_1611 = arith.index_cast %mul3A_1609 : i32 to index
    %get3A_1612 = vector.load %arg3[%get3A_1610, %get3A_1611] : memref<128x16384xf32, #tpu.memory_space<vmem>>, vector<1x128xf32>
    %and3A_1613 = arith.constant 127 : i32
    %and3A_1614 = arith.andi %get3A_1605, %and3A_1613 : i32
    %eq3A_1615 = vector.broadcast %and3A_1614 : i32 to vector<1x128xi32>
    %eq3A_1616 = arith.cmpi eq, %iota3A, %eq3A_1615 : vector<1x128xi32>
    %ne3A_1617 = arith.constant 0 : i32
    %ne3A_1618 = arith.cmpi ne, %get3A_1605, %ne3A_1617 : i32
    %and3A_1619 = vector.broadcast %ne3A_1618 : i1 to vector<1x128xi1>
    %and3A_1620 = arith.andi %eq3A_1616, %and3A_1619 : vector<1x128xi1>
    %jit3A_1621 = arith.constant 0.000000e+00 : f32
    %broadcast_in_dim3A_1622 = vector.broadcast %jit3A_1621 : f32 to vector<1x128xf32>
    %select_n3A_1623 = arith.select %and3A_1620, %get3A_1612, %broadcast_in_dim3A_1622 : vector<1x128xi1>, vector<1x128xf32>
    %add3A_1624 = arith.addf %add3A_1601, %select_n3A_1623 : vector<1x128xf32>
    %get3A_1625 = arith.constant 0 : index
    %get3A_1626 = arith.constant 70 : index
    %get3A_1627 = arith.constant 0 : index
    %get3A_1628 = memref.load %arg1[%get3A_1625, %get3A_1626, %get3A_1627] : memref<1x128x1xi32, #tpu.memory_space<smem>>
    %shift_right_arithmetic3A_1629 = arith.constant 7 : i32
    %shift_right_arithmetic3A_1630 = arith.shrsi %get3A_1628, %shift_right_arithmetic3A_1629 : i32
    %mul3A_1631 = arith.constant 128 : i32
    %mul3A_1632 = arith.muli %shift_right_arithmetic3A_1630, %mul3A_1631 : i32
    %get3A_1633 = arith.constant 70 : index
    %get3A_1634 = arith.index_cast %mul3A_1632 : i32 to index
    %get3A_1635 = vector.load %arg3[%get3A_1633, %get3A_1634] : memref<128x16384xf32, #tpu.memory_space<vmem>>, vector<1x128xf32>
    %and3A_1636 = arith.constant 127 : i32
    %and3A_1637 = arith.andi %get3A_1628, %and3A_1636 : i32
    %eq3A_1638 = vector.broadcast %and3A_1637 : i32 to vector<1x128xi32>
    %eq3A_1639 = arith.cmpi eq, %iota3A, %eq3A_1638 : vector<1x128xi32>
    %ne3A_1640 = arith.constant 0 : i32
    %ne3A_1641 = arith.cmpi ne, %get3A_1628, %ne3A_1640 : i32
    %and3A_1642 = vector.broadcast %ne3A_1641 : i1 to vector<1x128xi1>
    %and3A_1643 = arith.andi %eq3A_1639, %and3A_1642 : vector<1x128xi1>
    %jit3A_1644 = arith.constant 0.000000e+00 : f32
    %broadcast_in_dim3A_1645 = vector.broadcast %jit3A_1644 : f32 to vector<1x128xf32>
    %select_n3A_1646 = arith.select %and3A_1643, %get3A_1635, %broadcast_in_dim3A_1645 : vector<1x128xi1>, vector<1x128xf32>
    %add3A_1647 = arith.addf %add3A_1624, %select_n3A_1646 : vector<1x128xf32>
    %get3A_1648 = arith.constant 0 : index
    %get3A_1649 = arith.constant 71 : index
    %get3A_1650 = arith.constant 0 : index
    %get3A_1651 = memref.load %arg1[%get3A_1648, %get3A_1649, %get3A_1650] : memref<1x128x1xi32, #tpu.memory_space<smem>>
    %shift_right_arithmetic3A_1652 = arith.constant 7 : i32
    %shift_right_arithmetic3A_1653 = arith.shrsi %get3A_1651, %shift_right_arithmetic3A_1652 : i32
    %mul3A_1654 = arith.constant 128 : i32
    %mul3A_1655 = arith.muli %shift_right_arithmetic3A_1653, %mul3A_1654 : i32
    %get3A_1656 = arith.constant 71 : index
    %get3A_1657 = arith.index_cast %mul3A_1655 : i32 to index
    %get3A_1658 = vector.load %arg3[%get3A_1656, %get3A_1657] : memref<128x16384xf32, #tpu.memory_space<vmem>>, vector<1x128xf32>
    %and3A_1659 = arith.constant 127 : i32
    %and3A_1660 = arith.andi %get3A_1651, %and3A_1659 : i32
    %eq3A_1661 = vector.broadcast %and3A_1660 : i32 to vector<1x128xi32>
    %eq3A_1662 = arith.cmpi eq, %iota3A, %eq3A_1661 : vector<1x128xi32>
    %ne3A_1663 = arith.constant 0 : i32
    %ne3A_1664 = arith.cmpi ne, %get3A_1651, %ne3A_1663 : i32
    %and3A_1665 = vector.broadcast %ne3A_1664 : i1 to vector<1x128xi1>
    %and3A_1666 = arith.andi %eq3A_1662, %and3A_1665 : vector<1x128xi1>
    %jit3A_1667 = arith.constant 0.000000e+00 : f32
    %broadcast_in_dim3A_1668 = vector.broadcast %jit3A_1667 : f32 to vector<1x128xf32>
    %select_n3A_1669 = arith.select %and3A_1666, %get3A_1658, %broadcast_in_dim3A_1668 : vector<1x128xi1>, vector<1x128xf32>
    %add3A_1670 = arith.addf %add3A_1647, %select_n3A_1669 : vector<1x128xf32>
    %get3A_1671 = arith.constant 0 : index
    %get3A_1672 = arith.constant 72 : index
    %get3A_1673 = arith.constant 0 : index
    %get3A_1674 = memref.load %arg1[%get3A_1671, %get3A_1672, %get3A_1673] : memref<1x128x1xi32, #tpu.memory_space<smem>>
    %shift_right_arithmetic3A_1675 = arith.constant 7 : i32
    %shift_right_arithmetic3A_1676 = arith.shrsi %get3A_1674, %shift_right_arithmetic3A_1675 : i32
    %mul3A_1677 = arith.constant 128 : i32
    %mul3A_1678 = arith.muli %shift_right_arithmetic3A_1676, %mul3A_1677 : i32
    %get3A_1679 = arith.constant 72 : index
    %get3A_1680 = arith.index_cast %mul3A_1678 : i32 to index
    %get3A_1681 = vector.load %arg3[%get3A_1679, %get3A_1680] : memref<128x16384xf32, #tpu.memory_space<vmem>>, vector<1x128xf32>
    %and3A_1682 = arith.constant 127 : i32
    %and3A_1683 = arith.andi %get3A_1674, %and3A_1682 : i32
    %eq3A_1684 = vector.broadcast %and3A_1683 : i32 to vector<1x128xi32>
    %eq3A_1685 = arith.cmpi eq, %iota3A, %eq3A_1684 : vector<1x128xi32>
    %ne3A_1686 = arith.constant 0 : i32
    %ne3A_1687 = arith.cmpi ne, %get3A_1674, %ne3A_1686 : i32
    %and3A_1688 = vector.broadcast %ne3A_1687 : i1 to vector<1x128xi1>
    %and3A_1689 = arith.andi %eq3A_1685, %and3A_1688 : vector<1x128xi1>
    %jit3A_1690 = arith.constant 0.000000e+00 : f32
    %broadcast_in_dim3A_1691 = vector.broadcast %jit3A_1690 : f32 to vector<1x128xf32>
    %select_n3A_1692 = arith.select %and3A_1689, %get3A_1681, %broadcast_in_dim3A_1691 : vector<1x128xi1>, vector<1x128xf32>
    %add3A_1693 = arith.addf %add3A_1670, %select_n3A_1692 : vector<1x128xf32>
    %get3A_1694 = arith.constant 0 : index
    %get3A_1695 = arith.constant 73 : index
    %get3A_1696 = arith.constant 0 : index
    %get3A_1697 = memref.load %arg1[%get3A_1694, %get3A_1695, %get3A_1696] : memref<1x128x1xi32, #tpu.memory_space<smem>>
    %shift_right_arithmetic3A_1698 = arith.constant 7 : i32
    %shift_right_arithmetic3A_1699 = arith.shrsi %get3A_1697, %shift_right_arithmetic3A_1698 : i32
    %mul3A_1700 = arith.constant 128 : i32
    %mul3A_1701 = arith.muli %shift_right_arithmetic3A_1699, %mul3A_1700 : i32
    %get3A_1702 = arith.constant 73 : index
    %get3A_1703 = arith.index_cast %mul3A_1701 : i32 to index
    %get3A_1704 = vector.load %arg3[%get3A_1702, %get3A_1703] : memref<128x16384xf32, #tpu.memory_space<vmem>>, vector<1x128xf32>
    %and3A_1705 = arith.constant 127 : i32
    %and3A_1706 = arith.andi %get3A_1697, %and3A_1705 : i32
    %eq3A_1707 = vector.broadcast %and3A_1706 : i32 to vector<1x128xi32>
    %eq3A_1708 = arith.cmpi eq, %iota3A, %eq3A_1707 : vector<1x128xi32>
    %ne3A_1709 = arith.constant 0 : i32
    %ne3A_1710 = arith.cmpi ne, %get3A_1697, %ne3A_1709 : i32
    %and3A_1711 = vector.broadcast %ne3A_1710 : i1 to vector<1x128xi1>
    %and3A_1712 = arith.andi %eq3A_1708, %and3A_1711 : vector<1x128xi1>
    %jit3A_1713 = arith.constant 0.000000e+00 : f32
    %broadcast_in_dim3A_1714 = vector.broadcast %jit3A_1713 : f32 to vector<1x128xf32>
    %select_n3A_1715 = arith.select %and3A_1712, %get3A_1704, %broadcast_in_dim3A_1714 : vector<1x128xi1>, vector<1x128xf32>
    %add3A_1716 = arith.addf %add3A_1693, %select_n3A_1715 : vector<1x128xf32>
    %get3A_1717 = arith.constant 0 : index
    %get3A_1718 = arith.constant 74 : index
    %get3A_1719 = arith.constant 0 : index
    %get3A_1720 = memref.load %arg1[%get3A_1717, %get3A_1718, %get3A_1719] : memref<1x128x1xi32, #tpu.memory_space<smem>>
    %shift_right_arithmetic3A_1721 = arith.constant 7 : i32
    %shift_right_arithmetic3A_1722 = arith.shrsi %get3A_1720, %shift_right_arithmetic3A_1721 : i32
    %mul3A_1723 = arith.constant 128 : i32
    %mul3A_1724 = arith.muli %shift_right_arithmetic3A_1722, %mul3A_1723 : i32
    %get3A_1725 = arith.constant 74 : index
    %get3A_1726 = arith.index_cast %mul3A_1724 : i32 to index
    %get3A_1727 = vector.load %arg3[%get3A_1725, %get3A_1726] : memref<128x16384xf32, #tpu.memory_space<vmem>>, vector<1x128xf32>
    %and3A_1728 = arith.constant 127 : i32
    %and3A_1729 = arith.andi %get3A_1720, %and3A_1728 : i32
    %eq3A_1730 = vector.broadcast %and3A_1729 : i32 to vector<1x128xi32>
    %eq3A_1731 = arith.cmpi eq, %iota3A, %eq3A_1730 : vector<1x128xi32>
    %ne3A_1732 = arith.constant 0 : i32
    %ne3A_1733 = arith.cmpi ne, %get3A_1720, %ne3A_1732 : i32
    %and3A_1734 = vector.broadcast %ne3A_1733 : i1 to vector<1x128xi1>
    %and3A_1735 = arith.andi %eq3A_1731, %and3A_1734 : vector<1x128xi1>
    %jit3A_1736 = arith.constant 0.000000e+00 : f32
    %broadcast_in_dim3A_1737 = vector.broadcast %jit3A_1736 : f32 to vector<1x128xf32>
    %select_n3A_1738 = arith.select %and3A_1735, %get3A_1727, %broadcast_in_dim3A_1737 : vector<1x128xi1>, vector<1x128xf32>
    %add3A_1739 = arith.addf %add3A_1716, %select_n3A_1738 : vector<1x128xf32>
    %get3A_1740 = arith.constant 0 : index
    %get3A_1741 = arith.constant 75 : index
    %get3A_1742 = arith.constant 0 : index
    %get3A_1743 = memref.load %arg1[%get3A_1740, %get3A_1741, %get3A_1742] : memref<1x128x1xi32, #tpu.memory_space<smem>>
    %shift_right_arithmetic3A_1744 = arith.constant 7 : i32
    %shift_right_arithmetic3A_1745 = arith.shrsi %get3A_1743, %shift_right_arithmetic3A_1744 : i32
    %mul3A_1746 = arith.constant 128 : i32
    %mul3A_1747 = arith.muli %shift_right_arithmetic3A_1745, %mul3A_1746 : i32
    %get3A_1748 = arith.constant 75 : index
    %get3A_1749 = arith.index_cast %mul3A_1747 : i32 to index
    %get3A_1750 = vector.load %arg3[%get3A_1748, %get3A_1749] : memref<128x16384xf32, #tpu.memory_space<vmem>>, vector<1x128xf32>
    %and3A_1751 = arith.constant 127 : i32
    %and3A_1752 = arith.andi %get3A_1743, %and3A_1751 : i32
    %eq3A_1753 = vector.broadcast %and3A_1752 : i32 to vector<1x128xi32>
    %eq3A_1754 = arith.cmpi eq, %iota3A, %eq3A_1753 : vector<1x128xi32>
    %ne3A_1755 = arith.constant 0 : i32
    %ne3A_1756 = arith.cmpi ne, %get3A_1743, %ne3A_1755 : i32
    %and3A_1757 = vector.broadcast %ne3A_1756 : i1 to vector<1x128xi1>
    %and3A_1758 = arith.andi %eq3A_1754, %and3A_1757 : vector<1x128xi1>
    %jit3A_1759 = arith.constant 0.000000e+00 : f32
    %broadcast_in_dim3A_1760 = vector.broadcast %jit3A_1759 : f32 to vector<1x128xf32>
    %select_n3A_1761 = arith.select %and3A_1758, %get3A_1750, %broadcast_in_dim3A_1760 : vector<1x128xi1>, vector<1x128xf32>
    %add3A_1762 = arith.addf %add3A_1739, %select_n3A_1761 : vector<1x128xf32>
    %get3A_1763 = arith.constant 0 : index
    %get3A_1764 = arith.constant 76 : index
    %get3A_1765 = arith.constant 0 : index
    %get3A_1766 = memref.load %arg1[%get3A_1763, %get3A_1764, %get3A_1765] : memref<1x128x1xi32, #tpu.memory_space<smem>>
    %shift_right_arithmetic3A_1767 = arith.constant 7 : i32
    %shift_right_arithmetic3A_1768 = arith.shrsi %get3A_1766, %shift_right_arithmetic3A_1767 : i32
    %mul3A_1769 = arith.constant 128 : i32
    %mul3A_1770 = arith.muli %shift_right_arithmetic3A_1768, %mul3A_1769 : i32
    %get3A_1771 = arith.constant 76 : index
    %get3A_1772 = arith.index_cast %mul3A_1770 : i32 to index
    %get3A_1773 = vector.load %arg3[%get3A_1771, %get3A_1772] : memref<128x16384xf32, #tpu.memory_space<vmem>>, vector<1x128xf32>
    %and3A_1774 = arith.constant 127 : i32
    %and3A_1775 = arith.andi %get3A_1766, %and3A_1774 : i32
    %eq3A_1776 = vector.broadcast %and3A_1775 : i32 to vector<1x128xi32>
    %eq3A_1777 = arith.cmpi eq, %iota3A, %eq3A_1776 : vector<1x128xi32>
    %ne3A_1778 = arith.constant 0 : i32
    %ne3A_1779 = arith.cmpi ne, %get3A_1766, %ne3A_1778 : i32
    %and3A_1780 = vector.broadcast %ne3A_1779 : i1 to vector<1x128xi1>
    %and3A_1781 = arith.andi %eq3A_1777, %and3A_1780 : vector<1x128xi1>
    %jit3A_1782 = arith.constant 0.000000e+00 : f32
    %broadcast_in_dim3A_1783 = vector.broadcast %jit3A_1782 : f32 to vector<1x128xf32>
    %select_n3A_1784 = arith.select %and3A_1781, %get3A_1773, %broadcast_in_dim3A_1783 : vector<1x128xi1>, vector<1x128xf32>
    %add3A_1785 = arith.addf %add3A_1762, %select_n3A_1784 : vector<1x128xf32>
    %get3A_1786 = arith.constant 0 : index
    %get3A_1787 = arith.constant 77 : index
    %get3A_1788 = arith.constant 0 : index
    %get3A_1789 = memref.load %arg1[%get3A_1786, %get3A_1787, %get3A_1788] : memref<1x128x1xi32, #tpu.memory_space<smem>>
    %shift_right_arithmetic3A_1790 = arith.constant 7 : i32
    %shift_right_arithmetic3A_1791 = arith.shrsi %get3A_1789, %shift_right_arithmetic3A_1790 : i32
    %mul3A_1792 = arith.constant 128 : i32
    %mul3A_1793 = arith.muli %shift_right_arithmetic3A_1791, %mul3A_1792 : i32
    %get3A_1794 = arith.constant 77 : index
    %get3A_1795 = arith.index_cast %mul3A_1793 : i32 to index
    %get3A_1796 = vector.load %arg3[%get3A_1794, %get3A_1795] : memref<128x16384xf32, #tpu.memory_space<vmem>>, vector<1x128xf32>
    %and3A_1797 = arith.constant 127 : i32
    %and3A_1798 = arith.andi %get3A_1789, %and3A_1797 : i32
    %eq3A_1799 = vector.broadcast %and3A_1798 : i32 to vector<1x128xi32>
    %eq3A_1800 = arith.cmpi eq, %iota3A, %eq3A_1799 : vector<1x128xi32>
    %ne3A_1801 = arith.constant 0 : i32
    %ne3A_1802 = arith.cmpi ne, %get3A_1789, %ne3A_1801 : i32
    %and3A_1803 = vector.broadcast %ne3A_1802 : i1 to vector<1x128xi1>
    %and3A_1804 = arith.andi %eq3A_1800, %and3A_1803 : vector<1x128xi1>
    %jit3A_1805 = arith.constant 0.000000e+00 : f32
    %broadcast_in_dim3A_1806 = vector.broadcast %jit3A_1805 : f32 to vector<1x128xf32>
    %select_n3A_1807 = arith.select %and3A_1804, %get3A_1796, %broadcast_in_dim3A_1806 : vector<1x128xi1>, vector<1x128xf32>
    %add3A_1808 = arith.addf %add3A_1785, %select_n3A_1807 : vector<1x128xf32>
    %get3A_1809 = arith.constant 0 : index
    %get3A_1810 = arith.constant 78 : index
    %get3A_1811 = arith.constant 0 : index
    %get3A_1812 = memref.load %arg1[%get3A_1809, %get3A_1810, %get3A_1811] : memref<1x128x1xi32, #tpu.memory_space<smem>>
    %shift_right_arithmetic3A_1813 = arith.constant 7 : i32
    %shift_right_arithmetic3A_1814 = arith.shrsi %get3A_1812, %shift_right_arithmetic3A_1813 : i32
    %mul3A_1815 = arith.constant 128 : i32
    %mul3A_1816 = arith.muli %shift_right_arithmetic3A_1814, %mul3A_1815 : i32
    %get3A_1817 = arith.constant 78 : index
    %get3A_1818 = arith.index_cast %mul3A_1816 : i32 to index
    %get3A_1819 = vector.load %arg3[%get3A_1817, %get3A_1818] : memref<128x16384xf32, #tpu.memory_space<vmem>>, vector<1x128xf32>
    %and3A_1820 = arith.constant 127 : i32
    %and3A_1821 = arith.andi %get3A_1812, %and3A_1820 : i32
    %eq3A_1822 = vector.broadcast %and3A_1821 : i32 to vector<1x128xi32>
    %eq3A_1823 = arith.cmpi eq, %iota3A, %eq3A_1822 : vector<1x128xi32>
    %ne3A_1824 = arith.constant 0 : i32
    %ne3A_1825 = arith.cmpi ne, %get3A_1812, %ne3A_1824 : i32
    %and3A_1826 = vector.broadcast %ne3A_1825 : i1 to vector<1x128xi1>
    %and3A_1827 = arith.andi %eq3A_1823, %and3A_1826 : vector<1x128xi1>
    %jit3A_1828 = arith.constant 0.000000e+00 : f32
    %broadcast_in_dim3A_1829 = vector.broadcast %jit3A_1828 : f32 to vector<1x128xf32>
    %select_n3A_1830 = arith.select %and3A_1827, %get3A_1819, %broadcast_in_dim3A_1829 : vector<1x128xi1>, vector<1x128xf32>
    %add3A_1831 = arith.addf %add3A_1808, %select_n3A_1830 : vector<1x128xf32>
    %get3A_1832 = arith.constant 0 : index
    %get3A_1833 = arith.constant 79 : index
    %get3A_1834 = arith.constant 0 : index
    %get3A_1835 = memref.load %arg1[%get3A_1832, %get3A_1833, %get3A_1834] : memref<1x128x1xi32, #tpu.memory_space<smem>>
    %shift_right_arithmetic3A_1836 = arith.constant 7 : i32
    %shift_right_arithmetic3A_1837 = arith.shrsi %get3A_1835, %shift_right_arithmetic3A_1836 : i32
    %mul3A_1838 = arith.constant 128 : i32
    %mul3A_1839 = arith.muli %shift_right_arithmetic3A_1837, %mul3A_1838 : i32
    %get3A_1840 = arith.constant 79 : index
    %get3A_1841 = arith.index_cast %mul3A_1839 : i32 to index
    %get3A_1842 = vector.load %arg3[%get3A_1840, %get3A_1841] : memref<128x16384xf32, #tpu.memory_space<vmem>>, vector<1x128xf32>
    %and3A_1843 = arith.constant 127 : i32
    %and3A_1844 = arith.andi %get3A_1835, %and3A_1843 : i32
    %eq3A_1845 = vector.broadcast %and3A_1844 : i32 to vector<1x128xi32>
    %eq3A_1846 = arith.cmpi eq, %iota3A, %eq3A_1845 : vector<1x128xi32>
    %ne3A_1847 = arith.constant 0 : i32
    %ne3A_1848 = arith.cmpi ne, %get3A_1835, %ne3A_1847 : i32
    %and3A_1849 = vector.broadcast %ne3A_1848 : i1 to vector<1x128xi1>
    %and3A_1850 = arith.andi %eq3A_1846, %and3A_1849 : vector<1x128xi1>
    %jit3A_1851 = arith.constant 0.000000e+00 : f32
    %broadcast_in_dim3A_1852 = vector.broadcast %jit3A_1851 : f32 to vector<1x128xf32>
    %select_n3A_1853 = arith.select %and3A_1850, %get3A_1842, %broadcast_in_dim3A_1852 : vector<1x128xi1>, vector<1x128xf32>
    %add3A_1854 = arith.addf %add3A_1831, %select_n3A_1853 : vector<1x128xf32>
    %get3A_1855 = arith.constant 0 : index
    %get3A_1856 = arith.constant 80 : index
    %get3A_1857 = arith.constant 0 : index
    %get3A_1858 = memref.load %arg1[%get3A_1855, %get3A_1856, %get3A_1857] : memref<1x128x1xi32, #tpu.memory_space<smem>>
    %shift_right_arithmetic3A_1859 = arith.constant 7 : i32
    %shift_right_arithmetic3A_1860 = arith.shrsi %get3A_1858, %shift_right_arithmetic3A_1859 : i32
    %mul3A_1861 = arith.constant 128 : i32
    %mul3A_1862 = arith.muli %shift_right_arithmetic3A_1860, %mul3A_1861 : i32
    %get3A_1863 = arith.constant 80 : index
    %get3A_1864 = arith.index_cast %mul3A_1862 : i32 to index
    %get3A_1865 = vector.load %arg3[%get3A_1863, %get3A_1864] : memref<128x16384xf32, #tpu.memory_space<vmem>>, vector<1x128xf32>
    %and3A_1866 = arith.constant 127 : i32
    %and3A_1867 = arith.andi %get3A_1858, %and3A_1866 : i32
    %eq3A_1868 = vector.broadcast %and3A_1867 : i32 to vector<1x128xi32>
    %eq3A_1869 = arith.cmpi eq, %iota3A, %eq3A_1868 : vector<1x128xi32>
    %ne3A_1870 = arith.constant 0 : i32
    %ne3A_1871 = arith.cmpi ne, %get3A_1858, %ne3A_1870 : i32
    %and3A_1872 = vector.broadcast %ne3A_1871 : i1 to vector<1x128xi1>
    %and3A_1873 = arith.andi %eq3A_1869, %and3A_1872 : vector<1x128xi1>
    %jit3A_1874 = arith.constant 0.000000e+00 : f32
    %broadcast_in_dim3A_1875 = vector.broadcast %jit3A_1874 : f32 to vector<1x128xf32>
    %select_n3A_1876 = arith.select %and3A_1873, %get3A_1865, %broadcast_in_dim3A_1875 : vector<1x128xi1>, vector<1x128xf32>
    %add3A_1877 = arith.addf %add3A_1854, %select_n3A_1876 : vector<1x128xf32>
    %get3A_1878 = arith.constant 0 : index
    %get3A_1879 = arith.constant 81 : index
    %get3A_1880 = arith.constant 0 : index
    %get3A_1881 = memref.load %arg1[%get3A_1878, %get3A_1879, %get3A_1880] : memref<1x128x1xi32, #tpu.memory_space<smem>>
    %shift_right_arithmetic3A_1882 = arith.constant 7 : i32
    %shift_right_arithmetic3A_1883 = arith.shrsi %get3A_1881, %shift_right_arithmetic3A_1882 : i32
    %mul3A_1884 = arith.constant 128 : i32
    %mul3A_1885 = arith.muli %shift_right_arithmetic3A_1883, %mul3A_1884 : i32
    %get3A_1886 = arith.constant 81 : index
    %get3A_1887 = arith.index_cast %mul3A_1885 : i32 to index
    %get3A_1888 = vector.load %arg3[%get3A_1886, %get3A_1887] : memref<128x16384xf32, #tpu.memory_space<vmem>>, vector<1x128xf32>
    %and3A_1889 = arith.constant 127 : i32
    %and3A_1890 = arith.andi %get3A_1881, %and3A_1889 : i32
    %eq3A_1891 = vector.broadcast %and3A_1890 : i32 to vector<1x128xi32>
    %eq3A_1892 = arith.cmpi eq, %iota3A, %eq3A_1891 : vector<1x128xi32>
    %ne3A_1893 = arith.constant 0 : i32
    %ne3A_1894 = arith.cmpi ne, %get3A_1881, %ne3A_1893 : i32
    %and3A_1895 = vector.broadcast %ne3A_1894 : i1 to vector<1x128xi1>
    %and3A_1896 = arith.andi %eq3A_1892, %and3A_1895 : vector<1x128xi1>
    %jit3A_1897 = arith.constant 0.000000e+00 : f32
    %broadcast_in_dim3A_1898 = vector.broadcast %jit3A_1897 : f32 to vector<1x128xf32>
    %select_n3A_1899 = arith.select %and3A_1896, %get3A_1888, %broadcast_in_dim3A_1898 : vector<1x128xi1>, vector<1x128xf32>
    %add3A_1900 = arith.addf %add3A_1877, %select_n3A_1899 : vector<1x128xf32>
    %get3A_1901 = arith.constant 0 : index
    %get3A_1902 = arith.constant 82 : index
    %get3A_1903 = arith.constant 0 : index
    %get3A_1904 = memref.load %arg1[%get3A_1901, %get3A_1902, %get3A_1903] : memref<1x128x1xi32, #tpu.memory_space<smem>>
    %shift_right_arithmetic3A_1905 = arith.constant 7 : i32
    %shift_right_arithmetic3A_1906 = arith.shrsi %get3A_1904, %shift_right_arithmetic3A_1905 : i32
    %mul3A_1907 = arith.constant 128 : i32
    %mul3A_1908 = arith.muli %shift_right_arithmetic3A_1906, %mul3A_1907 : i32
    %get3A_1909 = arith.constant 82 : index
    %get3A_1910 = arith.index_cast %mul3A_1908 : i32 to index
    %get3A_1911 = vector.load %arg3[%get3A_1909, %get3A_1910] : memref<128x16384xf32, #tpu.memory_space<vmem>>, vector<1x128xf32>
    %and3A_1912 = arith.constant 127 : i32
    %and3A_1913 = arith.andi %get3A_1904, %and3A_1912 : i32
    %eq3A_1914 = vector.broadcast %and3A_1913 : i32 to vector<1x128xi32>
    %eq3A_1915 = arith.cmpi eq, %iota3A, %eq3A_1914 : vector<1x128xi32>
    %ne3A_1916 = arith.constant 0 : i32
    %ne3A_1917 = arith.cmpi ne, %get3A_1904, %ne3A_1916 : i32
    %and3A_1918 = vector.broadcast %ne3A_1917 : i1 to vector<1x128xi1>
    %and3A_1919 = arith.andi %eq3A_1915, %and3A_1918 : vector<1x128xi1>
    %jit3A_1920 = arith.constant 0.000000e+00 : f32
    %broadcast_in_dim3A_1921 = vector.broadcast %jit3A_1920 : f32 to vector<1x128xf32>
    %select_n3A_1922 = arith.select %and3A_1919, %get3A_1911, %broadcast_in_dim3A_1921 : vector<1x128xi1>, vector<1x128xf32>
    %add3A_1923 = arith.addf %add3A_1900, %select_n3A_1922 : vector<1x128xf32>
    %get3A_1924 = arith.constant 0 : index
    %get3A_1925 = arith.constant 83 : index
    %get3A_1926 = arith.constant 0 : index
    %get3A_1927 = memref.load %arg1[%get3A_1924, %get3A_1925, %get3A_1926] : memref<1x128x1xi32, #tpu.memory_space<smem>>
    %shift_right_arithmetic3A_1928 = arith.constant 7 : i32
    %shift_right_arithmetic3A_1929 = arith.shrsi %get3A_1927, %shift_right_arithmetic3A_1928 : i32
    %mul3A_1930 = arith.constant 128 : i32
    %mul3A_1931 = arith.muli %shift_right_arithmetic3A_1929, %mul3A_1930 : i32
    %get3A_1932 = arith.constant 83 : index
    %get3A_1933 = arith.index_cast %mul3A_1931 : i32 to index
    %get3A_1934 = vector.load %arg3[%get3A_1932, %get3A_1933] : memref<128x16384xf32, #tpu.memory_space<vmem>>, vector<1x128xf32>
    %and3A_1935 = arith.constant 127 : i32
    %and3A_1936 = arith.andi %get3A_1927, %and3A_1935 : i32
    %eq3A_1937 = vector.broadcast %and3A_1936 : i32 to vector<1x128xi32>
    %eq3A_1938 = arith.cmpi eq, %iota3A, %eq3A_1937 : vector<1x128xi32>
    %ne3A_1939 = arith.constant 0 : i32
    %ne3A_1940 = arith.cmpi ne, %get3A_1927, %ne3A_1939 : i32
    %and3A_1941 = vector.broadcast %ne3A_1940 : i1 to vector<1x128xi1>
    %and3A_1942 = arith.andi %eq3A_1938, %and3A_1941 : vector<1x128xi1>
    %jit3A_1943 = arith.constant 0.000000e+00 : f32
    %broadcast_in_dim3A_1944 = vector.broadcast %jit3A_1943 : f32 to vector<1x128xf32>
    %select_n3A_1945 = arith.select %and3A_1942, %get3A_1934, %broadcast_in_dim3A_1944 : vector<1x128xi1>, vector<1x128xf32>
    %add3A_1946 = arith.addf %add3A_1923, %select_n3A_1945 : vector<1x128xf32>
    %get3A_1947 = arith.constant 0 : index
    %get3A_1948 = arith.constant 84 : index
    %get3A_1949 = arith.constant 0 : index
    %get3A_1950 = memref.load %arg1[%get3A_1947, %get3A_1948, %get3A_1949] : memref<1x128x1xi32, #tpu.memory_space<smem>>
    %shift_right_arithmetic3A_1951 = arith.constant 7 : i32
    %shift_right_arithmetic3A_1952 = arith.shrsi %get3A_1950, %shift_right_arithmetic3A_1951 : i32
    %mul3A_1953 = arith.constant 128 : i32
    %mul3A_1954 = arith.muli %shift_right_arithmetic3A_1952, %mul3A_1953 : i32
    %get3A_1955 = arith.constant 84 : index
    %get3A_1956 = arith.index_cast %mul3A_1954 : i32 to index
    %get3A_1957 = vector.load %arg3[%get3A_1955, %get3A_1956] : memref<128x16384xf32, #tpu.memory_space<vmem>>, vector<1x128xf32>
    %and3A_1958 = arith.constant 127 : i32
    %and3A_1959 = arith.andi %get3A_1950, %and3A_1958 : i32
    %eq3A_1960 = vector.broadcast %and3A_1959 : i32 to vector<1x128xi32>
    %eq3A_1961 = arith.cmpi eq, %iota3A, %eq3A_1960 : vector<1x128xi32>
    %ne3A_1962 = arith.constant 0 : i32
    %ne3A_1963 = arith.cmpi ne, %get3A_1950, %ne3A_1962 : i32
    %and3A_1964 = vector.broadcast %ne3A_1963 : i1 to vector<1x128xi1>
    %and3A_1965 = arith.andi %eq3A_1961, %and3A_1964 : vector<1x128xi1>
    %jit3A_1966 = arith.constant 0.000000e+00 : f32
    %broadcast_in_dim3A_1967 = vector.broadcast %jit3A_1966 : f32 to vector<1x128xf32>
    %select_n3A_1968 = arith.select %and3A_1965, %get3A_1957, %broadcast_in_dim3A_1967 : vector<1x128xi1>, vector<1x128xf32>
    %add3A_1969 = arith.addf %add3A_1946, %select_n3A_1968 : vector<1x128xf32>
    %get3A_1970 = arith.constant 0 : index
    %get3A_1971 = arith.constant 85 : index
    %get3A_1972 = arith.constant 0 : index
    %get3A_1973 = memref.load %arg1[%get3A_1970, %get3A_1971, %get3A_1972] : memref<1x128x1xi32, #tpu.memory_space<smem>>
    %shift_right_arithmetic3A_1974 = arith.constant 7 : i32
    %shift_right_arithmetic3A_1975 = arith.shrsi %get3A_1973, %shift_right_arithmetic3A_1974 : i32
    %mul3A_1976 = arith.constant 128 : i32
    %mul3A_1977 = arith.muli %shift_right_arithmetic3A_1975, %mul3A_1976 : i32
    %get3A_1978 = arith.constant 85 : index
    %get3A_1979 = arith.index_cast %mul3A_1977 : i32 to index
    %get3A_1980 = vector.load %arg3[%get3A_1978, %get3A_1979] : memref<128x16384xf32, #tpu.memory_space<vmem>>, vector<1x128xf32>
    %and3A_1981 = arith.constant 127 : i32
    %and3A_1982 = arith.andi %get3A_1973, %and3A_1981 : i32
    %eq3A_1983 = vector.broadcast %and3A_1982 : i32 to vector<1x128xi32>
    %eq3A_1984 = arith.cmpi eq, %iota3A, %eq3A_1983 : vector<1x128xi32>
    %ne3A_1985 = arith.constant 0 : i32
    %ne3A_1986 = arith.cmpi ne, %get3A_1973, %ne3A_1985 : i32
    %and3A_1987 = vector.broadcast %ne3A_1986 : i1 to vector<1x128xi1>
    %and3A_1988 = arith.andi %eq3A_1984, %and3A_1987 : vector<1x128xi1>
    %jit3A_1989 = arith.constant 0.000000e+00 : f32
    %broadcast_in_dim3A_1990 = vector.broadcast %jit3A_1989 : f32 to vector<1x128xf32>
    %select_n3A_1991 = arith.select %and3A_1988, %get3A_1980, %broadcast_in_dim3A_1990 : vector<1x128xi1>, vector<1x128xf32>
    %add3A_1992 = arith.addf %add3A_1969, %select_n3A_1991 : vector<1x128xf32>
    %get3A_1993 = arith.constant 0 : index
    %get3A_1994 = arith.constant 86 : index
    %get3A_1995 = arith.constant 0 : index
    %get3A_1996 = memref.load %arg1[%get3A_1993, %get3A_1994, %get3A_1995] : memref<1x128x1xi32, #tpu.memory_space<smem>>
    %shift_right_arithmetic3A_1997 = arith.constant 7 : i32
    %shift_right_arithmetic3A_1998 = arith.shrsi %get3A_1996, %shift_right_arithmetic3A_1997 : i32
    %mul3A_1999 = arith.constant 128 : i32
    %mul3A_2000 = arith.muli %shift_right_arithmetic3A_1998, %mul3A_1999 : i32
    %get3A_2001 = arith.constant 86 : index
    %get3A_2002 = arith.index_cast %mul3A_2000 : i32 to index
    %get3A_2003 = vector.load %arg3[%get3A_2001, %get3A_2002] : memref<128x16384xf32, #tpu.memory_space<vmem>>, vector<1x128xf32>
    %and3A_2004 = arith.constant 127 : i32
    %and3A_2005 = arith.andi %get3A_1996, %and3A_2004 : i32
    %eq3A_2006 = vector.broadcast %and3A_2005 : i32 to vector<1x128xi32>
    %eq3A_2007 = arith.cmpi eq, %iota3A, %eq3A_2006 : vector<1x128xi32>
    %ne3A_2008 = arith.constant 0 : i32
    %ne3A_2009 = arith.cmpi ne, %get3A_1996, %ne3A_2008 : i32
    %and3A_2010 = vector.broadcast %ne3A_2009 : i1 to vector<1x128xi1>
    %and3A_2011 = arith.andi %eq3A_2007, %and3A_2010 : vector<1x128xi1>
    %jit3A_2012 = arith.constant 0.000000e+00 : f32
    %broadcast_in_dim3A_2013 = vector.broadcast %jit3A_2012 : f32 to vector<1x128xf32>
    %select_n3A_2014 = arith.select %and3A_2011, %get3A_2003, %broadcast_in_dim3A_2013 : vector<1x128xi1>, vector<1x128xf32>
    %add3A_2015 = arith.addf %add3A_1992, %select_n3A_2014 : vector<1x128xf32>
    %get3A_2016 = arith.constant 0 : index
    %get3A_2017 = arith.constant 87 : index
    %get3A_2018 = arith.constant 0 : index
    %get3A_2019 = memref.load %arg1[%get3A_2016, %get3A_2017, %get3A_2018] : memref<1x128x1xi32, #tpu.memory_space<smem>>
    %shift_right_arithmetic3A_2020 = arith.constant 7 : i32
    %shift_right_arithmetic3A_2021 = arith.shrsi %get3A_2019, %shift_right_arithmetic3A_2020 : i32
    %mul3A_2022 = arith.constant 128 : i32
    %mul3A_2023 = arith.muli %shift_right_arithmetic3A_2021, %mul3A_2022 : i32
    %get3A_2024 = arith.constant 87 : index
    %get3A_2025 = arith.index_cast %mul3A_2023 : i32 to index
    %get3A_2026 = vector.load %arg3[%get3A_2024, %get3A_2025] : memref<128x16384xf32, #tpu.memory_space<vmem>>, vector<1x128xf32>
    %and3A_2027 = arith.constant 127 : i32
    %and3A_2028 = arith.andi %get3A_2019, %and3A_2027 : i32
    %eq3A_2029 = vector.broadcast %and3A_2028 : i32 to vector<1x128xi32>
    %eq3A_2030 = arith.cmpi eq, %iota3A, %eq3A_2029 : vector<1x128xi32>
    %ne3A_2031 = arith.constant 0 : i32
    %ne3A_2032 = arith.cmpi ne, %get3A_2019, %ne3A_2031 : i32
    %and3A_2033 = vector.broadcast %ne3A_2032 : i1 to vector<1x128xi1>
    %and3A_2034 = arith.andi %eq3A_2030, %and3A_2033 : vector<1x128xi1>
    %jit3A_2035 = arith.constant 0.000000e+00 : f32
    %broadcast_in_dim3A_2036 = vector.broadcast %jit3A_2035 : f32 to vector<1x128xf32>
    %select_n3A_2037 = arith.select %and3A_2034, %get3A_2026, %broadcast_in_dim3A_2036 : vector<1x128xi1>, vector<1x128xf32>
    %add3A_2038 = arith.addf %add3A_2015, %select_n3A_2037 : vector<1x128xf32>
    %get3A_2039 = arith.constant 0 : index
    %get3A_2040 = arith.constant 88 : index
    %get3A_2041 = arith.constant 0 : index
    %get3A_2042 = memref.load %arg1[%get3A_2039, %get3A_2040, %get3A_2041] : memref<1x128x1xi32, #tpu.memory_space<smem>>
    %shift_right_arithmetic3A_2043 = arith.constant 7 : i32
    %shift_right_arithmetic3A_2044 = arith.shrsi %get3A_2042, %shift_right_arithmetic3A_2043 : i32
    %mul3A_2045 = arith.constant 128 : i32
    %mul3A_2046 = arith.muli %shift_right_arithmetic3A_2044, %mul3A_2045 : i32
    %get3A_2047 = arith.constant 88 : index
    %get3A_2048 = arith.index_cast %mul3A_2046 : i32 to index
    %get3A_2049 = vector.load %arg3[%get3A_2047, %get3A_2048] : memref<128x16384xf32, #tpu.memory_space<vmem>>, vector<1x128xf32>
    %and3A_2050 = arith.constant 127 : i32
    %and3A_2051 = arith.andi %get3A_2042, %and3A_2050 : i32
    %eq3A_2052 = vector.broadcast %and3A_2051 : i32 to vector<1x128xi32>
    %eq3A_2053 = arith.cmpi eq, %iota3A, %eq3A_2052 : vector<1x128xi32>
    %ne3A_2054 = arith.constant 0 : i32
    %ne3A_2055 = arith.cmpi ne, %get3A_2042, %ne3A_2054 : i32
    %and3A_2056 = vector.broadcast %ne3A_2055 : i1 to vector<1x128xi1>
    %and3A_2057 = arith.andi %eq3A_2053, %and3A_2056 : vector<1x128xi1>
    %jit3A_2058 = arith.constant 0.000000e+00 : f32
    %broadcast_in_dim3A_2059 = vector.broadcast %jit3A_2058 : f32 to vector<1x128xf32>
    %select_n3A_2060 = arith.select %and3A_2057, %get3A_2049, %broadcast_in_dim3A_2059 : vector<1x128xi1>, vector<1x128xf32>
    %add3A_2061 = arith.addf %add3A_2038, %select_n3A_2060 : vector<1x128xf32>
    %get3A_2062 = arith.constant 0 : index
    %get3A_2063 = arith.constant 89 : index
    %get3A_2064 = arith.constant 0 : index
    %get3A_2065 = memref.load %arg1[%get3A_2062, %get3A_2063, %get3A_2064] : memref<1x128x1xi32, #tpu.memory_space<smem>>
    %shift_right_arithmetic3A_2066 = arith.constant 7 : i32
    %shift_right_arithmetic3A_2067 = arith.shrsi %get3A_2065, %shift_right_arithmetic3A_2066 : i32
    %mul3A_2068 = arith.constant 128 : i32
    %mul3A_2069 = arith.muli %shift_right_arithmetic3A_2067, %mul3A_2068 : i32
    %get3A_2070 = arith.constant 89 : index
    %get3A_2071 = arith.index_cast %mul3A_2069 : i32 to index
    %get3A_2072 = vector.load %arg3[%get3A_2070, %get3A_2071] : memref<128x16384xf32, #tpu.memory_space<vmem>>, vector<1x128xf32>
    %and3A_2073 = arith.constant 127 : i32
    %and3A_2074 = arith.andi %get3A_2065, %and3A_2073 : i32
    %eq3A_2075 = vector.broadcast %and3A_2074 : i32 to vector<1x128xi32>
    %eq3A_2076 = arith.cmpi eq, %iota3A, %eq3A_2075 : vector<1x128xi32>
    %ne3A_2077 = arith.constant 0 : i32
    %ne3A_2078 = arith.cmpi ne, %get3A_2065, %ne3A_2077 : i32
    %and3A_2079 = vector.broadcast %ne3A_2078 : i1 to vector<1x128xi1>
    %and3A_2080 = arith.andi %eq3A_2076, %and3A_2079 : vector<1x128xi1>
    %jit3A_2081 = arith.constant 0.000000e+00 : f32
    %broadcast_in_dim3A_2082 = vector.broadcast %jit3A_2081 : f32 to vector<1x128xf32>
    %select_n3A_2083 = arith.select %and3A_2080, %get3A_2072, %broadcast_in_dim3A_2082 : vector<1x128xi1>, vector<1x128xf32>
    %add3A_2084 = arith.addf %add3A_2061, %select_n3A_2083 : vector<1x128xf32>
    %get3A_2085 = arith.constant 0 : index
    %get3A_2086 = arith.constant 90 : index
    %get3A_2087 = arith.constant 0 : index
    %get3A_2088 = memref.load %arg1[%get3A_2085, %get3A_2086, %get3A_2087] : memref<1x128x1xi32, #tpu.memory_space<smem>>
    %shift_right_arithmetic3A_2089 = arith.constant 7 : i32
    %shift_right_arithmetic3A_2090 = arith.shrsi %get3A_2088, %shift_right_arithmetic3A_2089 : i32
    %mul3A_2091 = arith.constant 128 : i32
    %mul3A_2092 = arith.muli %shift_right_arithmetic3A_2090, %mul3A_2091 : i32
    %get3A_2093 = arith.constant 90 : index
    %get3A_2094 = arith.index_cast %mul3A_2092 : i32 to index
    %get3A_2095 = vector.load %arg3[%get3A_2093, %get3A_2094] : memref<128x16384xf32, #tpu.memory_space<vmem>>, vector<1x128xf32>
    %and3A_2096 = arith.constant 127 : i32
    %and3A_2097 = arith.andi %get3A_2088, %and3A_2096 : i32
    %eq3A_2098 = vector.broadcast %and3A_2097 : i32 to vector<1x128xi32>
    %eq3A_2099 = arith.cmpi eq, %iota3A, %eq3A_2098 : vector<1x128xi32>
    %ne3A_2100 = arith.constant 0 : i32
    %ne3A_2101 = arith.cmpi ne, %get3A_2088, %ne3A_2100 : i32
    %and3A_2102 = vector.broadcast %ne3A_2101 : i1 to vector<1x128xi1>
    %and3A_2103 = arith.andi %eq3A_2099, %and3A_2102 : vector<1x128xi1>
    %jit3A_2104 = arith.constant 0.000000e+00 : f32
    %broadcast_in_dim3A_2105 = vector.broadcast %jit3A_2104 : f32 to vector<1x128xf32>
    %select_n3A_2106 = arith.select %and3A_2103, %get3A_2095, %broadcast_in_dim3A_2105 : vector<1x128xi1>, vector<1x128xf32>
    %add3A_2107 = arith.addf %add3A_2084, %select_n3A_2106 : vector<1x128xf32>
    %get3A_2108 = arith.constant 0 : index
    %get3A_2109 = arith.constant 91 : index
    %get3A_2110 = arith.constant 0 : index
    %get3A_2111 = memref.load %arg1[%get3A_2108, %get3A_2109, %get3A_2110] : memref<1x128x1xi32, #tpu.memory_space<smem>>
    %shift_right_arithmetic3A_2112 = arith.constant 7 : i32
    %shift_right_arithmetic3A_2113 = arith.shrsi %get3A_2111, %shift_right_arithmetic3A_2112 : i32
    %mul3A_2114 = arith.constant 128 : i32
    %mul3A_2115 = arith.muli %shift_right_arithmetic3A_2113, %mul3A_2114 : i32
    %get3A_2116 = arith.constant 91 : index
    %get3A_2117 = arith.index_cast %mul3A_2115 : i32 to index
    %get3A_2118 = vector.load %arg3[%get3A_2116, %get3A_2117] : memref<128x16384xf32, #tpu.memory_space<vmem>>, vector<1x128xf32>
    %and3A_2119 = arith.constant 127 : i32
    %and3A_2120 = arith.andi %get3A_2111, %and3A_2119 : i32
    %eq3A_2121 = vector.broadcast %and3A_2120 : i32 to vector<1x128xi32>
    %eq3A_2122 = arith.cmpi eq, %iota3A, %eq3A_2121 : vector<1x128xi32>
    %ne3A_2123 = arith.constant 0 : i32
    %ne3A_2124 = arith.cmpi ne, %get3A_2111, %ne3A_2123 : i32
    %and3A_2125 = vector.broadcast %ne3A_2124 : i1 to vector<1x128xi1>
    %and3A_2126 = arith.andi %eq3A_2122, %and3A_2125 : vector<1x128xi1>
    %jit3A_2127 = arith.constant 0.000000e+00 : f32
    %broadcast_in_dim3A_2128 = vector.broadcast %jit3A_2127 : f32 to vector<1x128xf32>
    %select_n3A_2129 = arith.select %and3A_2126, %get3A_2118, %broadcast_in_dim3A_2128 : vector<1x128xi1>, vector<1x128xf32>
    %add3A_2130 = arith.addf %add3A_2107, %select_n3A_2129 : vector<1x128xf32>
    %get3A_2131 = arith.constant 0 : index
    %get3A_2132 = arith.constant 92 : index
    %get3A_2133 = arith.constant 0 : index
    %get3A_2134 = memref.load %arg1[%get3A_2131, %get3A_2132, %get3A_2133] : memref<1x128x1xi32, #tpu.memory_space<smem>>
    %shift_right_arithmetic3A_2135 = arith.constant 7 : i32
    %shift_right_arithmetic3A_2136 = arith.shrsi %get3A_2134, %shift_right_arithmetic3A_2135 : i32
    %mul3A_2137 = arith.constant 128 : i32
    %mul3A_2138 = arith.muli %shift_right_arithmetic3A_2136, %mul3A_2137 : i32
    %get3A_2139 = arith.constant 92 : index
    %get3A_2140 = arith.index_cast %mul3A_2138 : i32 to index
    %get3A_2141 = vector.load %arg3[%get3A_2139, %get3A_2140] : memref<128x16384xf32, #tpu.memory_space<vmem>>, vector<1x128xf32>
    %and3A_2142 = arith.constant 127 : i32
    %and3A_2143 = arith.andi %get3A_2134, %and3A_2142 : i32
    %eq3A_2144 = vector.broadcast %and3A_2143 : i32 to vector<1x128xi32>
    %eq3A_2145 = arith.cmpi eq, %iota3A, %eq3A_2144 : vector<1x128xi32>
    %ne3A_2146 = arith.constant 0 : i32
    %ne3A_2147 = arith.cmpi ne, %get3A_2134, %ne3A_2146 : i32
    %and3A_2148 = vector.broadcast %ne3A_2147 : i1 to vector<1x128xi1>
    %and3A_2149 = arith.andi %eq3A_2145, %and3A_2148 : vector<1x128xi1>
    %jit3A_2150 = arith.constant 0.000000e+00 : f32
    %broadcast_in_dim3A_2151 = vector.broadcast %jit3A_2150 : f32 to vector<1x128xf32>
    %select_n3A_2152 = arith.select %and3A_2149, %get3A_2141, %broadcast_in_dim3A_2151 : vector<1x128xi1>, vector<1x128xf32>
    %add3A_2153 = arith.addf %add3A_2130, %select_n3A_2152 : vector<1x128xf32>
    %get3A_2154 = arith.constant 0 : index
    %get3A_2155 = arith.constant 93 : index
    %get3A_2156 = arith.constant 0 : index
    %get3A_2157 = memref.load %arg1[%get3A_2154, %get3A_2155, %get3A_2156] : memref<1x128x1xi32, #tpu.memory_space<smem>>
    %shift_right_arithmetic3A_2158 = arith.constant 7 : i32
    %shift_right_arithmetic3A_2159 = arith.shrsi %get3A_2157, %shift_right_arithmetic3A_2158 : i32
    %mul3A_2160 = arith.constant 128 : i32
    %mul3A_2161 = arith.muli %shift_right_arithmetic3A_2159, %mul3A_2160 : i32
    %get3A_2162 = arith.constant 93 : index
    %get3A_2163 = arith.index_cast %mul3A_2161 : i32 to index
    %get3A_2164 = vector.load %arg3[%get3A_2162, %get3A_2163] : memref<128x16384xf32, #tpu.memory_space<vmem>>, vector<1x128xf32>
    %and3A_2165 = arith.constant 127 : i32
    %and3A_2166 = arith.andi %get3A_2157, %and3A_2165 : i32
    %eq3A_2167 = vector.broadcast %and3A_2166 : i32 to vector<1x128xi32>
    %eq3A_2168 = arith.cmpi eq, %iota3A, %eq3A_2167 : vector<1x128xi32>
    %ne3A_2169 = arith.constant 0 : i32
    %ne3A_2170 = arith.cmpi ne, %get3A_2157, %ne3A_2169 : i32
    %and3A_2171 = vector.broadcast %ne3A_2170 : i1 to vector<1x128xi1>
    %and3A_2172 = arith.andi %eq3A_2168, %and3A_2171 : vector<1x128xi1>
    %jit3A_2173 = arith.constant 0.000000e+00 : f32
    %broadcast_in_dim3A_2174 = vector.broadcast %jit3A_2173 : f32 to vector<1x128xf32>
    %select_n3A_2175 = arith.select %and3A_2172, %get3A_2164, %broadcast_in_dim3A_2174 : vector<1x128xi1>, vector<1x128xf32>
    %add3A_2176 = arith.addf %add3A_2153, %select_n3A_2175 : vector<1x128xf32>
    %get3A_2177 = arith.constant 0 : index
    %get3A_2178 = arith.constant 94 : index
    %get3A_2179 = arith.constant 0 : index
    %get3A_2180 = memref.load %arg1[%get3A_2177, %get3A_2178, %get3A_2179] : memref<1x128x1xi32, #tpu.memory_space<smem>>
    %shift_right_arithmetic3A_2181 = arith.constant 7 : i32
    %shift_right_arithmetic3A_2182 = arith.shrsi %get3A_2180, %shift_right_arithmetic3A_2181 : i32
    %mul3A_2183 = arith.constant 128 : i32
    %mul3A_2184 = arith.muli %shift_right_arithmetic3A_2182, %mul3A_2183 : i32
    %get3A_2185 = arith.constant 94 : index
    %get3A_2186 = arith.index_cast %mul3A_2184 : i32 to index
    %get3A_2187 = vector.load %arg3[%get3A_2185, %get3A_2186] : memref<128x16384xf32, #tpu.memory_space<vmem>>, vector<1x128xf32>
    %and3A_2188 = arith.constant 127 : i32
    %and3A_2189 = arith.andi %get3A_2180, %and3A_2188 : i32
    %eq3A_2190 = vector.broadcast %and3A_2189 : i32 to vector<1x128xi32>
    %eq3A_2191 = arith.cmpi eq, %iota3A, %eq3A_2190 : vector<1x128xi32>
    %ne3A_2192 = arith.constant 0 : i32
    %ne3A_2193 = arith.cmpi ne, %get3A_2180, %ne3A_2192 : i32
    %and3A_2194 = vector.broadcast %ne3A_2193 : i1 to vector<1x128xi1>
    %and3A_2195 = arith.andi %eq3A_2191, %and3A_2194 : vector<1x128xi1>
    %jit3A_2196 = arith.constant 0.000000e+00 : f32
    %broadcast_in_dim3A_2197 = vector.broadcast %jit3A_2196 : f32 to vector<1x128xf32>
    %select_n3A_2198 = arith.select %and3A_2195, %get3A_2187, %broadcast_in_dim3A_2197 : vector<1x128xi1>, vector<1x128xf32>
    %add3A_2199 = arith.addf %add3A_2176, %select_n3A_2198 : vector<1x128xf32>
    %get3A_2200 = arith.constant 0 : index
    %get3A_2201 = arith.constant 95 : index
    %get3A_2202 = arith.constant 0 : index
    %get3A_2203 = memref.load %arg1[%get3A_2200, %get3A_2201, %get3A_2202] : memref<1x128x1xi32, #tpu.memory_space<smem>>
    %shift_right_arithmetic3A_2204 = arith.constant 7 : i32
    %shift_right_arithmetic3A_2205 = arith.shrsi %get3A_2203, %shift_right_arithmetic3A_2204 : i32
    %mul3A_2206 = arith.constant 128 : i32
    %mul3A_2207 = arith.muli %shift_right_arithmetic3A_2205, %mul3A_2206 : i32
    %get3A_2208 = arith.constant 95 : index
    %get3A_2209 = arith.index_cast %mul3A_2207 : i32 to index
    %get3A_2210 = vector.load %arg3[%get3A_2208, %get3A_2209] : memref<128x16384xf32, #tpu.memory_space<vmem>>, vector<1x128xf32>
    %and3A_2211 = arith.constant 127 : i32
    %and3A_2212 = arith.andi %get3A_2203, %and3A_2211 : i32
    %eq3A_2213 = vector.broadcast %and3A_2212 : i32 to vector<1x128xi32>
    %eq3A_2214 = arith.cmpi eq, %iota3A, %eq3A_2213 : vector<1x128xi32>
    %ne3A_2215 = arith.constant 0 : i32
    %ne3A_2216 = arith.cmpi ne, %get3A_2203, %ne3A_2215 : i32
    %and3A_2217 = vector.broadcast %ne3A_2216 : i1 to vector<1x128xi1>
    %and3A_2218 = arith.andi %eq3A_2214, %and3A_2217 : vector<1x128xi1>
    %jit3A_2219 = arith.constant 0.000000e+00 : f32
    %broadcast_in_dim3A_2220 = vector.broadcast %jit3A_2219 : f32 to vector<1x128xf32>
    %select_n3A_2221 = arith.select %and3A_2218, %get3A_2210, %broadcast_in_dim3A_2220 : vector<1x128xi1>, vector<1x128xf32>
    %add3A_2222 = arith.addf %add3A_2199, %select_n3A_2221 : vector<1x128xf32>
    %get3A_2223 = arith.constant 0 : index
    %get3A_2224 = arith.constant 96 : index
    %get3A_2225 = arith.constant 0 : index
    %get3A_2226 = memref.load %arg1[%get3A_2223, %get3A_2224, %get3A_2225] : memref<1x128x1xi32, #tpu.memory_space<smem>>
    %shift_right_arithmetic3A_2227 = arith.constant 7 : i32
    %shift_right_arithmetic3A_2228 = arith.shrsi %get3A_2226, %shift_right_arithmetic3A_2227 : i32
    %mul3A_2229 = arith.constant 128 : i32
    %mul3A_2230 = arith.muli %shift_right_arithmetic3A_2228, %mul3A_2229 : i32
    %get3A_2231 = arith.constant 96 : index
    %get3A_2232 = arith.index_cast %mul3A_2230 : i32 to index
    %get3A_2233 = vector.load %arg3[%get3A_2231, %get3A_2232] : memref<128x16384xf32, #tpu.memory_space<vmem>>, vector<1x128xf32>
    %and3A_2234 = arith.constant 127 : i32
    %and3A_2235 = arith.andi %get3A_2226, %and3A_2234 : i32
    %eq3A_2236 = vector.broadcast %and3A_2235 : i32 to vector<1x128xi32>
    %eq3A_2237 = arith.cmpi eq, %iota3A, %eq3A_2236 : vector<1x128xi32>
    %ne3A_2238 = arith.constant 0 : i32
    %ne3A_2239 = arith.cmpi ne, %get3A_2226, %ne3A_2238 : i32
    %and3A_2240 = vector.broadcast %ne3A_2239 : i1 to vector<1x128xi1>
    %and3A_2241 = arith.andi %eq3A_2237, %and3A_2240 : vector<1x128xi1>
    %jit3A_2242 = arith.constant 0.000000e+00 : f32
    %broadcast_in_dim3A_2243 = vector.broadcast %jit3A_2242 : f32 to vector<1x128xf32>
    %select_n3A_2244 = arith.select %and3A_2241, %get3A_2233, %broadcast_in_dim3A_2243 : vector<1x128xi1>, vector<1x128xf32>
    %add3A_2245 = arith.addf %add3A_2222, %select_n3A_2244 : vector<1x128xf32>
    %get3A_2246 = arith.constant 0 : index
    %get3A_2247 = arith.constant 97 : index
    %get3A_2248 = arith.constant 0 : index
    %get3A_2249 = memref.load %arg1[%get3A_2246, %get3A_2247, %get3A_2248] : memref<1x128x1xi32, #tpu.memory_space<smem>>
    %shift_right_arithmetic3A_2250 = arith.constant 7 : i32
    %shift_right_arithmetic3A_2251 = arith.shrsi %get3A_2249, %shift_right_arithmetic3A_2250 : i32
    %mul3A_2252 = arith.constant 128 : i32
    %mul3A_2253 = arith.muli %shift_right_arithmetic3A_2251, %mul3A_2252 : i32
    %get3A_2254 = arith.constant 97 : index
    %get3A_2255 = arith.index_cast %mul3A_2253 : i32 to index
    %get3A_2256 = vector.load %arg3[%get3A_2254, %get3A_2255] : memref<128x16384xf32, #tpu.memory_space<vmem>>, vector<1x128xf32>
    %and3A_2257 = arith.constant 127 : i32
    %and3A_2258 = arith.andi %get3A_2249, %and3A_2257 : i32
    %eq3A_2259 = vector.broadcast %and3A_2258 : i32 to vector<1x128xi32>
    %eq3A_2260 = arith.cmpi eq, %iota3A, %eq3A_2259 : vector<1x128xi32>
    %ne3A_2261 = arith.constant 0 : i32
    %ne3A_2262 = arith.cmpi ne, %get3A_2249, %ne3A_2261 : i32
    %and3A_2263 = vector.broadcast %ne3A_2262 : i1 to vector<1x128xi1>
    %and3A_2264 = arith.andi %eq3A_2260, %and3A_2263 : vector<1x128xi1>
    %jit3A_2265 = arith.constant 0.000000e+00 : f32
    %broadcast_in_dim3A_2266 = vector.broadcast %jit3A_2265 : f32 to vector<1x128xf32>
    %select_n3A_2267 = arith.select %and3A_2264, %get3A_2256, %broadcast_in_dim3A_2266 : vector<1x128xi1>, vector<1x128xf32>
    %add3A_2268 = arith.addf %add3A_2245, %select_n3A_2267 : vector<1x128xf32>
    %get3A_2269 = arith.constant 0 : index
    %get3A_2270 = arith.constant 98 : index
    %get3A_2271 = arith.constant 0 : index
    %get3A_2272 = memref.load %arg1[%get3A_2269, %get3A_2270, %get3A_2271] : memref<1x128x1xi32, #tpu.memory_space<smem>>
    %shift_right_arithmetic3A_2273 = arith.constant 7 : i32
    %shift_right_arithmetic3A_2274 = arith.shrsi %get3A_2272, %shift_right_arithmetic3A_2273 : i32
    %mul3A_2275 = arith.constant 128 : i32
    %mul3A_2276 = arith.muli %shift_right_arithmetic3A_2274, %mul3A_2275 : i32
    %get3A_2277 = arith.constant 98 : index
    %get3A_2278 = arith.index_cast %mul3A_2276 : i32 to index
    %get3A_2279 = vector.load %arg3[%get3A_2277, %get3A_2278] : memref<128x16384xf32, #tpu.memory_space<vmem>>, vector<1x128xf32>
    %and3A_2280 = arith.constant 127 : i32
    %and3A_2281 = arith.andi %get3A_2272, %and3A_2280 : i32
    %eq3A_2282 = vector.broadcast %and3A_2281 : i32 to vector<1x128xi32>
    %eq3A_2283 = arith.cmpi eq, %iota3A, %eq3A_2282 : vector<1x128xi32>
    %ne3A_2284 = arith.constant 0 : i32
    %ne3A_2285 = arith.cmpi ne, %get3A_2272, %ne3A_2284 : i32
    %and3A_2286 = vector.broadcast %ne3A_2285 : i1 to vector<1x128xi1>
    %and3A_2287 = arith.andi %eq3A_2283, %and3A_2286 : vector<1x128xi1>
    %jit3A_2288 = arith.constant 0.000000e+00 : f32
    %broadcast_in_dim3A_2289 = vector.broadcast %jit3A_2288 : f32 to vector<1x128xf32>
    %select_n3A_2290 = arith.select %and3A_2287, %get3A_2279, %broadcast_in_dim3A_2289 : vector<1x128xi1>, vector<1x128xf32>
    %add3A_2291 = arith.addf %add3A_2268, %select_n3A_2290 : vector<1x128xf32>
    %get3A_2292 = arith.constant 0 : index
    %get3A_2293 = arith.constant 99 : index
    %get3A_2294 = arith.constant 0 : index
    %get3A_2295 = memref.load %arg1[%get3A_2292, %get3A_2293, %get3A_2294] : memref<1x128x1xi32, #tpu.memory_space<smem>>
    %shift_right_arithmetic3A_2296 = arith.constant 7 : i32
    %shift_right_arithmetic3A_2297 = arith.shrsi %get3A_2295, %shift_right_arithmetic3A_2296 : i32
    %mul3A_2298 = arith.constant 128 : i32
    %mul3A_2299 = arith.muli %shift_right_arithmetic3A_2297, %mul3A_2298 : i32
    %get3A_2300 = arith.constant 99 : index
    %get3A_2301 = arith.index_cast %mul3A_2299 : i32 to index
    %get3A_2302 = vector.load %arg3[%get3A_2300, %get3A_2301] : memref<128x16384xf32, #tpu.memory_space<vmem>>, vector<1x128xf32>
    %and3A_2303 = arith.constant 127 : i32
    %and3A_2304 = arith.andi %get3A_2295, %and3A_2303 : i32
    %eq3A_2305 = vector.broadcast %and3A_2304 : i32 to vector<1x128xi32>
    %eq3A_2306 = arith.cmpi eq, %iota3A, %eq3A_2305 : vector<1x128xi32>
    %ne3A_2307 = arith.constant 0 : i32
    %ne3A_2308 = arith.cmpi ne, %get3A_2295, %ne3A_2307 : i32
    %and3A_2309 = vector.broadcast %ne3A_2308 : i1 to vector<1x128xi1>
    %and3A_2310 = arith.andi %eq3A_2306, %and3A_2309 : vector<1x128xi1>
    %jit3A_2311 = arith.constant 0.000000e+00 : f32
    %broadcast_in_dim3A_2312 = vector.broadcast %jit3A_2311 : f32 to vector<1x128xf32>
    %select_n3A_2313 = arith.select %and3A_2310, %get3A_2302, %broadcast_in_dim3A_2312 : vector<1x128xi1>, vector<1x128xf32>
    %add3A_2314 = arith.addf %add3A_2291, %select_n3A_2313 : vector<1x128xf32>
    %get3A_2315 = arith.constant 0 : index
    %get3A_2316 = arith.constant 100 : index
    %get3A_2317 = arith.constant 0 : index
    %get3A_2318 = memref.load %arg1[%get3A_2315, %get3A_2316, %get3A_2317] : memref<1x128x1xi32, #tpu.memory_space<smem>>
    %shift_right_arithmetic3A_2319 = arith.constant 7 : i32
    %shift_right_arithmetic3A_2320 = arith.shrsi %get3A_2318, %shift_right_arithmetic3A_2319 : i32
    %mul3A_2321 = arith.constant 128 : i32
    %mul3A_2322 = arith.muli %shift_right_arithmetic3A_2320, %mul3A_2321 : i32
    %get3A_2323 = arith.constant 100 : index
    %get3A_2324 = arith.index_cast %mul3A_2322 : i32 to index
    %get3A_2325 = vector.load %arg3[%get3A_2323, %get3A_2324] : memref<128x16384xf32, #tpu.memory_space<vmem>>, vector<1x128xf32>
    %and3A_2326 = arith.constant 127 : i32
    %and3A_2327 = arith.andi %get3A_2318, %and3A_2326 : i32
    %eq3A_2328 = vector.broadcast %and3A_2327 : i32 to vector<1x128xi32>
    %eq3A_2329 = arith.cmpi eq, %iota3A, %eq3A_2328 : vector<1x128xi32>
    %ne3A_2330 = arith.constant 0 : i32
    %ne3A_2331 = arith.cmpi ne, %get3A_2318, %ne3A_2330 : i32
    %and3A_2332 = vector.broadcast %ne3A_2331 : i1 to vector<1x128xi1>
    %and3A_2333 = arith.andi %eq3A_2329, %and3A_2332 : vector<1x128xi1>
    %jit3A_2334 = arith.constant 0.000000e+00 : f32
    %broadcast_in_dim3A_2335 = vector.broadcast %jit3A_2334 : f32 to vector<1x128xf32>
    %select_n3A_2336 = arith.select %and3A_2333, %get3A_2325, %broadcast_in_dim3A_2335 : vector<1x128xi1>, vector<1x128xf32>
    %add3A_2337 = arith.addf %add3A_2314, %select_n3A_2336 : vector<1x128xf32>
    %get3A_2338 = arith.constant 0 : index
    %get3A_2339 = arith.constant 101 : index
    %get3A_2340 = arith.constant 0 : index
    %get3A_2341 = memref.load %arg1[%get3A_2338, %get3A_2339, %get3A_2340] : memref<1x128x1xi32, #tpu.memory_space<smem>>
    %shift_right_arithmetic3A_2342 = arith.constant 7 : i32
    %shift_right_arithmetic3A_2343 = arith.shrsi %get3A_2341, %shift_right_arithmetic3A_2342 : i32
    %mul3A_2344 = arith.constant 128 : i32
    %mul3A_2345 = arith.muli %shift_right_arithmetic3A_2343, %mul3A_2344 : i32
    %get3A_2346 = arith.constant 101 : index
    %get3A_2347 = arith.index_cast %mul3A_2345 : i32 to index
    %get3A_2348 = vector.load %arg3[%get3A_2346, %get3A_2347] : memref<128x16384xf32, #tpu.memory_space<vmem>>, vector<1x128xf32>
    %and3A_2349 = arith.constant 127 : i32
    %and3A_2350 = arith.andi %get3A_2341, %and3A_2349 : i32
    %eq3A_2351 = vector.broadcast %and3A_2350 : i32 to vector<1x128xi32>
    %eq3A_2352 = arith.cmpi eq, %iota3A, %eq3A_2351 : vector<1x128xi32>
    %ne3A_2353 = arith.constant 0 : i32
    %ne3A_2354 = arith.cmpi ne, %get3A_2341, %ne3A_2353 : i32
    %and3A_2355 = vector.broadcast %ne3A_2354 : i1 to vector<1x128xi1>
    %and3A_2356 = arith.andi %eq3A_2352, %and3A_2355 : vector<1x128xi1>
    %jit3A_2357 = arith.constant 0.000000e+00 : f32
    %broadcast_in_dim3A_2358 = vector.broadcast %jit3A_2357 : f32 to vector<1x128xf32>
    %select_n3A_2359 = arith.select %and3A_2356, %get3A_2348, %broadcast_in_dim3A_2358 : vector<1x128xi1>, vector<1x128xf32>
    %add3A_2360 = arith.addf %add3A_2337, %select_n3A_2359 : vector<1x128xf32>
    %get3A_2361 = arith.constant 0 : index
    %get3A_2362 = arith.constant 102 : index
    %get3A_2363 = arith.constant 0 : index
    %get3A_2364 = memref.load %arg1[%get3A_2361, %get3A_2362, %get3A_2363] : memref<1x128x1xi32, #tpu.memory_space<smem>>
    %shift_right_arithmetic3A_2365 = arith.constant 7 : i32
    %shift_right_arithmetic3A_2366 = arith.shrsi %get3A_2364, %shift_right_arithmetic3A_2365 : i32
    %mul3A_2367 = arith.constant 128 : i32
    %mul3A_2368 = arith.muli %shift_right_arithmetic3A_2366, %mul3A_2367 : i32
    %get3A_2369 = arith.constant 102 : index
    %get3A_2370 = arith.index_cast %mul3A_2368 : i32 to index
    %get3A_2371 = vector.load %arg3[%get3A_2369, %get3A_2370] : memref<128x16384xf32, #tpu.memory_space<vmem>>, vector<1x128xf32>
    %and3A_2372 = arith.constant 127 : i32
    %and3A_2373 = arith.andi %get3A_2364, %and3A_2372 : i32
    %eq3A_2374 = vector.broadcast %and3A_2373 : i32 to vector<1x128xi32>
    %eq3A_2375 = arith.cmpi eq, %iota3A, %eq3A_2374 : vector<1x128xi32>
    %ne3A_2376 = arith.constant 0 : i32
    %ne3A_2377 = arith.cmpi ne, %get3A_2364, %ne3A_2376 : i32
    %and3A_2378 = vector.broadcast %ne3A_2377 : i1 to vector<1x128xi1>
    %and3A_2379 = arith.andi %eq3A_2375, %and3A_2378 : vector<1x128xi1>
    %jit3A_2380 = arith.constant 0.000000e+00 : f32
    %broadcast_in_dim3A_2381 = vector.broadcast %jit3A_2380 : f32 to vector<1x128xf32>
    %select_n3A_2382 = arith.select %and3A_2379, %get3A_2371, %broadcast_in_dim3A_2381 : vector<1x128xi1>, vector<1x128xf32>
    %add3A_2383 = arith.addf %add3A_2360, %select_n3A_2382 : vector<1x128xf32>
    %get3A_2384 = arith.constant 0 : index
    %get3A_2385 = arith.constant 103 : index
    %get3A_2386 = arith.constant 0 : index
    %get3A_2387 = memref.load %arg1[%get3A_2384, %get3A_2385, %get3A_2386] : memref<1x128x1xi32, #tpu.memory_space<smem>>
    %shift_right_arithmetic3A_2388 = arith.constant 7 : i32
    %shift_right_arithmetic3A_2389 = arith.shrsi %get3A_2387, %shift_right_arithmetic3A_2388 : i32
    %mul3A_2390 = arith.constant 128 : i32
    %mul3A_2391 = arith.muli %shift_right_arithmetic3A_2389, %mul3A_2390 : i32
    %get3A_2392 = arith.constant 103 : index
    %get3A_2393 = arith.index_cast %mul3A_2391 : i32 to index
    %get3A_2394 = vector.load %arg3[%get3A_2392, %get3A_2393] : memref<128x16384xf32, #tpu.memory_space<vmem>>, vector<1x128xf32>
    %and3A_2395 = arith.constant 127 : i32
    %and3A_2396 = arith.andi %get3A_2387, %and3A_2395 : i32
    %eq3A_2397 = vector.broadcast %and3A_2396 : i32 to vector<1x128xi32>
    %eq3A_2398 = arith.cmpi eq, %iota3A, %eq3A_2397 : vector<1x128xi32>
    %ne3A_2399 = arith.constant 0 : i32
    %ne3A_2400 = arith.cmpi ne, %get3A_2387, %ne3A_2399 : i32
    %and3A_2401 = vector.broadcast %ne3A_2400 : i1 to vector<1x128xi1>
    %and3A_2402 = arith.andi %eq3A_2398, %and3A_2401 : vector<1x128xi1>
    %jit3A_2403 = arith.constant 0.000000e+00 : f32
    %broadcast_in_dim3A_2404 = vector.broadcast %jit3A_2403 : f32 to vector<1x128xf32>
    %select_n3A_2405 = arith.select %and3A_2402, %get3A_2394, %broadcast_in_dim3A_2404 : vector<1x128xi1>, vector<1x128xf32>
    %add3A_2406 = arith.addf %add3A_2383, %select_n3A_2405 : vector<1x128xf32>
    %get3A_2407 = arith.constant 0 : index
    %get3A_2408 = arith.constant 104 : index
    %get3A_2409 = arith.constant 0 : index
    %get3A_2410 = memref.load %arg1[%get3A_2407, %get3A_2408, %get3A_2409] : memref<1x128x1xi32, #tpu.memory_space<smem>>
    %shift_right_arithmetic3A_2411 = arith.constant 7 : i32
    %shift_right_arithmetic3A_2412 = arith.shrsi %get3A_2410, %shift_right_arithmetic3A_2411 : i32
    %mul3A_2413 = arith.constant 128 : i32
    %mul3A_2414 = arith.muli %shift_right_arithmetic3A_2412, %mul3A_2413 : i32
    %get3A_2415 = arith.constant 104 : index
    %get3A_2416 = arith.index_cast %mul3A_2414 : i32 to index
    %get3A_2417 = vector.load %arg3[%get3A_2415, %get3A_2416] : memref<128x16384xf32, #tpu.memory_space<vmem>>, vector<1x128xf32>
    %and3A_2418 = arith.constant 127 : i32
    %and3A_2419 = arith.andi %get3A_2410, %and3A_2418 : i32
    %eq3A_2420 = vector.broadcast %and3A_2419 : i32 to vector<1x128xi32>
    %eq3A_2421 = arith.cmpi eq, %iota3A, %eq3A_2420 : vector<1x128xi32>
    %ne3A_2422 = arith.constant 0 : i32
    %ne3A_2423 = arith.cmpi ne, %get3A_2410, %ne3A_2422 : i32
    %and3A_2424 = vector.broadcast %ne3A_2423 : i1 to vector<1x128xi1>
    %and3A_2425 = arith.andi %eq3A_2421, %and3A_2424 : vector<1x128xi1>
    %jit3A_2426 = arith.constant 0.000000e+00 : f32
    %broadcast_in_dim3A_2427 = vector.broadcast %jit3A_2426 : f32 to vector<1x128xf32>
    %select_n3A_2428 = arith.select %and3A_2425, %get3A_2417, %broadcast_in_dim3A_2427 : vector<1x128xi1>, vector<1x128xf32>
    %add3A_2429 = arith.addf %add3A_2406, %select_n3A_2428 : vector<1x128xf32>
    %get3A_2430 = arith.constant 0 : index
    %get3A_2431 = arith.constant 105 : index
    %get3A_2432 = arith.constant 0 : index
    %get3A_2433 = memref.load %arg1[%get3A_2430, %get3A_2431, %get3A_2432] : memref<1x128x1xi32, #tpu.memory_space<smem>>
    %shift_right_arithmetic3A_2434 = arith.constant 7 : i32
    %shift_right_arithmetic3A_2435 = arith.shrsi %get3A_2433, %shift_right_arithmetic3A_2434 : i32
    %mul3A_2436 = arith.constant 128 : i32
    %mul3A_2437 = arith.muli %shift_right_arithmetic3A_2435, %mul3A_2436 : i32
    %get3A_2438 = arith.constant 105 : index
    %get3A_2439 = arith.index_cast %mul3A_2437 : i32 to index
    %get3A_2440 = vector.load %arg3[%get3A_2438, %get3A_2439] : memref<128x16384xf32, #tpu.memory_space<vmem>>, vector<1x128xf32>
    %and3A_2441 = arith.constant 127 : i32
    %and3A_2442 = arith.andi %get3A_2433, %and3A_2441 : i32
    %eq3A_2443 = vector.broadcast %and3A_2442 : i32 to vector<1x128xi32>
    %eq3A_2444 = arith.cmpi eq, %iota3A, %eq3A_2443 : vector<1x128xi32>
    %ne3A_2445 = arith.constant 0 : i32
    %ne3A_2446 = arith.cmpi ne, %get3A_2433, %ne3A_2445 : i32
    %and3A_2447 = vector.broadcast %ne3A_2446 : i1 to vector<1x128xi1>
    %and3A_2448 = arith.andi %eq3A_2444, %and3A_2447 : vector<1x128xi1>
    %jit3A_2449 = arith.constant 0.000000e+00 : f32
    %broadcast_in_dim3A_2450 = vector.broadcast %jit3A_2449 : f32 to vector<1x128xf32>
    %select_n3A_2451 = arith.select %and3A_2448, %get3A_2440, %broadcast_in_dim3A_2450 : vector<1x128xi1>, vector<1x128xf32>
    %add3A_2452 = arith.addf %add3A_2429, %select_n3A_2451 : vector<1x128xf32>
    %get3A_2453 = arith.constant 0 : index
    %get3A_2454 = arith.constant 106 : index
    %get3A_2455 = arith.constant 0 : index
    %get3A_2456 = memref.load %arg1[%get3A_2453, %get3A_2454, %get3A_2455] : memref<1x128x1xi32, #tpu.memory_space<smem>>
    %shift_right_arithmetic3A_2457 = arith.constant 7 : i32
    %shift_right_arithmetic3A_2458 = arith.shrsi %get3A_2456, %shift_right_arithmetic3A_2457 : i32
    %mul3A_2459 = arith.constant 128 : i32
    %mul3A_2460 = arith.muli %shift_right_arithmetic3A_2458, %mul3A_2459 : i32
    %get3A_2461 = arith.constant 106 : index
    %get3A_2462 = arith.index_cast %mul3A_2460 : i32 to index
    %get3A_2463 = vector.load %arg3[%get3A_2461, %get3A_2462] : memref<128x16384xf32, #tpu.memory_space<vmem>>, vector<1x128xf32>
    %and3A_2464 = arith.constant 127 : i32
    %and3A_2465 = arith.andi %get3A_2456, %and3A_2464 : i32
    %eq3A_2466 = vector.broadcast %and3A_2465 : i32 to vector<1x128xi32>
    %eq3A_2467 = arith.cmpi eq, %iota3A, %eq3A_2466 : vector<1x128xi32>
    %ne3A_2468 = arith.constant 0 : i32
    %ne3A_2469 = arith.cmpi ne, %get3A_2456, %ne3A_2468 : i32
    %and3A_2470 = vector.broadcast %ne3A_2469 : i1 to vector<1x128xi1>
    %and3A_2471 = arith.andi %eq3A_2467, %and3A_2470 : vector<1x128xi1>
    %jit3A_2472 = arith.constant 0.000000e+00 : f32
    %broadcast_in_dim3A_2473 = vector.broadcast %jit3A_2472 : f32 to vector<1x128xf32>
    %select_n3A_2474 = arith.select %and3A_2471, %get3A_2463, %broadcast_in_dim3A_2473 : vector<1x128xi1>, vector<1x128xf32>
    %add3A_2475 = arith.addf %add3A_2452, %select_n3A_2474 : vector<1x128xf32>
    %get3A_2476 = arith.constant 0 : index
    %get3A_2477 = arith.constant 107 : index
    %get3A_2478 = arith.constant 0 : index
    %get3A_2479 = memref.load %arg1[%get3A_2476, %get3A_2477, %get3A_2478] : memref<1x128x1xi32, #tpu.memory_space<smem>>
    %shift_right_arithmetic3A_2480 = arith.constant 7 : i32
    %shift_right_arithmetic3A_2481 = arith.shrsi %get3A_2479, %shift_right_arithmetic3A_2480 : i32
    %mul3A_2482 = arith.constant 128 : i32
    %mul3A_2483 = arith.muli %shift_right_arithmetic3A_2481, %mul3A_2482 : i32
    %get3A_2484 = arith.constant 107 : index
    %get3A_2485 = arith.index_cast %mul3A_2483 : i32 to index
    %get3A_2486 = vector.load %arg3[%get3A_2484, %get3A_2485] : memref<128x16384xf32, #tpu.memory_space<vmem>>, vector<1x128xf32>
    %and3A_2487 = arith.constant 127 : i32
    %and3A_2488 = arith.andi %get3A_2479, %and3A_2487 : i32
    %eq3A_2489 = vector.broadcast %and3A_2488 : i32 to vector<1x128xi32>
    %eq3A_2490 = arith.cmpi eq, %iota3A, %eq3A_2489 : vector<1x128xi32>
    %ne3A_2491 = arith.constant 0 : i32
    %ne3A_2492 = arith.cmpi ne, %get3A_2479, %ne3A_2491 : i32
    %and3A_2493 = vector.broadcast %ne3A_2492 : i1 to vector<1x128xi1>
    %and3A_2494 = arith.andi %eq3A_2490, %and3A_2493 : vector<1x128xi1>
    %jit3A_2495 = arith.constant 0.000000e+00 : f32
    %broadcast_in_dim3A_2496 = vector.broadcast %jit3A_2495 : f32 to vector<1x128xf32>
    %select_n3A_2497 = arith.select %and3A_2494, %get3A_2486, %broadcast_in_dim3A_2496 : vector<1x128xi1>, vector<1x128xf32>
    %add3A_2498 = arith.addf %add3A_2475, %select_n3A_2497 : vector<1x128xf32>
    %get3A_2499 = arith.constant 0 : index
    %get3A_2500 = arith.constant 108 : index
    %get3A_2501 = arith.constant 0 : index
    %get3A_2502 = memref.load %arg1[%get3A_2499, %get3A_2500, %get3A_2501] : memref<1x128x1xi32, #tpu.memory_space<smem>>
    %shift_right_arithmetic3A_2503 = arith.constant 7 : i32
    %shift_right_arithmetic3A_2504 = arith.shrsi %get3A_2502, %shift_right_arithmetic3A_2503 : i32
    %mul3A_2505 = arith.constant 128 : i32
    %mul3A_2506 = arith.muli %shift_right_arithmetic3A_2504, %mul3A_2505 : i32
    %get3A_2507 = arith.constant 108 : index
    %get3A_2508 = arith.index_cast %mul3A_2506 : i32 to index
    %get3A_2509 = vector.load %arg3[%get3A_2507, %get3A_2508] : memref<128x16384xf32, #tpu.memory_space<vmem>>, vector<1x128xf32>
    %and3A_2510 = arith.constant 127 : i32
    %and3A_2511 = arith.andi %get3A_2502, %and3A_2510 : i32
    %eq3A_2512 = vector.broadcast %and3A_2511 : i32 to vector<1x128xi32>
    %eq3A_2513 = arith.cmpi eq, %iota3A, %eq3A_2512 : vector<1x128xi32>
    %ne3A_2514 = arith.constant 0 : i32
    %ne3A_2515 = arith.cmpi ne, %get3A_2502, %ne3A_2514 : i32
    %and3A_2516 = vector.broadcast %ne3A_2515 : i1 to vector<1x128xi1>
    %and3A_2517 = arith.andi %eq3A_2513, %and3A_2516 : vector<1x128xi1>
    %jit3A_2518 = arith.constant 0.000000e+00 : f32
    %broadcast_in_dim3A_2519 = vector.broadcast %jit3A_2518 : f32 to vector<1x128xf32>
    %select_n3A_2520 = arith.select %and3A_2517, %get3A_2509, %broadcast_in_dim3A_2519 : vector<1x128xi1>, vector<1x128xf32>
    %add3A_2521 = arith.addf %add3A_2498, %select_n3A_2520 : vector<1x128xf32>
    %get3A_2522 = arith.constant 0 : index
    %get3A_2523 = arith.constant 109 : index
    %get3A_2524 = arith.constant 0 : index
    %get3A_2525 = memref.load %arg1[%get3A_2522, %get3A_2523, %get3A_2524] : memref<1x128x1xi32, #tpu.memory_space<smem>>
    %shift_right_arithmetic3A_2526 = arith.constant 7 : i32
    %shift_right_arithmetic3A_2527 = arith.shrsi %get3A_2525, %shift_right_arithmetic3A_2526 : i32
    %mul3A_2528 = arith.constant 128 : i32
    %mul3A_2529 = arith.muli %shift_right_arithmetic3A_2527, %mul3A_2528 : i32
    %get3A_2530 = arith.constant 109 : index
    %get3A_2531 = arith.index_cast %mul3A_2529 : i32 to index
    %get3A_2532 = vector.load %arg3[%get3A_2530, %get3A_2531] : memref<128x16384xf32, #tpu.memory_space<vmem>>, vector<1x128xf32>
    %and3A_2533 = arith.constant 127 : i32
    %and3A_2534 = arith.andi %get3A_2525, %and3A_2533 : i32
    %eq3A_2535 = vector.broadcast %and3A_2534 : i32 to vector<1x128xi32>
    %eq3A_2536 = arith.cmpi eq, %iota3A, %eq3A_2535 : vector<1x128xi32>
    %ne3A_2537 = arith.constant 0 : i32
    %ne3A_2538 = arith.cmpi ne, %get3A_2525, %ne3A_2537 : i32
    %and3A_2539 = vector.broadcast %ne3A_2538 : i1 to vector<1x128xi1>
    %and3A_2540 = arith.andi %eq3A_2536, %and3A_2539 : vector<1x128xi1>
    %jit3A_2541 = arith.constant 0.000000e+00 : f32
    %broadcast_in_dim3A_2542 = vector.broadcast %jit3A_2541 : f32 to vector<1x128xf32>
    %select_n3A_2543 = arith.select %and3A_2540, %get3A_2532, %broadcast_in_dim3A_2542 : vector<1x128xi1>, vector<1x128xf32>
    %add3A_2544 = arith.addf %add3A_2521, %select_n3A_2543 : vector<1x128xf32>
    %get3A_2545 = arith.constant 0 : index
    %get3A_2546 = arith.constant 110 : index
    %get3A_2547 = arith.constant 0 : index
    %get3A_2548 = memref.load %arg1[%get3A_2545, %get3A_2546, %get3A_2547] : memref<1x128x1xi32, #tpu.memory_space<smem>>
    %shift_right_arithmetic3A_2549 = arith.constant 7 : i32
    %shift_right_arithmetic3A_2550 = arith.shrsi %get3A_2548, %shift_right_arithmetic3A_2549 : i32
    %mul3A_2551 = arith.constant 128 : i32
    %mul3A_2552 = arith.muli %shift_right_arithmetic3A_2550, %mul3A_2551 : i32
    %get3A_2553 = arith.constant 110 : index
    %get3A_2554 = arith.index_cast %mul3A_2552 : i32 to index
    %get3A_2555 = vector.load %arg3[%get3A_2553, %get3A_2554] : memref<128x16384xf32, #tpu.memory_space<vmem>>, vector<1x128xf32>
    %and3A_2556 = arith.constant 127 : i32
    %and3A_2557 = arith.andi %get3A_2548, %and3A_2556 : i32
    %eq3A_2558 = vector.broadcast %and3A_2557 : i32 to vector<1x128xi32>
    %eq3A_2559 = arith.cmpi eq, %iota3A, %eq3A_2558 : vector<1x128xi32>
    %ne3A_2560 = arith.constant 0 : i32
    %ne3A_2561 = arith.cmpi ne, %get3A_2548, %ne3A_2560 : i32
    %and3A_2562 = vector.broadcast %ne3A_2561 : i1 to vector<1x128xi1>
    %and3A_2563 = arith.andi %eq3A_2559, %and3A_2562 : vector<1x128xi1>
    %jit3A_2564 = arith.constant 0.000000e+00 : f32
    %broadcast_in_dim3A_2565 = vector.broadcast %jit3A_2564 : f32 to vector<1x128xf32>
    %select_n3A_2566 = arith.select %and3A_2563, %get3A_2555, %broadcast_in_dim3A_2565 : vector<1x128xi1>, vector<1x128xf32>
    %add3A_2567 = arith.addf %add3A_2544, %select_n3A_2566 : vector<1x128xf32>
    %get3A_2568 = arith.constant 0 : index
    %get3A_2569 = arith.constant 111 : index
    %get3A_2570 = arith.constant 0 : index
    %get3A_2571 = memref.load %arg1[%get3A_2568, %get3A_2569, %get3A_2570] : memref<1x128x1xi32, #tpu.memory_space<smem>>
    %shift_right_arithmetic3A_2572 = arith.constant 7 : i32
    %shift_right_arithmetic3A_2573 = arith.shrsi %get3A_2571, %shift_right_arithmetic3A_2572 : i32
    %mul3A_2574 = arith.constant 128 : i32
    %mul3A_2575 = arith.muli %shift_right_arithmetic3A_2573, %mul3A_2574 : i32
    %get3A_2576 = arith.constant 111 : index
    %get3A_2577 = arith.index_cast %mul3A_2575 : i32 to index
    %get3A_2578 = vector.load %arg3[%get3A_2576, %get3A_2577] : memref<128x16384xf32, #tpu.memory_space<vmem>>, vector<1x128xf32>
    %and3A_2579 = arith.constant 127 : i32
    %and3A_2580 = arith.andi %get3A_2571, %and3A_2579 : i32
    %eq3A_2581 = vector.broadcast %and3A_2580 : i32 to vector<1x128xi32>
    %eq3A_2582 = arith.cmpi eq, %iota3A, %eq3A_2581 : vector<1x128xi32>
    %ne3A_2583 = arith.constant 0 : i32
    %ne3A_2584 = arith.cmpi ne, %get3A_2571, %ne3A_2583 : i32
    %and3A_2585 = vector.broadcast %ne3A_2584 : i1 to vector<1x128xi1>
    %and3A_2586 = arith.andi %eq3A_2582, %and3A_2585 : vector<1x128xi1>
    %jit3A_2587 = arith.constant 0.000000e+00 : f32
    %broadcast_in_dim3A_2588 = vector.broadcast %jit3A_2587 : f32 to vector<1x128xf32>
    %select_n3A_2589 = arith.select %and3A_2586, %get3A_2578, %broadcast_in_dim3A_2588 : vector<1x128xi1>, vector<1x128xf32>
    %add3A_2590 = arith.addf %add3A_2567, %select_n3A_2589 : vector<1x128xf32>
    %get3A_2591 = arith.constant 0 : index
    %get3A_2592 = arith.constant 112 : index
    %get3A_2593 = arith.constant 0 : index
    %get3A_2594 = memref.load %arg1[%get3A_2591, %get3A_2592, %get3A_2593] : memref<1x128x1xi32, #tpu.memory_space<smem>>
    %shift_right_arithmetic3A_2595 = arith.constant 7 : i32
    %shift_right_arithmetic3A_2596 = arith.shrsi %get3A_2594, %shift_right_arithmetic3A_2595 : i32
    %mul3A_2597 = arith.constant 128 : i32
    %mul3A_2598 = arith.muli %shift_right_arithmetic3A_2596, %mul3A_2597 : i32
    %get3A_2599 = arith.constant 112 : index
    %get3A_2600 = arith.index_cast %mul3A_2598 : i32 to index
    %get3A_2601 = vector.load %arg3[%get3A_2599, %get3A_2600] : memref<128x16384xf32, #tpu.memory_space<vmem>>, vector<1x128xf32>
    %and3A_2602 = arith.constant 127 : i32
    %and3A_2603 = arith.andi %get3A_2594, %and3A_2602 : i32
    %eq3A_2604 = vector.broadcast %and3A_2603 : i32 to vector<1x128xi32>
    %eq3A_2605 = arith.cmpi eq, %iota3A, %eq3A_2604 : vector<1x128xi32>
    %ne3A_2606 = arith.constant 0 : i32
    %ne3A_2607 = arith.cmpi ne, %get3A_2594, %ne3A_2606 : i32
    %and3A_2608 = vector.broadcast %ne3A_2607 : i1 to vector<1x128xi1>
    %and3A_2609 = arith.andi %eq3A_2605, %and3A_2608 : vector<1x128xi1>
    %jit3A_2610 = arith.constant 0.000000e+00 : f32
    %broadcast_in_dim3A_2611 = vector.broadcast %jit3A_2610 : f32 to vector<1x128xf32>
    %select_n3A_2612 = arith.select %and3A_2609, %get3A_2601, %broadcast_in_dim3A_2611 : vector<1x128xi1>, vector<1x128xf32>
    %add3A_2613 = arith.addf %add3A_2590, %select_n3A_2612 : vector<1x128xf32>
    %get3A_2614 = arith.constant 0 : index
    %get3A_2615 = arith.constant 113 : index
    %get3A_2616 = arith.constant 0 : index
    %get3A_2617 = memref.load %arg1[%get3A_2614, %get3A_2615, %get3A_2616] : memref<1x128x1xi32, #tpu.memory_space<smem>>
    %shift_right_arithmetic3A_2618 = arith.constant 7 : i32
    %shift_right_arithmetic3A_2619 = arith.shrsi %get3A_2617, %shift_right_arithmetic3A_2618 : i32
    %mul3A_2620 = arith.constant 128 : i32
    %mul3A_2621 = arith.muli %shift_right_arithmetic3A_2619, %mul3A_2620 : i32
    %get3A_2622 = arith.constant 113 : index
    %get3A_2623 = arith.index_cast %mul3A_2621 : i32 to index
    %get3A_2624 = vector.load %arg3[%get3A_2622, %get3A_2623] : memref<128x16384xf32, #tpu.memory_space<vmem>>, vector<1x128xf32>
    %and3A_2625 = arith.constant 127 : i32
    %and3A_2626 = arith.andi %get3A_2617, %and3A_2625 : i32
    %eq3A_2627 = vector.broadcast %and3A_2626 : i32 to vector<1x128xi32>
    %eq3A_2628 = arith.cmpi eq, %iota3A, %eq3A_2627 : vector<1x128xi32>
    %ne3A_2629 = arith.constant 0 : i32
    %ne3A_2630 = arith.cmpi ne, %get3A_2617, %ne3A_2629 : i32
    %and3A_2631 = vector.broadcast %ne3A_2630 : i1 to vector<1x128xi1>
    %and3A_2632 = arith.andi %eq3A_2628, %and3A_2631 : vector<1x128xi1>
    %jit3A_2633 = arith.constant 0.000000e+00 : f32
    %broadcast_in_dim3A_2634 = vector.broadcast %jit3A_2633 : f32 to vector<1x128xf32>
    %select_n3A_2635 = arith.select %and3A_2632, %get3A_2624, %broadcast_in_dim3A_2634 : vector<1x128xi1>, vector<1x128xf32>
    %add3A_2636 = arith.addf %add3A_2613, %select_n3A_2635 : vector<1x128xf32>
    %get3A_2637 = arith.constant 0 : index
    %get3A_2638 = arith.constant 114 : index
    %get3A_2639 = arith.constant 0 : index
    %get3A_2640 = memref.load %arg1[%get3A_2637, %get3A_2638, %get3A_2639] : memref<1x128x1xi32, #tpu.memory_space<smem>>
    %shift_right_arithmetic3A_2641 = arith.constant 7 : i32
    %shift_right_arithmetic3A_2642 = arith.shrsi %get3A_2640, %shift_right_arithmetic3A_2641 : i32
    %mul3A_2643 = arith.constant 128 : i32
    %mul3A_2644 = arith.muli %shift_right_arithmetic3A_2642, %mul3A_2643 : i32
    %get3A_2645 = arith.constant 114 : index
    %get3A_2646 = arith.index_cast %mul3A_2644 : i32 to index
    %get3A_2647 = vector.load %arg3[%get3A_2645, %get3A_2646] : memref<128x16384xf32, #tpu.memory_space<vmem>>, vector<1x128xf32>
    %and3A_2648 = arith.constant 127 : i32
    %and3A_2649 = arith.andi %get3A_2640, %and3A_2648 : i32
    %eq3A_2650 = vector.broadcast %and3A_2649 : i32 to vector<1x128xi32>
    %eq3A_2651 = arith.cmpi eq, %iota3A, %eq3A_2650 : vector<1x128xi32>
    %ne3A_2652 = arith.constant 0 : i32
    %ne3A_2653 = arith.cmpi ne, %get3A_2640, %ne3A_2652 : i32
    %and3A_2654 = vector.broadcast %ne3A_2653 : i1 to vector<1x128xi1>
    %and3A_2655 = arith.andi %eq3A_2651, %and3A_2654 : vector<1x128xi1>
    %jit3A_2656 = arith.constant 0.000000e+00 : f32
    %broadcast_in_dim3A_2657 = vector.broadcast %jit3A_2656 : f32 to vector<1x128xf32>
    %select_n3A_2658 = arith.select %and3A_2655, %get3A_2647, %broadcast_in_dim3A_2657 : vector<1x128xi1>, vector<1x128xf32>
    %add3A_2659 = arith.addf %add3A_2636, %select_n3A_2658 : vector<1x128xf32>
    %get3A_2660 = arith.constant 0 : index
    %get3A_2661 = arith.constant 115 : index
    %get3A_2662 = arith.constant 0 : index
    %get3A_2663 = memref.load %arg1[%get3A_2660, %get3A_2661, %get3A_2662] : memref<1x128x1xi32, #tpu.memory_space<smem>>
    %shift_right_arithmetic3A_2664 = arith.constant 7 : i32
    %shift_right_arithmetic3A_2665 = arith.shrsi %get3A_2663, %shift_right_arithmetic3A_2664 : i32
    %mul3A_2666 = arith.constant 128 : i32
    %mul3A_2667 = arith.muli %shift_right_arithmetic3A_2665, %mul3A_2666 : i32
    %get3A_2668 = arith.constant 115 : index
    %get3A_2669 = arith.index_cast %mul3A_2667 : i32 to index
    %get3A_2670 = vector.load %arg3[%get3A_2668, %get3A_2669] : memref<128x16384xf32, #tpu.memory_space<vmem>>, vector<1x128xf32>
    %and3A_2671 = arith.constant 127 : i32
    %and3A_2672 = arith.andi %get3A_2663, %and3A_2671 : i32
    %eq3A_2673 = vector.broadcast %and3A_2672 : i32 to vector<1x128xi32>
    %eq3A_2674 = arith.cmpi eq, %iota3A, %eq3A_2673 : vector<1x128xi32>
    %ne3A_2675 = arith.constant 0 : i32
    %ne3A_2676 = arith.cmpi ne, %get3A_2663, %ne3A_2675 : i32
    %and3A_2677 = vector.broadcast %ne3A_2676 : i1 to vector<1x128xi1>
    %and3A_2678 = arith.andi %eq3A_2674, %and3A_2677 : vector<1x128xi1>
    %jit3A_2679 = arith.constant 0.000000e+00 : f32
    %broadcast_in_dim3A_2680 = vector.broadcast %jit3A_2679 : f32 to vector<1x128xf32>
    %select_n3A_2681 = arith.select %and3A_2678, %get3A_2670, %broadcast_in_dim3A_2680 : vector<1x128xi1>, vector<1x128xf32>
    %add3A_2682 = arith.addf %add3A_2659, %select_n3A_2681 : vector<1x128xf32>
    %get3A_2683 = arith.constant 0 : index
    %get3A_2684 = arith.constant 116 : index
    %get3A_2685 = arith.constant 0 : index
    %get3A_2686 = memref.load %arg1[%get3A_2683, %get3A_2684, %get3A_2685] : memref<1x128x1xi32, #tpu.memory_space<smem>>
    %shift_right_arithmetic3A_2687 = arith.constant 7 : i32
    %shift_right_arithmetic3A_2688 = arith.shrsi %get3A_2686, %shift_right_arithmetic3A_2687 : i32
    %mul3A_2689 = arith.constant 128 : i32
    %mul3A_2690 = arith.muli %shift_right_arithmetic3A_2688, %mul3A_2689 : i32
    %get3A_2691 = arith.constant 116 : index
    %get3A_2692 = arith.index_cast %mul3A_2690 : i32 to index
    %get3A_2693 = vector.load %arg3[%get3A_2691, %get3A_2692] : memref<128x16384xf32, #tpu.memory_space<vmem>>, vector<1x128xf32>
    %and3A_2694 = arith.constant 127 : i32
    %and3A_2695 = arith.andi %get3A_2686, %and3A_2694 : i32
    %eq3A_2696 = vector.broadcast %and3A_2695 : i32 to vector<1x128xi32>
    %eq3A_2697 = arith.cmpi eq, %iota3A, %eq3A_2696 : vector<1x128xi32>
    %ne3A_2698 = arith.constant 0 : i32
    %ne3A_2699 = arith.cmpi ne, %get3A_2686, %ne3A_2698 : i32
    %and3A_2700 = vector.broadcast %ne3A_2699 : i1 to vector<1x128xi1>
    %and3A_2701 = arith.andi %eq3A_2697, %and3A_2700 : vector<1x128xi1>
    %jit3A_2702 = arith.constant 0.000000e+00 : f32
    %broadcast_in_dim3A_2703 = vector.broadcast %jit3A_2702 : f32 to vector<1x128xf32>
    %select_n3A_2704 = arith.select %and3A_2701, %get3A_2693, %broadcast_in_dim3A_2703 : vector<1x128xi1>, vector<1x128xf32>
    %add3A_2705 = arith.addf %add3A_2682, %select_n3A_2704 : vector<1x128xf32>
    %get3A_2706 = arith.constant 0 : index
    %get3A_2707 = arith.constant 117 : index
    %get3A_2708 = arith.constant 0 : index
    %get3A_2709 = memref.load %arg1[%get3A_2706, %get3A_2707, %get3A_2708] : memref<1x128x1xi32, #tpu.memory_space<smem>>
    %shift_right_arithmetic3A_2710 = arith.constant 7 : i32
    %shift_right_arithmetic3A_2711 = arith.shrsi %get3A_2709, %shift_right_arithmetic3A_2710 : i32
    %mul3A_2712 = arith.constant 128 : i32
    %mul3A_2713 = arith.muli %shift_right_arithmetic3A_2711, %mul3A_2712 : i32
    %get3A_2714 = arith.constant 117 : index
    %get3A_2715 = arith.index_cast %mul3A_2713 : i32 to index
    %get3A_2716 = vector.load %arg3[%get3A_2714, %get3A_2715] : memref<128x16384xf32, #tpu.memory_space<vmem>>, vector<1x128xf32>
    %and3A_2717 = arith.constant 127 : i32
    %and3A_2718 = arith.andi %get3A_2709, %and3A_2717 : i32
    %eq3A_2719 = vector.broadcast %and3A_2718 : i32 to vector<1x128xi32>
    %eq3A_2720 = arith.cmpi eq, %iota3A, %eq3A_2719 : vector<1x128xi32>
    %ne3A_2721 = arith.constant 0 : i32
    %ne3A_2722 = arith.cmpi ne, %get3A_2709, %ne3A_2721 : i32
    %and3A_2723 = vector.broadcast %ne3A_2722 : i1 to vector<1x128xi1>
    %and3A_2724 = arith.andi %eq3A_2720, %and3A_2723 : vector<1x128xi1>
    %jit3A_2725 = arith.constant 0.000000e+00 : f32
    %broadcast_in_dim3A_2726 = vector.broadcast %jit3A_2725 : f32 to vector<1x128xf32>
    %select_n3A_2727 = arith.select %and3A_2724, %get3A_2716, %broadcast_in_dim3A_2726 : vector<1x128xi1>, vector<1x128xf32>
    %add3A_2728 = arith.addf %add3A_2705, %select_n3A_2727 : vector<1x128xf32>
    %get3A_2729 = arith.constant 0 : index
    %get3A_2730 = arith.constant 118 : index
    %get3A_2731 = arith.constant 0 : index
    %get3A_2732 = memref.load %arg1[%get3A_2729, %get3A_2730, %get3A_2731] : memref<1x128x1xi32, #tpu.memory_space<smem>>
    %shift_right_arithmetic3A_2733 = arith.constant 7 : i32
    %shift_right_arithmetic3A_2734 = arith.shrsi %get3A_2732, %shift_right_arithmetic3A_2733 : i32
    %mul3A_2735 = arith.constant 128 : i32
    %mul3A_2736 = arith.muli %shift_right_arithmetic3A_2734, %mul3A_2735 : i32
    %get3A_2737 = arith.constant 118 : index
    %get3A_2738 = arith.index_cast %mul3A_2736 : i32 to index
    %get3A_2739 = vector.load %arg3[%get3A_2737, %get3A_2738] : memref<128x16384xf32, #tpu.memory_space<vmem>>, vector<1x128xf32>
    %and3A_2740 = arith.constant 127 : i32
    %and3A_2741 = arith.andi %get3A_2732, %and3A_2740 : i32
    %eq3A_2742 = vector.broadcast %and3A_2741 : i32 to vector<1x128xi32>
    %eq3A_2743 = arith.cmpi eq, %iota3A, %eq3A_2742 : vector<1x128xi32>
    %ne3A_2744 = arith.constant 0 : i32
    %ne3A_2745 = arith.cmpi ne, %get3A_2732, %ne3A_2744 : i32
    %and3A_2746 = vector.broadcast %ne3A_2745 : i1 to vector<1x128xi1>
    %and3A_2747 = arith.andi %eq3A_2743, %and3A_2746 : vector<1x128xi1>
    %jit3A_2748 = arith.constant 0.000000e+00 : f32
    %broadcast_in_dim3A_2749 = vector.broadcast %jit3A_2748 : f32 to vector<1x128xf32>
    %select_n3A_2750 = arith.select %and3A_2747, %get3A_2739, %broadcast_in_dim3A_2749 : vector<1x128xi1>, vector<1x128xf32>
    %add3A_2751 = arith.addf %add3A_2728, %select_n3A_2750 : vector<1x128xf32>
    %get3A_2752 = arith.constant 0 : index
    %get3A_2753 = arith.constant 119 : index
    %get3A_2754 = arith.constant 0 : index
    %get3A_2755 = memref.load %arg1[%get3A_2752, %get3A_2753, %get3A_2754] : memref<1x128x1xi32, #tpu.memory_space<smem>>
    %shift_right_arithmetic3A_2756 = arith.constant 7 : i32
    %shift_right_arithmetic3A_2757 = arith.shrsi %get3A_2755, %shift_right_arithmetic3A_2756 : i32
    %mul3A_2758 = arith.constant 128 : i32
    %mul3A_2759 = arith.muli %shift_right_arithmetic3A_2757, %mul3A_2758 : i32
    %get3A_2760 = arith.constant 119 : index
    %get3A_2761 = arith.index_cast %mul3A_2759 : i32 to index
    %get3A_2762 = vector.load %arg3[%get3A_2760, %get3A_2761] : memref<128x16384xf32, #tpu.memory_space<vmem>>, vector<1x128xf32>
    %and3A_2763 = arith.constant 127 : i32
    %and3A_2764 = arith.andi %get3A_2755, %and3A_2763 : i32
    %eq3A_2765 = vector.broadcast %and3A_2764 : i32 to vector<1x128xi32>
    %eq3A_2766 = arith.cmpi eq, %iota3A, %eq3A_2765 : vector<1x128xi32>
    %ne3A_2767 = arith.constant 0 : i32
    %ne3A_2768 = arith.cmpi ne, %get3A_2755, %ne3A_2767 : i32
    %and3A_2769 = vector.broadcast %ne3A_2768 : i1 to vector<1x128xi1>
    %and3A_2770 = arith.andi %eq3A_2766, %and3A_2769 : vector<1x128xi1>
    %jit3A_2771 = arith.constant 0.000000e+00 : f32
    %broadcast_in_dim3A_2772 = vector.broadcast %jit3A_2771 : f32 to vector<1x128xf32>
    %select_n3A_2773 = arith.select %and3A_2770, %get3A_2762, %broadcast_in_dim3A_2772 : vector<1x128xi1>, vector<1x128xf32>
    %add3A_2774 = arith.addf %add3A_2751, %select_n3A_2773 : vector<1x128xf32>
    %get3A_2775 = arith.constant 0 : index
    %get3A_2776 = arith.constant 120 : index
    %get3A_2777 = arith.constant 0 : index
    %get3A_2778 = memref.load %arg1[%get3A_2775, %get3A_2776, %get3A_2777] : memref<1x128x1xi32, #tpu.memory_space<smem>>
    %shift_right_arithmetic3A_2779 = arith.constant 7 : i32
    %shift_right_arithmetic3A_2780 = arith.shrsi %get3A_2778, %shift_right_arithmetic3A_2779 : i32
    %mul3A_2781 = arith.constant 128 : i32
    %mul3A_2782 = arith.muli %shift_right_arithmetic3A_2780, %mul3A_2781 : i32
    %get3A_2783 = arith.constant 120 : index
    %get3A_2784 = arith.index_cast %mul3A_2782 : i32 to index
    %get3A_2785 = vector.load %arg3[%get3A_2783, %get3A_2784] : memref<128x16384xf32, #tpu.memory_space<vmem>>, vector<1x128xf32>
    %and3A_2786 = arith.constant 127 : i32
    %and3A_2787 = arith.andi %get3A_2778, %and3A_2786 : i32
    %eq3A_2788 = vector.broadcast %and3A_2787 : i32 to vector<1x128xi32>
    %eq3A_2789 = arith.cmpi eq, %iota3A, %eq3A_2788 : vector<1x128xi32>
    %ne3A_2790 = arith.constant 0 : i32
    %ne3A_2791 = arith.cmpi ne, %get3A_2778, %ne3A_2790 : i32
    %and3A_2792 = vector.broadcast %ne3A_2791 : i1 to vector<1x128xi1>
    %and3A_2793 = arith.andi %eq3A_2789, %and3A_2792 : vector<1x128xi1>
    %jit3A_2794 = arith.constant 0.000000e+00 : f32
    %broadcast_in_dim3A_2795 = vector.broadcast %jit3A_2794 : f32 to vector<1x128xf32>
    %select_n3A_2796 = arith.select %and3A_2793, %get3A_2785, %broadcast_in_dim3A_2795 : vector<1x128xi1>, vector<1x128xf32>
    %add3A_2797 = arith.addf %add3A_2774, %select_n3A_2796 : vector<1x128xf32>
    %get3A_2798 = arith.constant 0 : index
    %get3A_2799 = arith.constant 121 : index
    %get3A_2800 = arith.constant 0 : index
    %get3A_2801 = memref.load %arg1[%get3A_2798, %get3A_2799, %get3A_2800] : memref<1x128x1xi32, #tpu.memory_space<smem>>
    %shift_right_arithmetic3A_2802 = arith.constant 7 : i32
    %shift_right_arithmetic3A_2803 = arith.shrsi %get3A_2801, %shift_right_arithmetic3A_2802 : i32
    %mul3A_2804 = arith.constant 128 : i32
    %mul3A_2805 = arith.muli %shift_right_arithmetic3A_2803, %mul3A_2804 : i32
    %get3A_2806 = arith.constant 121 : index
    %get3A_2807 = arith.index_cast %mul3A_2805 : i32 to index
    %get3A_2808 = vector.load %arg3[%get3A_2806, %get3A_2807] : memref<128x16384xf32, #tpu.memory_space<vmem>>, vector<1x128xf32>
    %and3A_2809 = arith.constant 127 : i32
    %and3A_2810 = arith.andi %get3A_2801, %and3A_2809 : i32
    %eq3A_2811 = vector.broadcast %and3A_2810 : i32 to vector<1x128xi32>
    %eq3A_2812 = arith.cmpi eq, %iota3A, %eq3A_2811 : vector<1x128xi32>
    %ne3A_2813 = arith.constant 0 : i32
    %ne3A_2814 = arith.cmpi ne, %get3A_2801, %ne3A_2813 : i32
    %and3A_2815 = vector.broadcast %ne3A_2814 : i1 to vector<1x128xi1>
    %and3A_2816 = arith.andi %eq3A_2812, %and3A_2815 : vector<1x128xi1>
    %jit3A_2817 = arith.constant 0.000000e+00 : f32
    %broadcast_in_dim3A_2818 = vector.broadcast %jit3A_2817 : f32 to vector<1x128xf32>
    %select_n3A_2819 = arith.select %and3A_2816, %get3A_2808, %broadcast_in_dim3A_2818 : vector<1x128xi1>, vector<1x128xf32>
    %add3A_2820 = arith.addf %add3A_2797, %select_n3A_2819 : vector<1x128xf32>
    %get3A_2821 = arith.constant 0 : index
    %get3A_2822 = arith.constant 122 : index
    %get3A_2823 = arith.constant 0 : index
    %get3A_2824 = memref.load %arg1[%get3A_2821, %get3A_2822, %get3A_2823] : memref<1x128x1xi32, #tpu.memory_space<smem>>
    %shift_right_arithmetic3A_2825 = arith.constant 7 : i32
    %shift_right_arithmetic3A_2826 = arith.shrsi %get3A_2824, %shift_right_arithmetic3A_2825 : i32
    %mul3A_2827 = arith.constant 128 : i32
    %mul3A_2828 = arith.muli %shift_right_arithmetic3A_2826, %mul3A_2827 : i32
    %get3A_2829 = arith.constant 122 : index
    %get3A_2830 = arith.index_cast %mul3A_2828 : i32 to index
    %get3A_2831 = vector.load %arg3[%get3A_2829, %get3A_2830] : memref<128x16384xf32, #tpu.memory_space<vmem>>, vector<1x128xf32>
    %and3A_2832 = arith.constant 127 : i32
    %and3A_2833 = arith.andi %get3A_2824, %and3A_2832 : i32
    %eq3A_2834 = vector.broadcast %and3A_2833 : i32 to vector<1x128xi32>
    %eq3A_2835 = arith.cmpi eq, %iota3A, %eq3A_2834 : vector<1x128xi32>
    %ne3A_2836 = arith.constant 0 : i32
    %ne3A_2837 = arith.cmpi ne, %get3A_2824, %ne3A_2836 : i32
    %and3A_2838 = vector.broadcast %ne3A_2837 : i1 to vector<1x128xi1>
    %and3A_2839 = arith.andi %eq3A_2835, %and3A_2838 : vector<1x128xi1>
    %jit3A_2840 = arith.constant 0.000000e+00 : f32
    %broadcast_in_dim3A_2841 = vector.broadcast %jit3A_2840 : f32 to vector<1x128xf32>
    %select_n3A_2842 = arith.select %and3A_2839, %get3A_2831, %broadcast_in_dim3A_2841 : vector<1x128xi1>, vector<1x128xf32>
    %add3A_2843 = arith.addf %add3A_2820, %select_n3A_2842 : vector<1x128xf32>
    %get3A_2844 = arith.constant 0 : index
    %get3A_2845 = arith.constant 123 : index
    %get3A_2846 = arith.constant 0 : index
    %get3A_2847 = memref.load %arg1[%get3A_2844, %get3A_2845, %get3A_2846] : memref<1x128x1xi32, #tpu.memory_space<smem>>
    %shift_right_arithmetic3A_2848 = arith.constant 7 : i32
    %shift_right_arithmetic3A_2849 = arith.shrsi %get3A_2847, %shift_right_arithmetic3A_2848 : i32
    %mul3A_2850 = arith.constant 128 : i32
    %mul3A_2851 = arith.muli %shift_right_arithmetic3A_2849, %mul3A_2850 : i32
    %get3A_2852 = arith.constant 123 : index
    %get3A_2853 = arith.index_cast %mul3A_2851 : i32 to index
    %get3A_2854 = vector.load %arg3[%get3A_2852, %get3A_2853] : memref<128x16384xf32, #tpu.memory_space<vmem>>, vector<1x128xf32>
    %and3A_2855 = arith.constant 127 : i32
    %and3A_2856 = arith.andi %get3A_2847, %and3A_2855 : i32
    %eq3A_2857 = vector.broadcast %and3A_2856 : i32 to vector<1x128xi32>
    %eq3A_2858 = arith.cmpi eq, %iota3A, %eq3A_2857 : vector<1x128xi32>
    %ne3A_2859 = arith.constant 0 : i32
    %ne3A_2860 = arith.cmpi ne, %get3A_2847, %ne3A_2859 : i32
    %and3A_2861 = vector.broadcast %ne3A_2860 : i1 to vector<1x128xi1>
    %and3A_2862 = arith.andi %eq3A_2858, %and3A_2861 : vector<1x128xi1>
    %jit3A_2863 = arith.constant 0.000000e+00 : f32
    %broadcast_in_dim3A_2864 = vector.broadcast %jit3A_2863 : f32 to vector<1x128xf32>
    %select_n3A_2865 = arith.select %and3A_2862, %get3A_2854, %broadcast_in_dim3A_2864 : vector<1x128xi1>, vector<1x128xf32>
    %add3A_2866 = arith.addf %add3A_2843, %select_n3A_2865 : vector<1x128xf32>
    %get3A_2867 = arith.constant 0 : index
    %get3A_2868 = arith.constant 124 : index
    %get3A_2869 = arith.constant 0 : index
    %get3A_2870 = memref.load %arg1[%get3A_2867, %get3A_2868, %get3A_2869] : memref<1x128x1xi32, #tpu.memory_space<smem>>
    %shift_right_arithmetic3A_2871 = arith.constant 7 : i32
    %shift_right_arithmetic3A_2872 = arith.shrsi %get3A_2870, %shift_right_arithmetic3A_2871 : i32
    %mul3A_2873 = arith.constant 128 : i32
    %mul3A_2874 = arith.muli %shift_right_arithmetic3A_2872, %mul3A_2873 : i32
    %get3A_2875 = arith.constant 124 : index
    %get3A_2876 = arith.index_cast %mul3A_2874 : i32 to index
    %get3A_2877 = vector.load %arg3[%get3A_2875, %get3A_2876] : memref<128x16384xf32, #tpu.memory_space<vmem>>, vector<1x128xf32>
    %and3A_2878 = arith.constant 127 : i32
    %and3A_2879 = arith.andi %get3A_2870, %and3A_2878 : i32
    %eq3A_2880 = vector.broadcast %and3A_2879 : i32 to vector<1x128xi32>
    %eq3A_2881 = arith.cmpi eq, %iota3A, %eq3A_2880 : vector<1x128xi32>
    %ne3A_2882 = arith.constant 0 : i32
    %ne3A_2883 = arith.cmpi ne, %get3A_2870, %ne3A_2882 : i32
    %and3A_2884 = vector.broadcast %ne3A_2883 : i1 to vector<1x128xi1>
    %and3A_2885 = arith.andi %eq3A_2881, %and3A_2884 : vector<1x128xi1>
    %jit3A_2886 = arith.constant 0.000000e+00 : f32
    %broadcast_in_dim3A_2887 = vector.broadcast %jit3A_2886 : f32 to vector<1x128xf32>
    %select_n3A_2888 = arith.select %and3A_2885, %get3A_2877, %broadcast_in_dim3A_2887 : vector<1x128xi1>, vector<1x128xf32>
    %add3A_2889 = arith.addf %add3A_2866, %select_n3A_2888 : vector<1x128xf32>
    %get3A_2890 = arith.constant 0 : index
    %get3A_2891 = arith.constant 125 : index
    %get3A_2892 = arith.constant 0 : index
    %get3A_2893 = memref.load %arg1[%get3A_2890, %get3A_2891, %get3A_2892] : memref<1x128x1xi32, #tpu.memory_space<smem>>
    %shift_right_arithmetic3A_2894 = arith.constant 7 : i32
    %shift_right_arithmetic3A_2895 = arith.shrsi %get3A_2893, %shift_right_arithmetic3A_2894 : i32
    %mul3A_2896 = arith.constant 128 : i32
    %mul3A_2897 = arith.muli %shift_right_arithmetic3A_2895, %mul3A_2896 : i32
    %get3A_2898 = arith.constant 125 : index
    %get3A_2899 = arith.index_cast %mul3A_2897 : i32 to index
    %get3A_2900 = vector.load %arg3[%get3A_2898, %get3A_2899] : memref<128x16384xf32, #tpu.memory_space<vmem>>, vector<1x128xf32>
    %and3A_2901 = arith.constant 127 : i32
    %and3A_2902 = arith.andi %get3A_2893, %and3A_2901 : i32
    %eq3A_2903 = vector.broadcast %and3A_2902 : i32 to vector<1x128xi32>
    %eq3A_2904 = arith.cmpi eq, %iota3A, %eq3A_2903 : vector<1x128xi32>
    %ne3A_2905 = arith.constant 0 : i32
    %ne3A_2906 = arith.cmpi ne, %get3A_2893, %ne3A_2905 : i32
    %and3A_2907 = vector.broadcast %ne3A_2906 : i1 to vector<1x128xi1>
    %and3A_2908 = arith.andi %eq3A_2904, %and3A_2907 : vector<1x128xi1>
    %jit3A_2909 = arith.constant 0.000000e+00 : f32
    %broadcast_in_dim3A_2910 = vector.broadcast %jit3A_2909 : f32 to vector<1x128xf32>
    %select_n3A_2911 = arith.select %and3A_2908, %get3A_2900, %broadcast_in_dim3A_2910 : vector<1x128xi1>, vector<1x128xf32>
    %add3A_2912 = arith.addf %add3A_2889, %select_n3A_2911 : vector<1x128xf32>
    %get3A_2913 = arith.constant 0 : index
    %get3A_2914 = arith.constant 126 : index
    %get3A_2915 = arith.constant 0 : index
    %get3A_2916 = memref.load %arg1[%get3A_2913, %get3A_2914, %get3A_2915] : memref<1x128x1xi32, #tpu.memory_space<smem>>
    %shift_right_arithmetic3A_2917 = arith.constant 7 : i32
    %shift_right_arithmetic3A_2918 = arith.shrsi %get3A_2916, %shift_right_arithmetic3A_2917 : i32
    %mul3A_2919 = arith.constant 128 : i32
    %mul3A_2920 = arith.muli %shift_right_arithmetic3A_2918, %mul3A_2919 : i32
    %get3A_2921 = arith.constant 126 : index
    %get3A_2922 = arith.index_cast %mul3A_2920 : i32 to index
    %get3A_2923 = vector.load %arg3[%get3A_2921, %get3A_2922] : memref<128x16384xf32, #tpu.memory_space<vmem>>, vector<1x128xf32>
    %and3A_2924 = arith.constant 127 : i32
    %and3A_2925 = arith.andi %get3A_2916, %and3A_2924 : i32
    %eq3A_2926 = vector.broadcast %and3A_2925 : i32 to vector<1x128xi32>
    %eq3A_2927 = arith.cmpi eq, %iota3A, %eq3A_2926 : vector<1x128xi32>
    %ne3A_2928 = arith.constant 0 : i32
    %ne3A_2929 = arith.cmpi ne, %get3A_2916, %ne3A_2928 : i32
    %and3A_2930 = vector.broadcast %ne3A_2929 : i1 to vector<1x128xi1>
    %and3A_2931 = arith.andi %eq3A_2927, %and3A_2930 : vector<1x128xi1>
    %jit3A_2932 = arith.constant 0.000000e+00 : f32
    %broadcast_in_dim3A_2933 = vector.broadcast %jit3A_2932 : f32 to vector<1x128xf32>
    %select_n3A_2934 = arith.select %and3A_2931, %get3A_2923, %broadcast_in_dim3A_2933 : vector<1x128xi1>, vector<1x128xf32>
    %add3A_2935 = arith.addf %add3A_2912, %select_n3A_2934 : vector<1x128xf32>
    %get3A_2936 = arith.constant 0 : index
    %get3A_2937 = arith.constant 127 : index
    %get3A_2938 = arith.constant 0 : index
    %get3A_2939 = memref.load %arg1[%get3A_2936, %get3A_2937, %get3A_2938] : memref<1x128x1xi32, #tpu.memory_space<smem>>
    %shift_right_arithmetic3A_2940 = arith.constant 7 : i32
    %shift_right_arithmetic3A_2941 = arith.shrsi %get3A_2939, %shift_right_arithmetic3A_2940 : i32
    %mul3A_2942 = arith.constant 128 : i32
    %mul3A_2943 = arith.muli %shift_right_arithmetic3A_2941, %mul3A_2942 : i32
    %get3A_2944 = arith.constant 127 : index
    %get3A_2945 = arith.index_cast %mul3A_2943 : i32 to index
    %get3A_2946 = vector.load %arg3[%get3A_2944, %get3A_2945] : memref<128x16384xf32, #tpu.memory_space<vmem>>, vector<1x128xf32>
    %and3A_2947 = arith.constant 127 : i32
    %and3A_2948 = arith.andi %get3A_2939, %and3A_2947 : i32
    %eq3A_2949 = vector.broadcast %and3A_2948 : i32 to vector<1x128xi32>
    %eq3A_2950 = arith.cmpi eq, %iota3A, %eq3A_2949 : vector<1x128xi32>
    %ne3A_2951 = arith.constant 0 : i32
    %ne3A_2952 = arith.cmpi ne, %get3A_2939, %ne3A_2951 : i32
    %and3A_2953 = vector.broadcast %ne3A_2952 : i1 to vector<1x128xi1>
    %and3A_2954 = arith.andi %eq3A_2950, %and3A_2953 : vector<1x128xi1>
    %jit3A_2955 = arith.constant 0.000000e+00 : f32
    %broadcast_in_dim3A_2956 = vector.broadcast %jit3A_2955 : f32 to vector<1x128xf32>
    %select_n3A_2957 = arith.select %and3A_2954, %get3A_2946, %broadcast_in_dim3A_2956 : vector<1x128xi1>, vector<1x128xf32>
    %add3A_2958 = arith.addf %add3A_2935, %select_n3A_2957 : vector<1x128xf32>
    %reduce_sum3A_2959 = vector.shape_cast %select_n3A : vector<128x1xf32> to vector<1x128x1xf32>
    %reduce_sum3A_2960 = arith.constant dense<0.000000e+00> : vector<1xf32>
    %reduce_sum3A_2961 = vector.multi_reduction <add>, %reduce_sum3A_2959, %reduce_sum3A_2960 [1, 2] : vector<1x128x1xf32> to vector<1xf32>
    %reduce_sum3A_2962 = vector.shape_cast %reduce_sum3A_2961 : vector<1xf32> to vector<1x1x1xf32>
    %reduce_sum3A_2963 = vector.extract %reduce_sum3A_2962[0, 0, 0] : f32 from vector<1x1x1xf32>
    %reduce_sum3A_2964 = vector.shape_cast %add3A_2958 : vector<1x128xf32> to vector<1x1x128xf32>
    %reduce_sum3A_2965 = arith.constant dense<0.000000e+00> : vector<1xf32>
    %reduce_sum3A_2966 = vector.multi_reduction <add>, %reduce_sum3A_2964, %reduce_sum3A_2965 [1, 2] : vector<1x1x128xf32> to vector<1xf32>
    %reduce_sum3A_2967 = vector.shape_cast %reduce_sum3A_2966 : vector<1xf32> to vector<1x1x1xf32>
    %reduce_sum3A_2968 = vector.extract %reduce_sum3A_2967[0, 0, 0] : f32 from vector<1x1x1xf32>
    %mul3A_2969 = arith.constant -0.899993896 : f32
    %mul3A_2970 = arith.mulf %mul3A_2969, %reduce_sum3A_2968 : f32
    %add3A_2971 = arith.addf %reduce_sum3A_2963, %mul3A_2970 : f32
    %reshape3A = vector.broadcast %add3A_2971 : f32 to vector<1x1xf32>
    %eq3A_2972 = arith.constant 0 : i32
    %eq3A_2973 = arith.cmpi eq, %arg0, %eq3A_2972 : i32
    %convert_element_type3A = arith.extui %eq3A_2973 : i1 to i32
    %cond3A = arith.constant 0 : i32
    %cond3A_2974 = arith.cmpi ne, %convert_element_type3A, %cond3A : i32
    scf.if %cond3A_2974 {
      %broadcast_in_dim3A_2981 = arith.constant 0.000000e+00 : f32
      %broadcast_in_dim3A_2982 = vector.broadcast %broadcast_in_dim3A_2981 : f32 to vector<1x1xf32>
      %swap3A_2983 = arith.constant 0 : index
      %swap3A_2984 = arith.constant 0 : index
      %swap3A_2985 = vector.load %arg4[%swap3A_2983, %swap3A_2984] : memref<1x1xf32, #tpu.memory_space<vmem>>, vector<1x1xf32>
      tpu.vector_store %arg4[%swap3A_2983, %swap3A_2984], %broadcast_in_dim3A_2982 {strides = array<i32>} : memref<1x1xf32, #tpu.memory_space<vmem>>, vector<1x1xf32>,
    } else {
    }
    %get3A_2975 = arith.constant 0 : index
    %get3A_2976 = arith.constant 0 : index
    %get3A_2977 = vector.load %arg4[%get3A_2975, %get3A_2976] : memref<1x1xf32, #tpu.memory_space<vmem>>, vector<1x1xf32>
    %add3A_2978 = arith.addf %get3A_2977, %reshape3A : vector<1x1xf32>
    %swap3A = arith.constant 0 : index
    %swap3A_2979 = arith.constant 0 : index
    %swap3A_2980 = vector.load %arg4[%swap3A, %swap3A_2979] : memref<1x1xf32, #tpu.memory_space<vmem>>, vector<1x1xf32>
    tpu.vector_store %arg4[%swap3A, %swap3A_2979], %add3A_2978 {strides = array<i32>} : memref<1x1xf32, #tpu.memory_space<vmem>>, vector<1x1xf32>,
    return
  }
  func.func @transform_0(%arg0: i32) -> (i32, i32, i32) {
    %c0_i32 = arith.constant 0 : i32
    %c0_i32_0 = arith.constant 0 : i32
    %c0_i32_1 = arith.constant 0 : i32
    return %arg0, %c0_i32, %c0_i32_0 : i32, i32, i32
  }
  func.func @transform_1(%arg0: i32) -> (i32, i32, i32) {
    %c0_i32 = arith.constant 0 : i32
    %c0_i32_0 = arith.constant 0 : i32
    %c0_i32_1 = arith.constant 0 : i32
    return %arg0, %c0_i32, %c0_i32_0 : i32, i32, i32
  }
  func.func @transform_2(%arg0: i32) -> (i32, i32) {
    %c0_i32 = arith.constant 0 : i32
    %c0_i32_0 = arith.constant 0 : i32
    return %arg0, %c0_i32 : i32, i32
  }
  func.func @transform_3(%arg0: i32) -> (i32, i32) {
    %c0_i32 = arith.constant 0 : i32
    %c0_i32_0 = arith.constant 0 : i32
    %c0_i32_1 = arith.constant 0 : i32
    return %c0_i32, %c0_i32_0 : i32, i32
  }
}

</mosaic_0001>

<sc_bundles>
// kernel: kernel.4.cloned.1.call-start
scs
__scs_entry_jumppad:
0x0: {  	(pc) =	sbr.rel $0x88, $3  }
0x1: {  	(tag) =	ssettag $0x0;
	lr =	simm.s32 $0x1  }
0x2: {  	[smem:$0x3F9F] =	sst lr;
	_ =	strace $0xD0000000  }
0x3: {  	_ = 	snop  }
0x4: {  	_ = 	snop  }
0x5: {  	_ = 	snop  }
0x6: {  	_ = 	snop  }
0x7: {  	_ = 	snop  }
__scs_overlays_trampoline_lowered:
0x8: {  	[smem:$0x3FAE] =	sst s0  }
0x9: {  	[smem:$0x3FAF] =	sst s1  }
0xa: {  	[smem:$0x3FB0] =	sst s2  }
0xb: {  	[smem:$0x3FB1] =	sst s3  }
0xc: {  	[smem:$0x3FB2] =	sst s4  }
0xd: {  	[smem:$0x3FB3] =	sst s5  }
0xe: {  	[smem:$0x3FB4] =	sst s6  }
0xf: {  	[smem:$0x3FB5] =	sst s7  }
0x10: {  	[smem:$0x3FB6] =	sst s8  }
0x11: {  	[smem:$0x3FB7] =	sst s9;
	s0 =	simm.s32 @!p0 $0x0  }
0x12: {  	s1 =	sld [smem:$0x3F9D];
	s0 =	simm.s32 @p0 $0x1  }
0x13: {  	[smem:$0x3FB8] =	sst s0;
	s0 =	simm.s32 @!p1 $0x0  }
0x14: {  	s2 =	sld [smem:$0x3F9C];
	s0 =	simm.s32 @p1 $0x1  }
0x15: {  	[smem:$0x3FB9] =	sst s0;
	s0 =	simm.s32 @!p2 $0x0  }
0x16: {  	s3 =	sld [smem:$0x3FDB];
	s0 =	simm.s32 @p2 $0x1  }
0x17: {  	s4 =	simm.s32 $0x1BF5;
	[smem:$0x3FBB] =	sst s0  }
0x18: {  	s0 =	sld [smem:$0x3F9E];
	_ =	swait.ge [sflag:s4], $0x0  }
0x19: {  	s7 =	sld [smem:$0x3F9F]  }
0x1a: {  	s8 =	sadd.s32 $0xFFFFE003, lr  }
0x1b: {  	s9 =	sadd.s32 $0xFFFFFEF7, lr;
	s5 =	simm.s32 $0xFFFFFFFF;
	p2 =	slt.u32 s8, $0xFFFFF086  }
0x1c: {  	p1 =	slt.u32 s9, $0xF7A;
	s5 =	simm.s32 @!p2 $0x0  }
0x1d: {  	s5 =	simm.s32 @p1 $0x1;
	p0 =	seq.s32 s7, s2  }
0x1e: {  	s7 =	smul.u32 @!p0 $0xF7A, s2;
	p2 =	seq.s32 @!p0 s5, $0x0  }
0x1f: {  	s9 =	smul.u32 $0xF7A, s1;
	s8 =	simm.s32 @!p0 $0x1BF5;
	p2 =	por !p2, p0  }
0x20: {  	[sflag:s8] =	ssyncset.s32 @!p0 $0xFFFFF086;
	s6 =	sadd.s32 @!p0 s3, s7;
	s7 =	simm.s32 @!p0 $0x108  }
0x21: {  	s3 =	sadd.s32 s3, s9;
	s6 =	sadd.s32 @!p0 $0x88, s6;
	s7 =	simm.s32 @p2 $0x1082  }
0x22: {  	[simem:s7], [sflag:s8] =	dma.local @!p0 [hbm:s6], $0xF7A  }
0x23: {  	s9 =	sor.u32 $0xD0000000, s2;
	s6 =	simm.s32 $0x108;
	_ =	swait.ge @!p0 [sflag:s8], $0x0  }
0x24: {  	s3 =	sadd.s32 $0x88, s3;
	s6 =	simm.s32 @!p1 $0x1082;
	[sflag:s4] =	ssyncset.s32 $0xFFFFF086  }
0x25: {  	[simem:s6], [sflag:s4] =	dma.local [hbm:s3], $0xF7A  }
0x26: {  	[smem:$0x3F9F] =	sst s1;
	(tag) =	ssettag s2;
	_ =	strace s9  }
0x27: {  	s1 =	sld [smem:$0x3FAF]  }
0x28: {  	s2 =	sld [smem:$0x3FB0]  }
0x29: {  	s4 =	sld [smem:$0x3FB2]  }
0x2a: {  	p0 =	seq.s32 s5, $0x0;
	s5 =	sld [smem:$0x3FB3]  }
0x2b: {  	s6 =	sld [smem:$0x3FB4]  }
0x2c: {  	s7 =	sld [smem:$0x3FB5]  }
0x2d: {  	s3 =	simm.s32 $0x108;
	s8 =	sld [smem:$0x3FB6]  }
0x2e: {  	s3 =	simm.s32 @!p0 $0x1082;
	s9 =	sld [smem:$0x3FB7]  }
0x2f: {  	lr =	sadd.s32 s0, s3;
	s0 =	sld [smem:$0x3FAE]  }
0x30: {  	s3 =	sld [smem:$0x3FB1]  }
0x31: {  	[smem:$0x3FBA] =	sst s10  }
0x32: {  	s10 =	sld [smem:$0x3FB8];
	_ =	sdelay $0x3  }
0x33: {  	p0 =	seq.s32 s10, $0x1;
	s10 =	sld [smem:$0x3FBA];
	_ =	sdelay $0x3  }
0x34: {  	[smem:$0x3FBA] =	sst s10  }
0x35: {  	s10 =	sld [smem:$0x3FB9];
	_ =	sdelay $0x3  }
0x36: {  	p1 =	seq.s32 s10, $0x1;
	s10 =	sld [smem:$0x3FBA];
	_ =	sdelay $0x3  }
0x37: {  	[smem:$0x3FBA] =	sst s10  }
0x38: {  	s10 =	sld [smem:$0x3FBB]  }
0x39: {  	_ = 	snop;
	(pc) =	sbr.ind lr, $3  }
0x3a: {  	_ = 	snop  }
0x3b: {  	_ = 	snop  }
0x3c: {  	p2 =	seq.s32 s10, $0x1;
	s10 =	sld [smem:$0x3FBA]  }
0x3d: {  	_ =	shalt  }
0x3e: {  	_ =	shalt  }
0x3f: {  	_ =	shalt  }
0x40: {  	_ =	shalt  }
0x41: {  	_ =	shalt  }
0x42: {  	_ =	shalt  }
0x43: {  	_ =	shalt  }
0x44: {  	_ =	shalt  }
0x45: {  	_ =	shalt  }
0x46: {  	_ =	shalt  }
0x47: {  	_ =	shalt  }
0x48: {  	_ =	shalt  }
0x49: {  	_ =	shalt  }
0x4a: {  	_ =	shalt  }
0x4b: {  	_ =	shalt  }
0x4c: {  	_ =	shalt  }
0x4d: {  	_ =	shalt  }
0x4e: {  	_ =	shalt  }
0x4f: {  	_ =	shalt  }
0x50: {  	_ =	shalt  }
0x51: {  	_ =	shalt  }
0x52: {  	_ =	shalt  }
0x53: {  	_ =	shalt  }
0x54: {  	_ =	shalt  }
0x55: {  	_ =	shalt  }
0x56: {  	_ =	shalt  }
0x57: {  	_ =	shalt  }
0x58: {  	_ =	shalt  }
0x59: {  	_ =	shalt  }
0x5a: {  	_ =	shalt  }
0x5b: {  	_ =	shalt  }
0x5c: {  	_ =	shalt  }
0x5d: {  	_ =	shalt  }
0x5e: {  	_ =	shalt  }
0x5f: {  	_ =	shalt  }
0x60: {  	_ =	shalt  }
0x61: {  	_ =	shalt  }
0x62: {  	_ =	shalt  }
0x63: {  	_ =	shalt  }
0x64: {  	_ =	shalt  }
0x65: {  	_ =	shalt  }
0x66: {  	_ =	shalt  }
0x67: {  	_ =	shalt  }
0x68: {  	_ =	shalt  }
0x69: {  	_ =	shalt  }
0x6a: {  	_ =	shalt  }
0x6b: {  	_ =	shalt  }
0x6c: {  	_ =	shalt  }
0x6d: {  	_ =	shalt  }
0x6e: {  	_ =	shalt  }
0x6f: {  	_ =	shalt  }
0x70: {  	_ =	shalt  }
0x71: {  	_ =	shalt  }
0x72: {  	_ =	shalt  }
0x73: {  	_ =	shalt  }
0x74: {  	_ =	shalt  }
0x75: {  	_ =	shalt  }
0x76: {  	_ =	shalt  }
0x77: {  	_ =	shalt  }
0x78: {  	_ =	shalt  }
0x79: {  	_ =	shalt  }
0x7a: {  	_ =	shalt  }
0x7b: {  	_ =	shalt  }
0x7c: {  	_ =	shalt  }
0x7d: {  	_ =	shalt  }
0x7e: {  	_ =	shalt  }
0x7f: {  	_ =	shalt  }
0x80: {  	_ =	shalt  }
0x81: {  	_ =	shalt  }
0x82: {  	_ =	shalt  }
0x83: {  	_ =	shalt  }
0x84: {  	_ =	shalt  }
0x85: {  	_ =	shalt  }
0x86: {  	_ =	shalt  }
0x87: {  	_ =	shalt  }
.Lfunc_end0:
.L_simem_size_0:
called_computation_lowered:
.L_overlay_start_0:
0x88: {  	s2 =	sld [smem:$0x3FD9]  }
0x89: {  	s3 =	sld [smem:$0x3FFE];
	_ =	sdelay $0x1  }
0x8a: {  	s1 =	srdreg.scid  }
0x8b: {  	s0 =	sand.u32 $0x1, s1  }
0x8c: {  	s17 =	sshll.u32 s0, $0xA;
	s2 =	sadd.s32 s3, s2  }
0x8d: {  	s2 =	sadd.s32 s2, s17  }
0x8e: {  	[smem:$0x3FC6] =	sst s2  }
0x8f: {  	_ = 	snop  }
0x90: {  	s2 =	sld [smem:$0x3FC8];
	(tm) =	ssettm $0x1  }
0x91: {  	s18 =	sld [smem:$0x3FFB];
	_ =	sdelay $0x3  }
0x92: {  	_ =	strace s18  }
0x93: {  	s3 =	sld [smem:$0x3FFC];
	_ =	sdelay $0x3  }
0x94: {  	_ =	strace s3  }
0x95: {  	s3 =	sld [smem:$0x3FFD];
	_ =	sdelay $0x3  }
0x96: {  	_ =	strace s3  }
0x97: {  	_ =	strace $0x8FFFFFFF  }
0x98: {  	s19 =	sld [smem:$0x3FDB];
	_ =	sdelay $0x1  }
0x99: {  	s4 =	simm.s32 $_scs_section_size  }
0x9a: {  	s5 =	simm.s32 $_size__tile_overlayer_lowered;
	s6 =	simm.s32 $_tile_overlayer_lowered  }
0x9b: {  	s22 =	simm.s32 $0x1BFF;
	s21 =	sshll.u32 s6, $0x1;
	s3 =	sadd.s32 s4, s19  }
0x9c: {  	s7 =	simm.s32 $0x0;
	s20 =	sshll.u32 s5, $0x1;
	s5 =	sadd.s32 s21, s3  }
0x9d: {  	[timem:s7], [sflag:s22] =	dma.local [hbm:s5], s20  }
0x9e: {  	_ =	swait.ge [sflag:s22], s20  }
0x9f: {  	s4 =	ssub.s32 $0x0, s20;
	[sflag:s22] =	ssyncset.done $0x0  }
0xa0: {  	[sflag:s22] =	ssyncadd.s32 s4;
	_ =	sdelay $0x1  }
0xa1: {  	s23 =	simm.s32 $0x1B8B  }
0xa2: {  	_ =	swait.ge [sflag:s23], $0x1  }
0xa3: {  	[sflag:s23] =	ssyncset.done $0x0  }
0xa4: {  	s25 =	simm.s32 $0x1B8E;
	s24 =	sld [smem:$0x3FFE];
	[sflag:s23] =	ssyncadd.s32 $0xFFFFFFFF  }
0xa5: {  	s26 =	simm.s32 $execute0_lowered;
	[smem:$0x3FD2] =	sst s25  }
0xa6: {  	s5 =	sshll.u32 s26, $0x1;
	_ =	strace $0x80000046;
	[dreg:$0x1] =	wrdreg $0xFFFFFFFF  }
0xa7: {  	s28 =	simm.s32 $_size_execute0_lowered;
	s3 =	sadd.s32 s3, s5;
	[dreg:$0x0] =	wrdreg $0x0  }
0xa8: {  	s5 =	sshll.u32 s28, $0x1;
	[dreg:$0x2] =	wrdreg s3  }
0xa9: {  	[dreg:$0x3] =	wrdreg s5  }
0xaa: {  	[dreg:$0x4] =	wrdreg $0xC0  }
0xab: {  	_ =	task [dreg:s7], $0x5FFFF  }
0xac: {  	[dreg:$0x1] =	wrdreg $0xFFFFFFFF  }
0xad: {  	[dreg:$0x0] =	wrdreg $0x60  }
0xae: {  	[dreg:$0x2] =	wrdreg s2  }
0xaf: {  	[dreg:$0x3] =	wrdreg s24  }
0xb0: {  	[dreg:$0x4] =	wrdreg $0x9  }
0xb1: {  	_ =	task.clear_ibuf [dreg:s7], $0x5FFFF;
	_ =	strace $0x90000046  }
0xb2: {  	s29 =	simm.s32 $0x9;
	_ =	strace $0x80000048  }
0xb3: {  	_ =	swait.ge [sflag:s29], $0x1  }
0xb4: {  	[sflag:s29] =	ssyncadd.s32 $0xFFFFFFFF  }
0xb5: {  	_ =	strace $0x90000048  }
0xb6: {  	_ =	sfence  }
0xb7: {  	s30 =	sld [smem:$0x0];
	_ =	sdelay $0x2  }
0xb8: {  	s31 =	sshll.u32 s1, $0xD;
	s1 =	sshrl.u32 s1, $0x2  }
0xb9: {  	s3 =	sand.u32 $0x4000, s31;
	s1 =	sadd.s32 s1, s30  }
0xba: {  	s0 =	sor.u32 s3, s0;
	s1 =	sshll.u32 s1, $0x11  }
0xbb: {  	s0 =	sor.u32 s1, s0  }
0xbc: {  	s0 =	sadd.s32 $0x8F2B, s0  }
0xbd: {  	[sflag:s0] =	ssyncadd.remote.s32 $0x1  }
0xbe: {  	_ =	sfence.sel $0xFFFF  }
0xbf: {  	[dreg:$0x0] =	wrdreg $0xFFFFFFFF;
	(pc) =	sbr.abs _section_cstart, $3  }
0xc0: {  	[dreg:$0x1] =	wrdreg $0xFFFFFFFF  }
0xc1: {  	_ =	task.clear_ibuf [dreg:s7], $0x2FFFF;
	_ =	strace $0x9FFFFFFF  }
0xc2: {  	(tm) =	ssettm $0x7FFFFFFF  }
0xc3: {  	_ =	shalt  }
tec
execute0_lowered:
.L_overlay_start_1:
0x0: {  	(tag) =	ssettag $0x1  }
0x1: {  	s3 =	rddreg [dreg:$0x0]  }
0x2: {  	s1 =	srdreg.scid;
	s0 =	stileid.u32  }
0x3: {  	s5 =	rddreg [dreg:$0x1];
	s6 =	sand.u32 $0x1, s1;
	s4 =	sshll.u32 s0, $0x1  }
0x4: {  	s2 =	simm.s32 $0x0;
	s1 =	rddreg [dreg:$0x2];
	s7 =	sor.u32 s6, s4  }
0x5: {  	[smem:$0x7FF] =	sst s2;
	s4 =	sshll.u32 s7, $0x4  }
0x6: {  	_ =	strace $0x80000047;
	s4 =	sadd.s32 s3, s4;
	s3 =	simm.s32 $0x1  }
0x7: {  	[tilespmem:s2], [sflag:$0x1] =	stream.linear.gather [hbm4b:s4+s2], $0x80, $0x38;
	[tilespmem:$0x100] =	vst v63  }
0x8: {  	_ =	swait.ge [sflag:s3], $0x80  }
0x9: {  	[sflag:s3] =	ssyncset.done $0x0  }
0xa: {  	[sflag:s3] =	ssyncadd.s32 $0xFFFFFF80  }
0xb: {  	v1 =	vld [tilespmem:$0x0]  }
0xc: {  	v2 =	vld [tilespmem:$0x10];
	_ =	sdelay $0x1  }
0xd: {  	v3 =	vld [tilespmem:$0x20];
	_ =	sdelay $0x1  }
0xe: {  	v4 =	vld [tilespmem:$0x30]  }
0xf: {  	v0 =	vimm.f32 $-1.295476790e+00;
	vm0 =	veq.s32 v1, $0x0;
	vm1 =	veq.s32 v2, $0x0  }
0x10: {  	v1 =	vld [tilespmem:$0x40];
	v2 =	vsel vm0, $0x0, v0;
	v5 =	vsel vm1, $0x0, v0  }
0x11: {  	vm10 =	veq.s32 v3, $0x0;
	v2 =	vadd.f32 v5, v2  }
0x12: {  	v3 =	vld [tilespmem:$0x50];
	v60 =	vsel vm10, $0x0, v0  }
0x13: {  	vm11 =	veq.s32 v4, $0x0;
	v2 =	vadd.f32 v60, v2  }
0x14: {  	v61 =	vld [tilespmem:$0x60];
	v62 =	vsel vm11, $0x0, v0  }
0x15: {  	vm12 =	veq.s32 v1, $0x0;
	v1 =	vadd.f32 v62, v2  }
0x16: {  	v2 =	vld [tilespmem:$0x70];
	v63 =	vsel vm12, $0x0, v0  }
0x17: {  	vm13 =	veq.s32 v3, $0x0;
	v1 =	vadd.f32 v63, v1  }
0x18: {  	s6 =	ssub.s32 $0x2, s6;
	v3 =	vsel vm13, $0x0, v0  }
0x19: {  	s8 =	sshrl.u32 s6, $0x1;
	vm14 =	veq.s32 v61, $0x0;
	v1 =	vadd.f32 v3, v1  }
0x1a: {  	s6 =	ssub.s32 s6, s8;
	v3 =	vsel vm14, $0x0, v0  }
0x1b: {  	s31 =	smax.u32 s6, $0x1;
	vm15 =	veq.s32 v2, $0x0;
	v1 =	vadd.f32 v3, v1  }
0x1c: {  	p0 =	sne.s32 s31, $0x1;
	v2 =	vsel vm15, $0x0, v0  }
.Ltmp0:
0x1d: {  	v1 =	vadd.f32 v2, v1;
	(pc) =	sbr.rel @!p0 .LBB2_2-.Ltmp0, $4  }
0x1e: {  	s7 =	sshll.u32 s7, $0x1  }
0x1f: {  	s5 =	sadd.s32 s5, s7;
	s6 =	simm.s32 $0x80;
	[tilespmem:$0x80] =	vst v1  }
0x20: {  	[hbm4b:s5+s2] =	stream.linear.scatter [tilespmem:s6], [sflag:$0x1], $0x10, $0x38;
	[tilespmem:$0x100] =	vst v63  }
0x21: {  	s7 =	sadd.s32 $0xFFFFFFFF, s31;
	_ =	swait.ge [sflag:s3], $0x10  }
.LBB2_1:
0x22: {  	p0 =	sne.s32 s7, $0x1;
	s7 =	sadd.s32 $0xFFFFFFFF, s7;
	[sflag:s3] =	ssyncset.done $0x0  }
0x23: {  	[sflag:s3] =	ssyncadd.s32 $0xFFFFFFF0  }
0x24: {  	[tilespmem:s2], [sflag:$0x1] =	stream.linear.gather [hbm4b:s4+s2], $0x80, $0x38;
	[tilespmem:$0x100] =	vst v63  }
0x25: {  	_ =	swait.ge [sflag:s3], $0x80  }
0x26: {  	[sflag:s3] =	ssyncset.done $0x0  }
0x27: {  	[sflag:s3] =	ssyncadd.s32 $0xFFFFFF80  }
0x28: {  	v1 =	vld [tilespmem:$0x0]  }
0x29: {  	v2 =	vld [tilespmem:$0x10]  }
0x2a: {  	v3 =	vld [tilespmem:$0x20]  }
0x2b: {  	v4 =	vld [tilespmem:$0x30]  }
0x2c: {  	v5 =	vld [tilespmem:$0x40]  }
0x2d: {  	vm0 =	veq.s32 v1, $0x0;
	v1 =	vld [tilespmem:$0x50]  }
0x2e: {  	v6 =	vsel vm0, $0x0, v0;
	vm0 =	veq.s32 v2, $0x0;
	v2 =	vld [tilespmem:$0x60]  }
0x2f: {  	v7 =	vsel vm0, $0x0, v0;
	vm0 =	veq.s32 v3, $0x0;
	v3 =	vld [tilespmem:$0x70]  }
0x30: {  	v6 =	vadd.f32 v7, v6;
	v7 =	vsel vm0, $0x0, v0;
	vm0 =	veq.s32 v4, $0x0  }
0x31: {  	vm1 =	veq.s32 v5, $0x0  }
0x32: {  	v5 =	vsel vm0, $0x0, v0;
	v4 =	vadd.f32 v7, v6;
	vm0 =	veq.s32 v1, $0x0  }
0x33: {  	vm2 =	veq.s32 v2, $0x0  }
0x34: {  	v2 =	vsel vm1, $0x0, v0;
	v1 =	vadd.f32 v5, v4;
	vm1 =	veq.s32 v3, $0x0;
	_ =	sdelay $0x1  }
0x35: {  	v1 =	vadd.f32 v2, v1;
	v2 =	vsel vm0, $0x0, v0;
	_ =	sdelay $0x1  }
0x36: {  	v1 =	vadd.f32 v2, v1;
	v2 =	vsel vm2, $0x0, v0;
	_ =	sdelay $0x1  }
0x37: {  	v1 =	vadd.f32 v2, v1;
	v2 =	vsel vm1, $0x0, v0;
	_ =	sdelay $0x1  }
.Ltmp1:
0x38: {  	v1 =	vadd.f32 v2, v1;
	(pc) =	sbr.rel @p0 .LBB2_1-.Ltmp1, $4  }
0x39: {  	_ = 	snop  }
0x3a: {  	[tilespmem:$0x80] =	vst v1  }
0x3b: {  	[hbm4b:s5+s2] =	stream.linear.scatter [tilespmem:s6], [sflag:$0x1], $0x10, $0x38;
	[tilespmem:$0x100] =	vst v63  }
0x3c: {  	_ =	swait.ge [sflag:s3], $0x10  }
.LBB2_2:
0x3d: {  	[sflag:s3] =	ssyncset.done $0x0  }
0x3e: {  	[sflag:s3] =	ssyncadd.s32 $0xFFFFFFF0  }
0x3f: {  	_ =	sfence.sel $0x180000  }
0x40: {  	[bflag:$0x0] =	sbarrier.arrive $0xFFFF  }
0x41: {  	p0 =	sne.s32 s0, $0x0;
	_ =	strace $0x90000047  }
0x42: {  	s0 =	sadd.s32 @!p0 $0x100000, s1;
	[bflag:$0x2] =	sbarrier.arrive $0xFFFF  }
0x43: {  	[sflag:s0] =	ssyncadd.tile.s32 @!p0 $0x1;
	_ =	shalt  }
.Lfunc_end2:
_tile_overlayer_lowered:
.L_overlay_start_2:
0x44: {  	(tag) =	ssettag $0x2  }
0x45: {  	s0 =	rddreg [dreg:$0x0];
	s2 =	stileid.u32  }
0x46: {  	s1 =	rddreg [dreg:$0x1];
	p0 =	sne.s32 s2, $0x0  }
0x47: {  	s3 =	rddreg [dreg:$0x2];
	[bflag:$0x3] =	sbarrier.arrive $0xFFFF;
	s2 =	simm.s32 @!p0 $0x1C01  }
0x48: {  	[timem:s3], [sflag:s2] =	dma.local @!p0 [hbm:s0], s1  }
0x49: {  	s0 =	simm.s32 @!p0 $0x1  }
0x4a: {  	_ =	swait.ge @!p0 [sflag:s0], s1  }
0x4b: {  	s1 =	ssub.s32 @!p0 $0x0, s1;
	[sflag:s0] =	ssyncset.done @!p0 $0x0  }
0x4c: {  	[sflag:s0] =	ssyncadd.s32 @!p0 s1  }
0x4d: {  	[bflag:$0x3] =	sbarrier.arrive $0xFFFF  }
0x4e: {  	_ =	shalt  }

</sc_bundles>
